<compile_context>
chip_gen: v7x
topology: tpu7x:2x2x1
jax: 0.10.2.dev20260603
libtpu: 0.0.44.dev20260713+nightly
codegen_flags: <defaults>
</compile_context>

<pallas_src>
import functools

import jax
import jax.numpy as jnp
from jax import lax
from jax.experimental import pallas as pl
from jax.experimental.pallas import tpu as pltpu
from jax.experimental.pallas import tpu_sc as plsc

N = 10000
E = 320000
D = 128
NC, NS, L = 2, 16, 16
NW = NC * NS
N_PAD = 10240
RPT = N_PAD // NS
HC = 125
FCW = 2 * E // (NW * HC)
C = 64
EW = E // NW
EPW = 10240
CW = EPW // C
G = 16
NG = CW // G

_mesh = plsc.VectorSubcoreMesh(core_axis_name="c", subcore_axis_name="s")


@functools.partial(
    pl.kernel,
    out_type=jax.ShapeDtypeStruct((NC, N_PAD), jnp.float32),
    mesh=_mesh,
    scratch_types=[
        pltpu.VMEM((FCW, HC), jnp.int32),
        pltpu.VMEM((128,), jnp.float32),
        pltpu.VMEM((RPT,), jnp.float32),
        pltpu.VMEM_SHARED((N_PAD,), jnp.float32),
    ],
)
def _degree_kernel(idx_hbm, hist_hbm, idx_v, ones_v, stage_v, hist_sh):
    cid = lax.axis_index("c")
    sid = lax.axis_index("s")
    wid = cid * NS + sid
    for k in range(128 // L):
        ones_v[pl.ds(k * L, L)] = jnp.ones((L,), jnp.float32)
    for k in range(RPT // L):
        stage_v[pl.ds(k * L, L)] = jnp.zeros((L,), jnp.float32)
    pltpu.sync_copy(stage_v, hist_sh.at[pl.ds(sid * RPT, RPT)])
    plsc.subcore_barrier()
    pltpu.sync_copy(idx_hbm.at[wid], idx_v)

    @pl.loop(0, FCW)
    def _chunk(j):
        pltpu.sync_copy(ones_v.at[pl.ds(0, HC)], hist_sh.at[idx_v.at[j]],
                        add=True)

    plsc.subcore_barrier()
    pltpu.sync_copy(hist_sh.at[pl.ds(sid * RPT, RPT)], stage_v)
    pltpu.sync_copy(stage_v, hist_hbm.at[cid, pl.ds(sid * RPT, RPT)])


def _prescale_body(h_ref, x_ref, isd_ref, y_ref):
    deg = h_ref[0] + h_ref[1]
    isd = lax.rsqrt(jnp.maximum(deg, 1.0))[:N]
    isd_ref[...] = isd
    y_ref[:N] = x_ref[...] * isd
    y_ref[N:] = jnp.zeros((N_PAD - N, D), jnp.float32)


@functools.partial(
    pl.kernel,
    out_type=jax.ShapeDtypeStruct((NC, N_PAD, D), jnp.float32),
    mesh=_mesh,
    scratch_types=[
        pltpu.VMEM((G, C), jnp.int32),
        pltpu.VMEM((G, C), jnp.int32),
        [pltpu.VMEM((C, D), jnp.float32)] * 4,
        [pltpu.SemaphoreType.DMA] * 4,
        [pltpu.SemaphoreType.DMA] * 4,
        pltpu.VMEM_SHARED((N_PAD, D), jnp.float32),
    ],
)
def _spmm_kernel(y_hbm, ei_hbm, z_hbm, out_hbm,
                 e0g, e1g, rows, gs, ss, acc):
    cid = lax.axis_index("c")
    sid = lax.axis_index("s")
    wid = cid * NS + sid
    base = sid * RPT
    for j in range(RPT // 128):
        pltpu.sync_copy(z_hbm, acc.at[pl.ds(base + j * 128, 128)])
    plsc.subcore_barrier()

    def gref(i, c):
        return (e1g if i % 2 == 0 else e0g).at[c]

    def sref(i, c):
        return (e0g if i % 2 == 0 else e1g).at[c]

    def ring_body(m, last):
        sds = []
        for i in range(4):
            c = 2 * m + i // 2
            pltpu.make_async_copy(y_hbm.at[gref(i, c)], rows[i], gs[i]).wait()
            sds.append(pltpu.async_copy(rows[i], acc.at[sref(i, c)], ss[i],
                                        add=True))
        for i in range(4):
            sds[i].wait()
            if not last:
                cn = 2 * (m + 1) + i // 2
                pltpu.async_copy(y_hbm.at[gref(i, cn)], rows[i], gs[i])

    @pl.loop(0, NG)
    def _group(g):
        pltpu.sync_copy(ei_hbm.at[0, wid, pl.ds(g * G, G)], e0g)
        pltpu.sync_copy(ei_hbm.at[1, wid, pl.ds(g * G, G)], e1g)
        for i in range(4):
            pltpu.async_copy(y_hbm.at[gref(i, i // 2)], rows[i], gs[i])

        @pl.loop(0, G // 2 - 1)
        def _steady(m):
            ring_body(m, last=False)

        ring_body(G // 2 - 1, last=True)

    plsc.subcore_barrier()
    DR = 40
    rbuf = rows[0].at[pl.ds(0, DR)]
    for j in range(RPT // DR):
        pltpu.sync_copy(acc.at[pl.ds(base + j * DR, DR)], rbuf)
        pltpu.sync_copy(rbuf, out_hbm.at[cid, pl.ds(base + j * DR, DR)])


def _combine_body(p_ref, c_ref, o_ref):
    o_ref[...] = (p_ref[0, :N, :] + p_ref[1, :N, :]) * c_ref[...]


def kernel(x, edge_index):
    idx_flat = edge_index.reshape(NW, FCW, HC)

    ew = edge_index.reshape(2, NW, EW)
    pidx = jnp.arange(240, dtype=jnp.int32)[None, :]
    wrot = (jnp.arange(NW, dtype=jnp.int32) * 15)[:, None]
    pad = jnp.broadcast_to(N + (pidx + wrot) % (N_PAD - N), (2, NW, 240))
    ei = jnp.concatenate([ew, pad], axis=2).reshape(2, NW, CW, C)

    hist = _degree_kernel(idx_flat)

    isd_col, y = pl.pallas_call(
        _prescale_body,
        out_shape=(
            jax.ShapeDtypeStruct((N, 1), jnp.float32),
            jax.ShapeDtypeStruct((N_PAD, D), jnp.float32),
        ),
    )(hist.reshape(NC, N_PAD, 1), x)

    zrows = jnp.zeros((128, D), jnp.float32)
    part = _spmm_kernel(y, ei, zrows)

    out = pl.pallas_call(
        _combine_body,
        out_shape=jax.ShapeDtypeStruct((N, D), jnp.float32),
    )(part, isd_col)
    return out

# --- scband reference (transcript-rebuilt; emitter-appended) ---
"""Pipeline reference for scband-sparse-prop-67284957659449 (READ-ONLY COPY).

The authoritative reference and input builder live on the scoring server;
editing this copy changes nothing except your own understanding.
"""

import jax, jax.numpy as jnp
import numpy as np

N_NODES = 10000
N_EDGES = 320000
D_FEAT = 128


def setup_inputs(seed: int = 0) -> dict:
    key = jax.random.key(seed)
    k1, k2 = jax.random.split(key)
    x = jax.random.normal(k1, (N_NODES, D_FEAT), dtype=jnp.float32)
    edge_index = jax.random.randint(k2, (2, N_EDGES), 0, N_NODES, dtype=jnp.int32)
    return {"x": x, "edge_index": edge_index}


def reference(x, edge_index):
    # Symmetrize: idx = cat([edge_index, edge_index.flip(0)], dim=1)
    idx = jnp.concatenate([edge_index, edge_index[::-1, :]], axis=1)
    src = idx[0]
    dst = idx[1]
    # Degree via bincount on row indices, clamp(min=1)
    deg = jnp.bincount(src, minlength=N_NODES, length=N_NODES).astype(jnp.float32)
    deg = jnp.maximum(deg, 1.0)
    di = jax.lax.rsqrt(deg[src])
    dj = jax.lax.rsqrt(deg[dst])
    val = di * dj
    # Sparse A @ x as gather (x[dst]) + scale + scatter-add into rows src
    gathered = x[dst] * val[:, None]
    out = jnp.zeros((N_NODES, D_FEAT), dtype=x.dtype).at[src].add(gathered)
    return out

if __name__ == "__main__":
    import jax
    _d = setup_inputs()
    print(jax.jit(kernel)(*tuple(_d.values())))

</pallas_src>

<mosaic_0001>
#map = affine_map<(d0, d1) -> (0, 0)>
#map1 = affine_map<(d0, d1) -> (0, 0, 0, 0)>
#map2 = affine_map<(d0, d1) -> (0, 0, 0)>
module attributes {stable_mosaic.version = 14 : i64} {
  func.func @_spmm_kernel(%arg0: i32, %arg1: i32, %arg2: memref<10240x128xf32, #tpu.memory_space<hbm>>, %arg3: memref<2x32x160x64xi32, #tpu.memory_space<hbm>>, %arg4: memref<128x128xf32, #tpu.memory_space<hbm>>, %arg5: memref<2x10240x128xf32, #tpu.memory_space<hbm>>, %arg6: memref<16x64xi32, #tpu.memory_space<vmem>>, %arg7: memref<16x64xi32, #tpu.memory_space<vmem>>, %arg8: memref<64x128xf32, #tpu.memory_space<vmem>>, %arg9: memref<64x128xf32, #tpu.memory_space<vmem>>, %arg10: memref<64x128xf32, #tpu.memory_space<vmem>>, %arg11: memref<64x128xf32, #tpu.memory_space<vmem>>, %arg12: memref<!tpu.dma_semaphore, #tpu.memory_space<semaphore_mem>>, %arg13: memref<!tpu.dma_semaphore, #tpu.memory_space<semaphore_mem>>, %arg14: memref<!tpu.dma_semaphore, #tpu.memory_space<semaphore_mem>>, %arg15: memref<!tpu.dma_semaphore, #tpu.memory_space<semaphore_mem>>, %arg16: memref<!tpu.dma_semaphore, #tpu.memory_space<semaphore_mem>>, %arg17: memref<!tpu.dma_semaphore, #tpu.memory_space<semaphore_mem>>, %arg18: memref<!tpu.dma_semaphore, #tpu.memory_space<semaphore_mem>>, %arg19: memref<!tpu.dma_semaphore, #tpu.memory_space<semaphore_mem>>, %arg20: memref<10240x128xf32, #tpu.memory_space<vmem_shared>>) attributes {dimension_semantics = [#tpu.dimension_semantics<core_parallel>, #tpu.dimension_semantics<subcore_parallel>], iteration_bounds = array<i64: 2, 16>, scalar_prefetch = 0 : i64, scratch_operands = 15 : i64, tpu.core_type = #tpu.core_type<sc_vector_subcore>, window_params = [{transform_indices = #map}, {transform_indices = #map1}, {transform_indices = #map}, {transform_indices = #map2}]} {
    %mul3A = arith.constant 16 : i32
    %mul3A_0 = arith.muli %arg0, %mul3A : i32
    %add3A = arith.addi %mul3A_0, %arg1 : i32
    %mul3A_1 = arith.constant 640 : i32
    %mul3A_2 = arith.muli %arg1, %mul3A_1 : i32
    %add3A_3 = arith.constant 0 : i32
    %add3A_4 = arith.addi %mul3A_2, %add3A_3 : i32
    "tpu.region"() ({
      %run_scoped3A = tpu.sem_alloc : memref<!tpu.dma_semaphore, #tpu.memory_space<semaphore_mem>>
      %dma_start3A = arith.constant 0 : i32
      %dma_start3A_82 = tpu.memref_slice %arg20[%add3A_4, %dma_start3A] : memref<10240x128xf32, #tpu.memory_space<vmem_shared>> -> memref<128x128xf32, #tpu.memory_space<vmem_shared>>
      tpu.enqueue_dma source(%arg4 : memref<128x128xf32, #tpu.memory_space<hbm>>) target(%dma_start3A_82 : memref<128x128xf32, #tpu.memory_space<vmem_shared>>) target_semaphore(%run_scoped3A : memref<!tpu.dma_semaphore, #tpu.memory_space<semaphore_mem>>)
      %dma_wait3A = arith.constant 0 : i32
      %dma_wait3A_83 = tpu.memref_slice %arg20[%add3A_4, %dma_wait3A] : memref<10240x128xf32, #tpu.memory_space<vmem_shared>> -> memref<128x128xf32, #tpu.memory_space<vmem_shared>>
      tpu.wait_dma2 semaphore(%run_scoped3A : memref<!tpu.dma_semaphore, #tpu.memory_space<semaphore_mem>>) src(%arg4 : memref<128x128xf32, #tpu.memory_space<hbm>>) dst(%dma_wait3A_83 : memref<128x128xf32, #tpu.memory_space<vmem_shared>>)
      tpu.yield
    }) : () -> ()
    %add3A_5 = arith.constant 128 : i32
    %add3A_6 = arith.addi %mul3A_2, %add3A_5 : i32
    "tpu.region"() ({
      %run_scoped3A = tpu.sem_alloc : memref<!tpu.dma_semaphore, #tpu.memory_space<semaphore_mem>>
      %dma_start3A = arith.constant 0 : i32
      %dma_start3A_82 = tpu.memref_slice %arg20[%add3A_6, %dma_start3A] : memref<10240x128xf32, #tpu.memory_space<vmem_shared>> -> memref<128x128xf32, #tpu.memory_space<vmem_shared>>
      tpu.enqueue_dma source(%arg4 : memref<128x128xf32, #tpu.memory_space<hbm>>) target(%dma_start3A_82 : memref<128x128xf32, #tpu.memory_space<vmem_shared>>) target_semaphore(%run_scoped3A : memref<!tpu.dma_semaphore, #tpu.memory_space<semaphore_mem>>)
      %dma_wait3A = arith.constant 0 : i32
      %dma_wait3A_83 = tpu.memref_slice %arg20[%add3A_6, %dma_wait3A] : memref<10240x128xf32, #tpu.memory_space<vmem_shared>> -> memref<128x128xf32, #tpu.memory_space<vmem_shared>>
      tpu.wait_dma2 semaphore(%run_scoped3A : memref<!tpu.dma_semaphore, #tpu.memory_space<semaphore_mem>>) src(%arg4 : memref<128x128xf32, #tpu.memory_space<hbm>>) dst(%dma_wait3A_83 : memref<128x128xf32, #tpu.memory_space<vmem_shared>>)
      tpu.yield
    }) : () -> ()
    %add3A_7 = arith.constant 256 : i32
    %add3A_8 = arith.addi %mul3A_2, %add3A_7 : i32
    "tpu.region"() ({
      %run_scoped3A = tpu.sem_alloc : memref<!tpu.dma_semaphore, #tpu.memory_space<semaphore_mem>>
      %dma_start3A = arith.constant 0 : i32
      %dma_start3A_82 = tpu.memref_slice %arg20[%add3A_8, %dma_start3A] : memref<10240x128xf32, #tpu.memory_space<vmem_shared>> -> memref<128x128xf32, #tpu.memory_space<vmem_shared>>
      tpu.enqueue_dma source(%arg4 : memref<128x128xf32, #tpu.memory_space<hbm>>) target(%dma_start3A_82 : memref<128x128xf32, #tpu.memory_space<vmem_shared>>) target_semaphore(%run_scoped3A : memref<!tpu.dma_semaphore, #tpu.memory_space<semaphore_mem>>)
      %dma_wait3A = arith.constant 0 : i32
      %dma_wait3A_83 = tpu.memref_slice %arg20[%add3A_8, %dma_wait3A] : memref<10240x128xf32, #tpu.memory_space<vmem_shared>> -> memref<128x128xf32, #tpu.memory_space<vmem_shared>>
      tpu.wait_dma2 semaphore(%run_scoped3A : memref<!tpu.dma_semaphore, #tpu.memory_space<semaphore_mem>>) src(%arg4 : memref<128x128xf32, #tpu.memory_space<hbm>>) dst(%dma_wait3A_83 : memref<128x128xf32, #tpu.memory_space<vmem_shared>>)
      tpu.yield
    }) : () -> ()
    %add3A_9 = arith.constant 384 : i32
    %add3A_10 = arith.addi %mul3A_2, %add3A_9 : i32
    "tpu.region"() ({
      %run_scoped3A = tpu.sem_alloc : memref<!tpu.dma_semaphore, #tpu.memory_space<semaphore_mem>>
      %dma_start3A = arith.constant 0 : i32
      %dma_start3A_82 = tpu.memref_slice %arg20[%add3A_10, %dma_start3A] : memref<10240x128xf32, #tpu.memory_space<vmem_shared>> -> memref<128x128xf32, #tpu.memory_space<vmem_shared>>
      tpu.enqueue_dma source(%arg4 : memref<128x128xf32, #tpu.memory_space<hbm>>) target(%dma_start3A_82 : memref<128x128xf32, #tpu.memory_space<vmem_shared>>) target_semaphore(%run_scoped3A : memref<!tpu.dma_semaphore, #tpu.memory_space<semaphore_mem>>)
      %dma_wait3A = arith.constant 0 : i32
      %dma_wait3A_83 = tpu.memref_slice %arg20[%add3A_10, %dma_wait3A] : memref<10240x128xf32, #tpu.memory_space<vmem_shared>> -> memref<128x128xf32, #tpu.memory_space<vmem_shared>>
      tpu.wait_dma2 semaphore(%run_scoped3A : memref<!tpu.dma_semaphore, #tpu.memory_space<semaphore_mem>>) src(%arg4 : memref<128x128xf32, #tpu.memory_space<hbm>>) dst(%dma_wait3A_83 : memref<128x128xf32, #tpu.memory_space<vmem_shared>>)
      tpu.yield
    }) : () -> ()
    %add3A_11 = arith.constant 512 : i32
    %add3A_12 = arith.addi %mul3A_2, %add3A_11 : i32
    "tpu.region"() ({
      %run_scoped3A = tpu.sem_alloc : memref<!tpu.dma_semaphore, #tpu.memory_space<semaphore_mem>>
      %dma_start3A = arith.constant 0 : i32
      %dma_start3A_82 = tpu.memref_slice %arg20[%add3A_12, %dma_start3A] : memref<10240x128xf32, #tpu.memory_space<vmem_shared>> -> memref<128x128xf32, #tpu.memory_space<vmem_shared>>
      tpu.enqueue_dma source(%arg4 : memref<128x128xf32, #tpu.memory_space<hbm>>) target(%dma_start3A_82 : memref<128x128xf32, #tpu.memory_space<vmem_shared>>) target_semaphore(%run_scoped3A : memref<!tpu.dma_semaphore, #tpu.memory_space<semaphore_mem>>)
      %dma_wait3A = arith.constant 0 : i32
      %dma_wait3A_83 = tpu.memref_slice %arg20[%add3A_12, %dma_wait3A] : memref<10240x128xf32, #tpu.memory_space<vmem_shared>> -> memref<128x128xf32, #tpu.memory_space<vmem_shared>>
      tpu.wait_dma2 semaphore(%run_scoped3A : memref<!tpu.dma_semaphore, #tpu.memory_space<semaphore_mem>>) src(%arg4 : memref<128x128xf32, #tpu.memory_space<hbm>>) dst(%dma_wait3A_83 : memref<128x128xf32, #tpu.memory_space<vmem_shared>>)
      tpu.yield
    }) : () -> ()
    %barrier3A = arith.constant 0 : index
    tpu.barrier barrier_id(%barrier3A)
    %scan3A = arith.constant 0 : i32
    %scan3A_13 = arith.constant 10 : i32
    %scan3A_14 = arith.addi %scan3A, %scan3A_13 : i32
    %scan3A_15 = arith.constant 1 : i32
    scf.for %scan3A_82 = %scan3A to %scan3A_14 step %scan3A_15  : i32 {
      %mul3A_83 = arith.constant 1 : i32
      %mul3A_84 = arith.muli %scan3A_82, %mul3A_83 : i32
      %add3A_85 = arith.constant 0 : i32
      %add3A_86 = arith.addi %add3A_85, %mul3A_84 : i32
      %mul3A_87 = arith.constant 16 : i32
      %mul3A_88 = arith.muli %add3A_86, %mul3A_87 : i32
      %run_scoped3A = arith.constant 0 : i32
      "tpu.region"() ({
        %run_scoped3A_207 = tpu.sem_alloc : memref<!tpu.dma_semaphore, #tpu.memory_space<semaphore_mem>>
        %dma_start3A_208 = arith.constant 0 : i32
        %dma_start3A_209 = tpu.memref_slice %arg3[%run_scoped3A, %add3A, %mul3A_88, %dma_start3A_208] : memref<2x32x160x64xi32, #tpu.memory_space<hbm>> -> memref<1x1x16x64xi32, #tpu.memory_space<hbm>>
        %dma_start3A_210 = tpu.memref_squeeze %dma_start3A_209 : memref<1x1x16x64xi32, #tpu.memory_space<hbm>> -> memref<16x64xi32, #tpu.memory_space<hbm>>
        %dma_start3A_211 = arith.constant 0 : i32
        %dma_start3A_212 = tpu.memref_slice %arg3[%run_scoped3A, %add3A, %mul3A_88, %dma_start3A_211] : memref<2x32x160x64xi32, #tpu.memory_space<hbm>> -> memref<1x1x16x64xi32, #tpu.memory_space<hbm>>
        %dma_start3A_213 = tpu.memref_squeeze %dma_start3A_212 : memref<1x1x16x64xi32, #tpu.memory_space<hbm>> -> memref<16x64xi32, #tpu.memory_space<hbm>>
        tpu.enqueue_dma source(%dma_start3A_213 : memref<16x64xi32, #tpu.memory_space<hbm>>) target(%arg6 : memref<16x64xi32, #tpu.memory_space<vmem>>) target_semaphore(%run_scoped3A_207 : memref<!tpu.dma_semaphore, #tpu.memory_space<semaphore_mem>>)
        %dma_wait3A_214 = arith.constant 0 : i32
        %dma_wait3A_215 = tpu.memref_slice %arg3[%run_scoped3A, %add3A, %mul3A_88, %dma_wait3A_214] : memref<2x32x160x64xi32, #tpu.memory_space<hbm>> -> memref<1x1x16x64xi32, #tpu.memory_space<hbm>>
        %dma_wait3A_216 = tpu.memref_squeeze %dma_wait3A_215 : memref<1x1x16x64xi32, #tpu.memory_space<hbm>> -> memref<16x64xi32, #tpu.memory_space<hbm>>
        %dma_wait3A_217 = arith.constant 0 : i32
        %dma_wait3A_218 = tpu.memref_slice %arg3[%run_scoped3A, %add3A, %mul3A_88, %dma_wait3A_217] : memref<2x32x160x64xi32, #tpu.memory_space<hbm>> -> memref<1x1x16x64xi32, #tpu.memory_space<hbm>>
        %dma_wait3A_219 = tpu.memref_squeeze %dma_wait3A_218 : memref<1x1x16x64xi32, #tpu.memory_space<hbm>> -> memref<16x64xi32, #tpu.memory_space<hbm>>
        tpu.wait_dma2 semaphore(%run_scoped3A_207 : memref<!tpu.dma_semaphore, #tpu.memory_space<semaphore_mem>>) src(%dma_wait3A_219 : memref<16x64xi32, #tpu.memory_space<hbm>>) dst(%arg6 : memref<16x64xi32, #tpu.memory_space<vmem>>)
        tpu.yield
      }) : () -> ()
      %mul3A_89 = arith.constant 16 : i32
      %mul3A_90 = arith.muli %add3A_86, %mul3A_89 : i32
      %run_scoped3A_91 = arith.constant 1 : i32
      "tpu.region"() ({
        %run_scoped3A_207 = tpu.sem_alloc : memref<!tpu.dma_semaphore, #tpu.memory_space<semaphore_mem>>
        %dma_start3A_208 = arith.constant 0 : i32
        %dma_start3A_209 = tpu.memref_slice %arg3[%run_scoped3A_91, %add3A, %mul3A_90, %dma_start3A_208] : memref<2x32x160x64xi32, #tpu.memory_space<hbm>> -> memref<1x1x16x64xi32, #tpu.memory_space<hbm>>
        %dma_start3A_210 = tpu.memref_squeeze %dma_start3A_209 : memref<1x1x16x64xi32, #tpu.memory_space<hbm>> -> memref<16x64xi32, #tpu.memory_space<hbm>>
        %dma_start3A_211 = arith.constant 0 : i32
        %dma_start3A_212 = tpu.memref_slice %arg3[%run_scoped3A_91, %add3A, %mul3A_90, %dma_start3A_211] : memref<2x32x160x64xi32, #tpu.memory_space<hbm>> -> memref<1x1x16x64xi32, #tpu.memory_space<hbm>>
        %dma_start3A_213 = tpu.memref_squeeze %dma_start3A_212 : memref<1x1x16x64xi32, #tpu.memory_space<hbm>> -> memref<16x64xi32, #tpu.memory_space<hbm>>
        tpu.enqueue_dma source(%dma_start3A_213 : memref<16x64xi32, #tpu.memory_space<hbm>>) target(%arg7 : memref<16x64xi32, #tpu.memory_space<vmem>>) target_semaphore(%run_scoped3A_207 : memref<!tpu.dma_semaphore, #tpu.memory_space<semaphore_mem>>)
        %dma_wait3A_214 = arith.constant 0 : i32
        %dma_wait3A_215 = tpu.memref_slice %arg3[%run_scoped3A_91, %add3A, %mul3A_90, %dma_wait3A_214] : memref<2x32x160x64xi32, #tpu.memory_space<hbm>> -> memref<1x1x16x64xi32, #tpu.memory_space<hbm>>
        %dma_wait3A_216 = tpu.memref_squeeze %dma_wait3A_215 : memref<1x1x16x64xi32, #tpu.memory_space<hbm>> -> memref<16x64xi32, #tpu.memory_space<hbm>>
        %dma_wait3A_217 = arith.constant 0 : i32
        %dma_wait3A_218 = tpu.memref_slice %arg3[%run_scoped3A_91, %add3A, %mul3A_90, %dma_wait3A_217] : memref<2x32x160x64xi32, #tpu.memory_space<hbm>> -> memref<1x1x16x64xi32, #tpu.memory_space<hbm>>
        %dma_wait3A_219 = tpu.memref_squeeze %dma_wait3A_218 : memref<1x1x16x64xi32, #tpu.memory_space<hbm>> -> memref<16x64xi32, #tpu.memory_space<hbm>>
        tpu.wait_dma2 semaphore(%run_scoped3A_207 : memref<!tpu.dma_semaphore, #tpu.memory_space<semaphore_mem>>) src(%dma_wait3A_219 : memref<16x64xi32, #tpu.memory_space<hbm>>) dst(%arg7 : memref<16x64xi32, #tpu.memory_space<vmem>>)
        tpu.yield
      }) : () -> ()
      %dma_start3A = arith.constant 0 : i32
      %dma_start3A_92 = arith.constant 0 : i32
      %dma_start3A_93 = tpu.memref_slice %arg7[%dma_start3A, %dma_start3A_92] : memref<16x64xi32, #tpu.memory_space<vmem>> -> memref<1x64xi32, #tpu.memory_space<vmem>>
      %dma_start3A_94 = tpu.memref_squeeze %dma_start3A_93 : memref<1x64xi32, #tpu.memory_space<vmem>> -> memref<64xi32, #tpu.memory_space<vmem>>
      %dma_start3A_95 = arith.constant 0 : i32
      %dma_start3A_96 = arith.constant 0 : i32
      %dma_start3A_97 = tpu.memref_slice %arg2[%dma_start3A_95, %dma_start3A_96] : memref<10240x128xf32, #tpu.memory_space<hbm>> -> memref<10240x128xf32, #tpu.memory_space<hbm>>
      tpu.enqueue_indirect_dma source(%dma_start3A_97 : memref<10240x128xf32, #tpu.memory_space<hbm>>) target(%arg8 : memref<64x128xf32, #tpu.memory_space<vmem>>) offsets(%dma_start3A_94 : memref<64xi32, #tpu.memory_space<vmem>>) semaphore(%arg12 : memref<!tpu.dma_semaphore, #tpu.memory_space<semaphore_mem>>)
      %dma_start3A_98 = arith.constant 0 : i32
      %dma_start3A_99 = arith.constant 0 : i32
      %dma_start3A_100 = tpu.memref_slice %arg6[%dma_start3A_98, %dma_start3A_99] : memref<16x64xi32, #tpu.memory_space<vmem>> -> memref<1x64xi32, #tpu.memory_space<vmem>>
      %dma_start3A_101 = tpu.memref_squeeze %dma_start3A_100 : memref<1x64xi32, #tpu.memory_space<vmem>> -> memref<64xi32, #tpu.memory_space<vmem>>
      %dma_start3A_102 = arith.constant 0 : i32
      %dma_start3A_103 = arith.constant 0 : i32
      %dma_start3A_104 = tpu.memref_slice %arg2[%dma_start3A_102, %dma_start3A_103] : memref<10240x128xf32, #tpu.memory_space<hbm>> -> memref<10240x128xf32, #tpu.memory_space<hbm>>
      tpu.enqueue_indirect_dma source(%dma_start3A_104 : memref<10240x128xf32, #tpu.memory_space<hbm>>) target(%arg9 : memref<64x128xf32, #tpu.memory_space<vmem>>) offsets(%dma_start3A_101 : memref<64xi32, #tpu.memory_space<vmem>>) semaphore(%arg13 : memref<!tpu.dma_semaphore, #tpu.memory_space<semaphore_mem>>)
      %dma_start3A_105 = arith.constant 1 : i32
      %dma_start3A_106 = arith.constant 0 : i32
      %dma_start3A_107 = tpu.memref_slice %arg7[%dma_start3A_105, %dma_start3A_106] : memref<16x64xi32, #tpu.memory_space<vmem>> -> memref<1x64xi32, #tpu.memory_space<vmem>>
      %dma_start3A_108 = tpu.memref_squeeze %dma_start3A_107 : memref<1x64xi32, #tpu.memory_space<vmem>> -> memref<64xi32, #tpu.memory_space<vmem>>
      %dma_start3A_109 = arith.constant 0 : i32
      %dma_start3A_110 = arith.constant 0 : i32
      %dma_start3A_111 = tpu.memref_slice %arg2[%dma_start3A_109, %dma_start3A_110] : memref<10240x128xf32, #tpu.memory_space<hbm>> -> memref<10240x128xf32, #tpu.memory_space<hbm>>
      tpu.enqueue_indirect_dma source(%dma_start3A_111 : memref<10240x128xf32, #tpu.memory_space<hbm>>) target(%arg10 : memref<64x128xf32, #tpu.memory_space<vmem>>) offsets(%dma_start3A_108 : memref<64xi32, #tpu.memory_space<vmem>>) semaphore(%arg14 : memref<!tpu.dma_semaphore, #tpu.memory_space<semaphore_mem>>)
      %dma_start3A_112 = arith.constant 1 : i32
      %dma_start3A_113 = arith.constant 0 : i32
      %dma_start3A_114 = tpu.memref_slice %arg6[%dma_start3A_112, %dma_start3A_113] : memref<16x64xi32, #tpu.memory_space<vmem>> -> memref<1x64xi32, #tpu.memory_space<vmem>>
      %dma_start3A_115 = tpu.memref_squeeze %dma_start3A_114 : memref<1x64xi32, #tpu.memory_space<vmem>> -> memref<64xi32, #tpu.memory_space<vmem>>
      %dma_start3A_116 = arith.constant 0 : i32
      %dma_start3A_117 = arith.constant 0 : i32
      %dma_start3A_118 = tpu.memref_slice %arg2[%dma_start3A_116, %dma_start3A_117] : memref<10240x128xf32, #tpu.memory_space<hbm>> -> memref<10240x128xf32, #tpu.memory_space<hbm>>
      tpu.enqueue_indirect_dma source(%dma_start3A_118 : memref<10240x128xf32, #tpu.memory_space<hbm>>) target(%arg11 : memref<64x128xf32, #tpu.memory_space<vmem>>) offsets(%dma_start3A_115 : memref<64xi32, #tpu.memory_space<vmem>>) semaphore(%arg15 : memref<!tpu.dma_semaphore, #tpu.memory_space<semaphore_mem>>)
      %scan3A_119 = arith.constant 0 : i32
      %scan3A_120 = arith.constant 7 : i32
      %scan3A_121 = arith.addi %scan3A_119, %scan3A_120 : i32
      %scan3A_122 = arith.constant 1 : i32
      scf.for %scan3A_207 = %scan3A_119 to %scan3A_121 step %scan3A_122  : i32 {
        %mul3A_208 = arith.constant 1 : i32
        %mul3A_209 = arith.muli %scan3A_207, %mul3A_208 : i32
        %add3A_210 = arith.constant 0 : i32
        %add3A_211 = arith.addi %add3A_210, %mul3A_209 : i32
        %mul3A_212 = arith.constant 2 : i32
        %mul3A_213 = arith.muli %mul3A_212, %add3A_211 : i32
        %add3A_214 = arith.constant 0 : i32
        %add3A_215 = arith.addi %mul3A_213, %add3A_214 : i32
        %dma_wait3A_216 = arith.constant 0 : i32
        %dma_wait3A_217 = tpu.memref_slice %arg7[%add3A_215, %dma_wait3A_216] : memref<16x64xi32, #tpu.memory_space<vmem>> -> memref<1x64xi32, #tpu.memory_space<vmem>>
        %dma_wait3A_218 = tpu.memref_squeeze %dma_wait3A_217 : memref<1x64xi32, #tpu.memory_space<vmem>> -> memref<64xi32, #tpu.memory_space<vmem>>
        %dma_wait3A_219 = arith.constant 0 : i32
        %dma_wait3A_220 = arith.constant 0 : i32
        %dma_wait3A_221 = tpu.memref_slice %arg2[%dma_wait3A_219, %dma_wait3A_220] : memref<10240x128xf32, #tpu.memory_space<hbm>> -> memref<10240x128xf32, #tpu.memory_space<hbm>>
        tpu.wait_indirect_dma semaphore(%arg12 : memref<!tpu.dma_semaphore, #tpu.memory_space<semaphore_mem>>) src(%dma_wait3A_221 : memref<10240x128xf32, #tpu.memory_space<hbm>>) dst(%arg8 : memref<64x128xf32, #tpu.memory_space<vmem>>)
        %dma_start3A_222 = arith.constant 0 : i32
        %dma_start3A_223 = tpu.memref_slice %arg6[%add3A_215, %dma_start3A_222] : memref<16x64xi32, #tpu.memory_space<vmem>> -> memref<1x64xi32, #tpu.memory_space<vmem>>
        %dma_start3A_224 = tpu.memref_squeeze %dma_start3A_223 : memref<1x64xi32, #tpu.memory_space<vmem>> -> memref<64xi32, #tpu.memory_space<vmem>>
        %dma_start3A_225 = arith.constant 0 : i32
        %dma_start3A_226 = arith.constant 0 : i32
        %dma_start3A_227 = tpu.memref_slice %arg20[%dma_start3A_225, %dma_start3A_226] : memref<10240x128xf32, #tpu.memory_space<vmem_shared>> -> memref<10240x128xf32, #tpu.memory_space<vmem_shared>>
        tpu.enqueue_indirect_dma source(%arg8 : memref<64x128xf32, #tpu.memory_space<vmem>>) target(%dma_start3A_227 : memref<10240x128xf32, #tpu.memory_space<vmem_shared>>) offsets(%dma_start3A_224 : memref<64xi32, #tpu.memory_space<vmem>>) semaphore(%arg16 : memref<!tpu.dma_semaphore, #tpu.memory_space<semaphore_mem>>) {add = true}
        %mul3A_228 = arith.constant 2 : i32
        %mul3A_229 = arith.muli %mul3A_228, %add3A_211 : i32
        %add3A_230 = arith.constant 0 : i32
        %add3A_231 = arith.addi %mul3A_229, %add3A_230 : i32
        %dma_wait3A_232 = arith.constant 0 : i32
        %dma_wait3A_233 = tpu.memref_slice %arg6[%add3A_231, %dma_wait3A_232] : memref<16x64xi32, #tpu.memory_space<vmem>> -> memref<1x64xi32, #tpu.memory_space<vmem>>
        %dma_wait3A_234 = tpu.memref_squeeze %dma_wait3A_233 : memref<1x64xi32, #tpu.memory_space<vmem>> -> memref<64xi32, #tpu.memory_space<vmem>>
        %dma_wait3A_235 = arith.constant 0 : i32
        %dma_wait3A_236 = arith.constant 0 : i32
        %dma_wait3A_237 = tpu.memref_slice %arg2[%dma_wait3A_235, %dma_wait3A_236] : memref<10240x128xf32, #tpu.memory_space<hbm>> -> memref<10240x128xf32, #tpu.memory_space<hbm>>
        tpu.wait_indirect_dma semaphore(%arg13 : memref<!tpu.dma_semaphore, #tpu.memory_space<semaphore_mem>>) src(%dma_wait3A_237 : memref<10240x128xf32, #tpu.memory_space<hbm>>) dst(%arg9 : memref<64x128xf32, #tpu.memory_space<vmem>>)
        %dma_start3A_238 = arith.constant 0 : i32
        %dma_start3A_239 = tpu.memref_slice %arg7[%add3A_231, %dma_start3A_238] : memref<16x64xi32, #tpu.memory_space<vmem>> -> memref<1x64xi32, #tpu.memory_space<vmem>>
        %dma_start3A_240 = tpu.memref_squeeze %dma_start3A_239 : memref<1x64xi32, #tpu.memory_space<vmem>> -> memref<64xi32, #tpu.memory_space<vmem>>
        %dma_start3A_241 = arith.constant 0 : i32
        %dma_start3A_242 = arith.constant 0 : i32
        %dma_start3A_243 = tpu.memref_slice %arg20[%dma_start3A_241, %dma_start3A_242] : memref<10240x128xf32, #tpu.memory_space<vmem_shared>> -> memref<10240x128xf32, #tpu.memory_space<vmem_shared>>
        tpu.enqueue_indirect_dma source(%arg9 : memref<64x128xf32, #tpu.memory_space<vmem>>) target(%dma_start3A_243 : memref<10240x128xf32, #tpu.memory_space<vmem_shared>>) offsets(%dma_start3A_240 : memref<64xi32, #tpu.memory_space<vmem>>) semaphore(%arg17 : memref<!tpu.dma_semaphore, #tpu.memory_space<semaphore_mem>>) {add = true}
        %mul3A_244 = arith.constant 2 : i32
        %mul3A_245 = arith.muli %mul3A_244, %add3A_211 : i32
        %add3A_246 = arith.constant 1 : i32
        %add3A_247 = arith.addi %mul3A_245, %add3A_246 : i32
        %dma_wait3A_248 = arith.constant 0 : i32
        %dma_wait3A_249 = tpu.memref_slice %arg7[%add3A_247, %dma_wait3A_248] : memref<16x64xi32, #tpu.memory_space<vmem>> -> memref<1x64xi32, #tpu.memory_space<vmem>>
        %dma_wait3A_250 = tpu.memref_squeeze %dma_wait3A_249 : memref<1x64xi32, #tpu.memory_space<vmem>> -> memref<64xi32, #tpu.memory_space<vmem>>
        %dma_wait3A_251 = arith.constant 0 : i32
        %dma_wait3A_252 = arith.constant 0 : i32
        %dma_wait3A_253 = tpu.memref_slice %arg2[%dma_wait3A_251, %dma_wait3A_252] : memref<10240x128xf32, #tpu.memory_space<hbm>> -> memref<10240x128xf32, #tpu.memory_space<hbm>>
        tpu.wait_indirect_dma semaphore(%arg14 : memref<!tpu.dma_semaphore, #tpu.memory_space<semaphore_mem>>) src(%dma_wait3A_253 : memref<10240x128xf32, #tpu.memory_space<hbm>>) dst(%arg10 : memref<64x128xf32, #tpu.memory_space<vmem>>)
        %dma_start3A_254 = arith.constant 0 : i32
        %dma_start3A_255 = tpu.memref_slice %arg6[%add3A_247, %dma_start3A_254] : memref<16x64xi32, #tpu.memory_space<vmem>> -> memref<1x64xi32, #tpu.memory_space<vmem>>
        %dma_start3A_256 = tpu.memref_squeeze %dma_start3A_255 : memref<1x64xi32, #tpu.memory_space<vmem>> -> memref<64xi32, #tpu.memory_space<vmem>>
        %dma_start3A_257 = arith.constant 0 : i32
        %dma_start3A_258 = arith.constant 0 : i32
        %dma_start3A_259 = tpu.memref_slice %arg20[%dma_start3A_257, %dma_start3A_258] : memref<10240x128xf32, #tpu.memory_space<vmem_shared>> -> memref<10240x128xf32, #tpu.memory_space<vmem_shared>>
        tpu.enqueue_indirect_dma source(%arg10 : memref<64x128xf32, #tpu.memory_space<vmem>>) target(%dma_start3A_259 : memref<10240x128xf32, #tpu.memory_space<vmem_shared>>) offsets(%dma_start3A_256 : memref<64xi32, #tpu.memory_space<vmem>>) semaphore(%arg18 : memref<!tpu.dma_semaphore, #tpu.memory_space<semaphore_mem>>) {add = true}
        %mul3A_260 = arith.constant 2 : i32
        %mul3A_261 = arith.muli %mul3A_260, %add3A_211 : i32
        %add3A_262 = arith.constant 1 : i32
        %add3A_263 = arith.addi %mul3A_261, %add3A_262 : i32
        %dma_wait3A_264 = arith.constant 0 : i32
        %dma_wait3A_265 = tpu.memref_slice %arg6[%add3A_263, %dma_wait3A_264] : memref<16x64xi32, #tpu.memory_space<vmem>> -> memref<1x64xi32, #tpu.memory_space<vmem>>
        %dma_wait3A_266 = tpu.memref_squeeze %dma_wait3A_265 : memref<1x64xi32, #tpu.memory_space<vmem>> -> memref<64xi32, #tpu.memory_space<vmem>>
        %dma_wait3A_267 = arith.constant 0 : i32
        %dma_wait3A_268 = arith.constant 0 : i32
        %dma_wait3A_269 = tpu.memref_slice %arg2[%dma_wait3A_267, %dma_wait3A_268] : memref<10240x128xf32, #tpu.memory_space<hbm>> -> memref<10240x128xf32, #tpu.memory_space<hbm>>
        tpu.wait_indirect_dma semaphore(%arg15 : memref<!tpu.dma_semaphore, #tpu.memory_space<semaphore_mem>>) src(%dma_wait3A_269 : memref<10240x128xf32, #tpu.memory_space<hbm>>) dst(%arg11 : memref<64x128xf32, #tpu.memory_space<vmem>>)
        %dma_start3A_270 = arith.constant 0 : i32
        %dma_start3A_271 = tpu.memref_slice %arg7[%add3A_263, %dma_start3A_270] : memref<16x64xi32, #tpu.memory_space<vmem>> -> memref<1x64xi32, #tpu.memory_space<vmem>>
        %dma_start3A_272 = tpu.memref_squeeze %dma_start3A_271 : memref<1x64xi32, #tpu.memory_space<vmem>> -> memref<64xi32, #tpu.memory_space<vmem>>
        %dma_start3A_273 = arith.constant 0 : i32
        %dma_start3A_274 = arith.constant 0 : i32
        %dma_start3A_275 = tpu.memref_slice %arg20[%dma_start3A_273, %dma_start3A_274] : memref<10240x128xf32, #tpu.memory_space<vmem_shared>> -> memref<10240x128xf32, #tpu.memory_space<vmem_shared>>
        tpu.enqueue_indirect_dma source(%arg11 : memref<64x128xf32, #tpu.memory_space<vmem>>) target(%dma_start3A_275 : memref<10240x128xf32, #tpu.memory_space<vmem_shared>>) offsets(%dma_start3A_272 : memref<64xi32, #tpu.memory_space<vmem>>) semaphore(%arg19 : memref<!tpu.dma_semaphore, #tpu.memory_space<semaphore_mem>>) {add = true}
        %dma_wait3A_276 = arith.constant 0 : i32
        %dma_wait3A_277 = tpu.memref_slice %arg6[%add3A_215, %dma_wait3A_276] : memref<16x64xi32, #tpu.memory_space<vmem>> -> memref<1x64xi32, #tpu.memory_space<vmem>>
        %dma_wait3A_278 = tpu.memref_squeeze %dma_wait3A_277 : memref<1x64xi32, #tpu.memory_space<vmem>> -> memref<64xi32, #tpu.memory_space<vmem>>
        %dma_wait3A_279 = arith.constant 0 : i32
        %dma_wait3A_280 = arith.constant 0 : i32
        %dma_wait3A_281 = tpu.memref_slice %arg20[%dma_wait3A_279, %dma_wait3A_280] : memref<10240x128xf32, #tpu.memory_space<vmem_shared>> -> memref<10240x128xf32, #tpu.memory_space<vmem_shared>>
        tpu.wait_indirect_dma semaphore(%arg16 : memref<!tpu.dma_semaphore, #tpu.memory_space<semaphore_mem>>) src(%arg8 : memref<64x128xf32, #tpu.memory_space<vmem>>) dst(%dma_wait3A_281 : memref<10240x128xf32, #tpu.memory_space<vmem_shared>>)
        %add3A_282 = arith.constant 1 : i32
        %add3A_283 = arith.addi %add3A_211, %add3A_282 : i32
        %mul3A_284 = arith.constant 2 : i32
        %mul3A_285 = arith.muli %mul3A_284, %add3A_283 : i32
        %add3A_286 = arith.constant 0 : i32
        %add3A_287 = arith.addi %mul3A_285, %add3A_286 : i32
        %dma_start3A_288 = arith.constant 0 : i32
        %dma_start3A_289 = tpu.memref_slice %arg7[%add3A_287, %dma_start3A_288] : memref<16x64xi32, #tpu.memory_space<vmem>> -> memref<1x64xi32, #tpu.memory_space<vmem>>
        %dma_start3A_290 = tpu.memref_squeeze %dma_start3A_289 : memref<1x64xi32, #tpu.memory_space<vmem>> -> memref<64xi32, #tpu.memory_space<vmem>>
        %dma_start3A_291 = arith.constant 0 : i32
        %dma_start3A_292 = arith.constant 0 : i32
        %dma_start3A_293 = tpu.memref_slice %arg2[%dma_start3A_291, %dma_start3A_292] : memref<10240x128xf32, #tpu.memory_space<hbm>> -> memref<10240x128xf32, #tpu.memory_space<hbm>>
        tpu.enqueue_indirect_dma source(%dma_start3A_293 : memref<10240x128xf32, #tpu.memory_space<hbm>>) target(%arg8 : memref<64x128xf32, #tpu.memory_space<vmem>>) offsets(%dma_start3A_290 : memref<64xi32, #tpu.memory_space<vmem>>) semaphore(%arg12 : memref<!tpu.dma_semaphore, #tpu.memory_space<semaphore_mem>>)
        %dma_wait3A_294 = arith.constant 0 : i32
        %dma_wait3A_295 = tpu.memref_slice %arg7[%add3A_231, %dma_wait3A_294] : memref<16x64xi32, #tpu.memory_space<vmem>> -> memref<1x64xi32, #tpu.memory_space<vmem>>
        %dma_wait3A_296 = tpu.memref_squeeze %dma_wait3A_295 : memref<1x64xi32, #tpu.memory_space<vmem>> -> memref<64xi32, #tpu.memory_space<vmem>>
        %dma_wait3A_297 = arith.constant 0 : i32
        %dma_wait3A_298 = arith.constant 0 : i32
        %dma_wait3A_299 = tpu.memref_slice %arg20[%dma_wait3A_297, %dma_wait3A_298] : memref<10240x128xf32, #tpu.memory_space<vmem_shared>> -> memref<10240x128xf32, #tpu.memory_space<vmem_shared>>
        tpu.wait_indirect_dma semaphore(%arg17 : memref<!tpu.dma_semaphore, #tpu.memory_space<semaphore_mem>>) src(%arg9 : memref<64x128xf32, #tpu.memory_space<vmem>>) dst(%dma_wait3A_299 : memref<10240x128xf32, #tpu.memory_space<vmem_shared>>)
        %add3A_300 = arith.constant 1 : i32
        %add3A_301 = arith.addi %add3A_211, %add3A_300 : i32
        %mul3A_302 = arith.constant 2 : i32
        %mul3A_303 = arith.muli %mul3A_302, %add3A_301 : i32
        %add3A_304 = arith.constant 0 : i32
        %add3A_305 = arith.addi %mul3A_303, %add3A_304 : i32
        %dma_start3A_306 = arith.constant 0 : i32
        %dma_start3A_307 = tpu.memref_slice %arg6[%add3A_305, %dma_start3A_306] : memref<16x64xi32, #tpu.memory_space<vmem>> -> memref<1x64xi32, #tpu.memory_space<vmem>>
        %dma_start3A_308 = tpu.memref_squeeze %dma_start3A_307 : memref<1x64xi32, #tpu.memory_space<vmem>> -> memref<64xi32, #tpu.memory_space<vmem>>
        %dma_start3A_309 = arith.constant 0 : i32
        %dma_start3A_310 = arith.constant 0 : i32
        %dma_start3A_311 = tpu.memref_slice %arg2[%dma_start3A_309, %dma_start3A_310] : memref<10240x128xf32, #tpu.memory_space<hbm>> -> memref<10240x128xf32, #tpu.memory_space<hbm>>
        tpu.enqueue_indirect_dma source(%dma_start3A_311 : memref<10240x128xf32, #tpu.memory_space<hbm>>) target(%arg9 : memref<64x128xf32, #tpu.memory_space<vmem>>) offsets(%dma_start3A_308 : memref<64xi32, #tpu.memory_space<vmem>>) semaphore(%arg13 : memref<!tpu.dma_semaphore, #tpu.memory_space<semaphore_mem>>)
        %dma_wait3A_312 = arith.constant 0 : i32
        %dma_wait3A_313 = tpu.memref_slice %arg6[%add3A_247, %dma_wait3A_312] : memref<16x64xi32, #tpu.memory_space<vmem>> -> memref<1x64xi32, #tpu.memory_space<vmem>>
        %dma_wait3A_314 = tpu.memref_squeeze %dma_wait3A_313 : memref<1x64xi32, #tpu.memory_space<vmem>> -> memref<64xi32, #tpu.memory_space<vmem>>
        %dma_wait3A_315 = arith.constant 0 : i32
        %dma_wait3A_316 = arith.constant 0 : i32
        %dma_wait3A_317 = tpu.memref_slice %arg20[%dma_wait3A_315, %dma_wait3A_316] : memref<10240x128xf32, #tpu.memory_space<vmem_shared>> -> memref<10240x128xf32, #tpu.memory_space<vmem_shared>>
        tpu.wait_indirect_dma semaphore(%arg18 : memref<!tpu.dma_semaphore, #tpu.memory_space<semaphore_mem>>) src(%arg10 : memref<64x128xf32, #tpu.memory_space<vmem>>) dst(%dma_wait3A_317 : memref<10240x128xf32, #tpu.memory_space<vmem_shared>>)
        %add3A_318 = arith.constant 1 : i32
        %add3A_319 = arith.addi %add3A_211, %add3A_318 : i32
        %mul3A_320 = arith.constant 2 : i32
        %mul3A_321 = arith.muli %mul3A_320, %add3A_319 : i32
        %add3A_322 = arith.constant 1 : i32
        %add3A_323 = arith.addi %mul3A_321, %add3A_322 : i32
        %dma_start3A_324 = arith.constant 0 : i32
        %dma_start3A_325 = tpu.memref_slice %arg7[%add3A_323, %dma_start3A_324] : memref<16x64xi32, #tpu.memory_space<vmem>> -> memref<1x64xi32, #tpu.memory_space<vmem>>
        %dma_start3A_326 = tpu.memref_squeeze %dma_start3A_325 : memref<1x64xi32, #tpu.memory_space<vmem>> -> memref<64xi32, #tpu.memory_space<vmem>>
        %dma_start3A_327 = arith.constant 0 : i32
        %dma_start3A_328 = arith.constant 0 : i32
        %dma_start3A_329 = tpu.memref_slice %arg2[%dma_start3A_327, %dma_start3A_328] : memref<10240x128xf32, #tpu.memory_space<hbm>> -> memref<10240x128xf32, #tpu.memory_space<hbm>>
        tpu.enqueue_indirect_dma source(%dma_start3A_329 : memref<10240x128xf32, #tpu.memory_space<hbm>>) target(%arg10 : memref<64x128xf32, #tpu.memory_space<vmem>>) offsets(%dma_start3A_326 : memref<64xi32, #tpu.memory_space<vmem>>) semaphore(%arg14 : memref<!tpu.dma_semaphore, #tpu.memory_space<semaphore_mem>>)
        %dma_wait3A_330 = arith.constant 0 : i32
        %dma_wait3A_331 = tpu.memref_slice %arg7[%add3A_263, %dma_wait3A_330] : memref<16x64xi32, #tpu.memory_space<vmem>> -> memref<1x64xi32, #tpu.memory_space<vmem>>
        %dma_wait3A_332 = tpu.memref_squeeze %dma_wait3A_331 : memref<1x64xi32, #tpu.memory_space<vmem>> -> memref<64xi32, #tpu.memory_space<vmem>>
        %dma_wait3A_333 = arith.constant 0 : i32
        %dma_wait3A_334 = arith.constant 0 : i32
        %dma_wait3A_335 = tpu.memref_slice %arg20[%dma_wait3A_333, %dma_wait3A_334] : memref<10240x128xf32, #tpu.memory_space<vmem_shared>> -> memref<10240x128xf32, #tpu.memory_space<vmem_shared>>
        tpu.wait_indirect_dma semaphore(%arg19 : memref<!tpu.dma_semaphore, #tpu.memory_space<semaphore_mem>>) src(%arg11 : memref<64x128xf32, #tpu.memory_space<vmem>>) dst(%dma_wait3A_335 : memref<10240x128xf32, #tpu.memory_space<vmem_shared>>)
        %add3A_336 = arith.constant 1 : i32
        %add3A_337 = arith.addi %add3A_211, %add3A_336 : i32
        %mul3A_338 = arith.constant 2 : i32
        %mul3A_339 = arith.muli %mul3A_338, %add3A_337 : i32
        %add3A_340 = arith.constant 1 : i32
        %add3A_341 = arith.addi %mul3A_339, %add3A_340 : i32
        %dma_start3A_342 = arith.constant 0 : i32
        %dma_start3A_343 = tpu.memref_slice %arg6[%add3A_341, %dma_start3A_342] : memref<16x64xi32, #tpu.memory_space<vmem>> -> memref<1x64xi32, #tpu.memory_space<vmem>>
        %dma_start3A_344 = tpu.memref_squeeze %dma_start3A_343 : memref<1x64xi32, #tpu.memory_space<vmem>> -> memref<64xi32, #tpu.memory_space<vmem>>
        %dma_start3A_345 = arith.constant 0 : i32
        %dma_start3A_346 = arith.constant 0 : i32
        %dma_start3A_347 = tpu.memref_slice %arg2[%dma_start3A_345, %dma_start3A_346] : memref<10240x128xf32, #tpu.memory_space<hbm>> -> memref<10240x128xf32, #tpu.memory_space<hbm>>
        tpu.enqueue_indirect_dma source(%dma_start3A_347 : memref<10240x128xf32, #tpu.memory_space<hbm>>) target(%arg11 : memref<64x128xf32, #tpu.memory_space<vmem>>) offsets(%dma_start3A_344 : memref<64xi32, #tpu.memory_space<vmem>>) semaphore(%arg15 : memref<!tpu.dma_semaphore, #tpu.memory_space<semaphore_mem>>)
      }
      %scan3A_123 = arith.constant 7 : i32
      %dma_wait3A = arith.constant 14 : i32
      %dma_wait3A_124 = arith.constant 0 : i32
      %dma_wait3A_125 = tpu.memref_slice %arg7[%dma_wait3A, %dma_wait3A_124] : memref<16x64xi32, #tpu.memory_space<vmem>> -> memref<1x64xi32, #tpu.memory_space<vmem>>
      %dma_wait3A_126 = tpu.memref_squeeze %dma_wait3A_125 : memref<1x64xi32, #tpu.memory_space<vmem>> -> memref<64xi32, #tpu.memory_space<vmem>>
      %dma_wait3A_127 = arith.constant 0 : i32
      %dma_wait3A_128 = arith.constant 0 : i32
      %dma_wait3A_129 = tpu.memref_slice %arg2[%dma_wait3A_127, %dma_wait3A_128] : memref<10240x128xf32, #tpu.memory_space<hbm>> -> memref<10240x128xf32, #tpu.memory_space<hbm>>
      tpu.wait_indirect_dma semaphore(%arg12 : memref<!tpu.dma_semaphore, #tpu.memory_space<semaphore_mem>>) src(%dma_wait3A_129 : memref<10240x128xf32, #tpu.memory_space<hbm>>) dst(%arg8 : memref<64x128xf32, #tpu.memory_space<vmem>>)
      %dma_start3A_130 = arith.constant 14 : i32
      %dma_start3A_131 = arith.constant 0 : i32
      %dma_start3A_132 = tpu.memref_slice %arg6[%dma_start3A_130, %dma_start3A_131] : memref<16x64xi32, #tpu.memory_space<vmem>> -> memref<1x64xi32, #tpu.memory_space<vmem>>
      %dma_start3A_133 = tpu.memref_squeeze %dma_start3A_132 : memref<1x64xi32, #tpu.memory_space<vmem>> -> memref<64xi32, #tpu.memory_space<vmem>>
      %dma_start3A_134 = arith.constant 0 : i32
      %dma_start3A_135 = arith.constant 0 : i32
      %dma_start3A_136 = tpu.memref_slice %arg20[%dma_start3A_134, %dma_start3A_135] : memref<10240x128xf32, #tpu.memory_space<vmem_shared>> -> memref<10240x128xf32, #tpu.memory_space<vmem_shared>>
      tpu.enqueue_indirect_dma source(%arg8 : memref<64x128xf32, #tpu.memory_space<vmem>>) target(%dma_start3A_136 : memref<10240x128xf32, #tpu.memory_space<vmem_shared>>) offsets(%dma_start3A_133 : memref<64xi32, #tpu.memory_space<vmem>>) semaphore(%arg16 : memref<!tpu.dma_semaphore, #tpu.memory_space<semaphore_mem>>) {add = true}
      %dma_wait3A_137 = arith.constant 14 : i32
      %dma_wait3A_138 = arith.constant 0 : i32
      %dma_wait3A_139 = tpu.memref_slice %arg6[%dma_wait3A_137, %dma_wait3A_138] : memref<16x64xi32, #tpu.memory_space<vmem>> -> memref<1x64xi32, #tpu.memory_space<vmem>>
      %dma_wait3A_140 = tpu.memref_squeeze %dma_wait3A_139 : memref<1x64xi32, #tpu.memory_space<vmem>> -> memref<64xi32, #tpu.memory_space<vmem>>
      %dma_wait3A_141 = arith.constant 0 : i32
      %dma_wait3A_142 = arith.constant 0 : i32
      %dma_wait3A_143 = tpu.memref_slice %arg2[%dma_wait3A_141, %dma_wait3A_142] : memref<10240x128xf32, #tpu.memory_space<hbm>> -> memref<10240x128xf32, #tpu.memory_space<hbm>>
      tpu.wait_indirect_dma semaphore(%arg13 : memref<!tpu.dma_semaphore, #tpu.memory_space<semaphore_mem>>) src(%dma_wait3A_143 : memref<10240x128xf32, #tpu.memory_space<hbm>>) dst(%arg9 : memref<64x128xf32, #tpu.memory_space<vmem>>)
      %dma_start3A_144 = arith.constant 14 : i32
      %dma_start3A_145 = arith.constant 0 : i32
      %dma_start3A_146 = tpu.memref_slice %arg7[%dma_start3A_144, %dma_start3A_145] : memref<16x64xi32, #tpu.memory_space<vmem>> -> memref<1x64xi32, #tpu.memory_space<vmem>>
      %dma_start3A_147 = tpu.memref_squeeze %dma_start3A_146 : memref<1x64xi32, #tpu.memory_space<vmem>> -> memref<64xi32, #tpu.memory_space<vmem>>
      %dma_start3A_148 = arith.constant 0 : i32
      %dma_start3A_149 = arith.constant 0 : i32
      %dma_start3A_150 = tpu.memref_slice %arg20[%dma_start3A_148, %dma_start3A_149] : memref<10240x128xf32, #tpu.memory_space<vmem_shared>> -> memref<10240x128xf32, #tpu.memory_space<vmem_shared>>
      tpu.enqueue_indirect_dma source(%arg9 : memref<64x128xf32, #tpu.memory_space<vmem>>) target(%dma_start3A_150 : memref<10240x128xf32, #tpu.memory_space<vmem_shared>>) offsets(%dma_start3A_147 : memref<64xi32, #tpu.memory_space<vmem>>) semaphore(%arg17 : memref<!tpu.dma_semaphore, #tpu.memory_space<semaphore_mem>>) {add = true}
      %dma_wait3A_151 = arith.constant 15 : i32
      %dma_wait3A_152 = arith.constant 0 : i32
      %dma_wait3A_153 = tpu.memref_slice %arg7[%dma_wait3A_151, %dma_wait3A_152] : memref<16x64xi32, #tpu.memory_space<vmem>> -> memref<1x64xi32, #tpu.memory_space<vmem>>
      %dma_wait3A_154 = tpu.memref_squeeze %dma_wait3A_153 : memref<1x64xi32, #tpu.memory_space<vmem>> -> memref<64xi32, #tpu.memory_space<vmem>>
      %dma_wait3A_155 = arith.constant 0 : i32
      %dma_wait3A_156 = arith.constant 0 : i32
      %dma_wait3A_157 = tpu.memref_slice %arg2[%dma_wait3A_155, %dma_wait3A_156] : memref<10240x128xf32, #tpu.memory_space<hbm>> -> memref<10240x128xf32, #tpu.memory_space<hbm>>
      tpu.wait_indirect_dma semaphore(%arg14 : memref<!tpu.dma_semaphore, #tpu.memory_space<semaphore_mem>>) src(%dma_wait3A_157 : memref<10240x128xf32, #tpu.memory_space<hbm>>) dst(%arg10 : memref<64x128xf32, #tpu.memory_space<vmem>>)
      %dma_start3A_158 = arith.constant 15 : i32
      %dma_start3A_159 = arith.constant 0 : i32
      %dma_start3A_160 = tpu.memref_slice %arg6[%dma_start3A_158, %dma_start3A_159] : memref<16x64xi32, #tpu.memory_space<vmem>> -> memref<1x64xi32, #tpu.memory_space<vmem>>
      %dma_start3A_161 = tpu.memref_squeeze %dma_start3A_160 : memref<1x64xi32, #tpu.memory_space<vmem>> -> memref<64xi32, #tpu.memory_space<vmem>>
      %dma_start3A_162 = arith.constant 0 : i32
      %dma_start3A_163 = arith.constant 0 : i32
      %dma_start3A_164 = tpu.memref_slice %arg20[%dma_start3A_162, %dma_start3A_163] : memref<10240x128xf32, #tpu.memory_space<vmem_shared>> -> memref<10240x128xf32, #tpu.memory_space<vmem_shared>>
      tpu.enqueue_indirect_dma source(%arg10 : memref<64x128xf32, #tpu.memory_space<vmem>>) target(%dma_start3A_164 : memref<10240x128xf32, #tpu.memory_space<vmem_shared>>) offsets(%dma_start3A_161 : memref<64xi32, #tpu.memory_space<vmem>>) semaphore(%arg18 : memref<!tpu.dma_semaphore, #tpu.memory_space<semaphore_mem>>) {add = true}
      %dma_wait3A_165 = arith.constant 15 : i32
      %dma_wait3A_166 = arith.constant 0 : i32
      %dma_wait3A_167 = tpu.memref_slice %arg6[%dma_wait3A_165, %dma_wait3A_166] : memref<16x64xi32, #tpu.memory_space<vmem>> -> memref<1x64xi32, #tpu.memory_space<vmem>>
      %dma_wait3A_168 = tpu.memref_squeeze %dma_wait3A_167 : memref<1x64xi32, #tpu.memory_space<vmem>> -> memref<64xi32, #tpu.memory_space<vmem>>
      %dma_wait3A_169 = arith.constant 0 : i32
      %dma_wait3A_170 = arith.constant 0 : i32
      %dma_wait3A_171 = tpu.memref_slice %arg2[%dma_wait3A_169, %dma_wait3A_170] : memref<10240x128xf32, #tpu.memory_space<hbm>> -> memref<10240x128xf32, #tpu.memory_space<hbm>>
      tpu.wait_indirect_dma semaphore(%arg15 : memref<!tpu.dma_semaphore, #tpu.memory_space<semaphore_mem>>) src(%dma_wait3A_171 : memref<10240x128xf32, #tpu.memory_space<hbm>>) dst(%arg11 : memref<64x128xf32, #tpu.memory_space<vmem>>)
      %dma_start3A_172 = arith.constant 15 : i32
      %dma_start3A_173 = arith.constant 0 : i32
      %dma_start3A_174 = tpu.memref_slice %arg7[%dma_start3A_172, %dma_start3A_173] : memref<16x64xi32, #tpu.memory_space<vmem>> -> memref<1x64xi32, #tpu.memory_space<vmem>>
      %dma_start3A_175 = tpu.memref_squeeze %dma_start3A_174 : memref<1x64xi32, #tpu.memory_space<vmem>> -> memref<64xi32, #tpu.memory_space<vmem>>
      %dma_start3A_176 = arith.constant 0 : i32
      %dma_start3A_177 = arith.constant 0 : i32
      %dma_start3A_178 = tpu.memref_slice %arg20[%dma_start3A_176, %dma_start3A_177] : memref<10240x128xf32, #tpu.memory_space<vmem_shared>> -> memref<10240x128xf32, #tpu.memory_space<vmem_shared>>
      tpu.enqueue_indirect_dma source(%arg11 : memref<64x128xf32, #tpu.memory_space<vmem>>) target(%dma_start3A_178 : memref<10240x128xf32, #tpu.memory_space<vmem_shared>>) offsets(%dma_start3A_175 : memref<64xi32, #tpu.memory_space<vmem>>) semaphore(%arg19 : memref<!tpu.dma_semaphore, #tpu.memory_space<semaphore_mem>>) {add = true}
      %dma_wait3A_179 = arith.constant 14 : i32
      %dma_wait3A_180 = arith.constant 0 : i32
      %dma_wait3A_181 = tpu.memref_slice %arg6[%dma_wait3A_179, %dma_wait3A_180] : memref<16x64xi32, #tpu.memory_space<vmem>> -> memref<1x64xi32, #tpu.memory_space<vmem>>
      %dma_wait3A_182 = tpu.memref_squeeze %dma_wait3A_181 : memref<1x64xi32, #tpu.memory_space<vmem>> -> memref<64xi32, #tpu.memory_space<vmem>>
      %dma_wait3A_183 = arith.constant 0 : i32
      %dma_wait3A_184 = arith.constant 0 : i32
      %dma_wait3A_185 = tpu.memref_slice %arg20[%dma_wait3A_183, %dma_wait3A_184] : memref<10240x128xf32, #tpu.memory_space<vmem_shared>> -> memref<10240x128xf32, #tpu.memory_space<vmem_shared>>
      tpu.wait_indirect_dma semaphore(%arg16 : memref<!tpu.dma_semaphore, #tpu.memory_space<semaphore_mem>>) src(%arg8 : memref<64x128xf32, #tpu.memory_space<vmem>>) dst(%dma_wait3A_185 : memref<10240x128xf32, #tpu.memory_space<vmem_shared>>)
      %dma_wait3A_186 = arith.constant 14 : i32
      %dma_wait3A_187 = arith.constant 0 : i32
      %dma_wait3A_188 = tpu.memref_slice %arg7[%dma_wait3A_186, %dma_wait3A_187] : memref<16x64xi32, #tpu.memory_space<vmem>> -> memref<1x64xi32, #tpu.memory_space<vmem>>
      %dma_wait3A_189 = tpu.memref_squeeze %dma_wait3A_188 : memref<1x64xi32, #tpu.memory_space<vmem>> -> memref<64xi32, #tpu.memory_space<vmem>>
      %dma_wait3A_190 = arith.constant 0 : i32
      %dma_wait3A_191 = arith.constant 0 : i32
      %dma_wait3A_192 = tpu.memref_slice %arg20[%dma_wait3A_190, %dma_wait3A_191] : memref<10240x128xf32, #tpu.memory_space<vmem_shared>> -> memref<10240x128xf32, #tpu.memory_space<vmem_shared>>
      tpu.wait_indirect_dma semaphore(%arg17 : memref<!tpu.dma_semaphore, #tpu.memory_space<semaphore_mem>>) src(%arg9 : memref<64x128xf32, #tpu.memory_space<vmem>>) dst(%dma_wait3A_192 : memref<10240x128xf32, #tpu.memory_space<vmem_shared>>)
      %dma_wait3A_193 = arith.constant 15 : i32
      %dma_wait3A_194 = arith.constant 0 : i32
      %dma_wait3A_195 = tpu.memref_slice %arg6[%dma_wait3A_193, %dma_wait3A_194] : memref<16x64xi32, #tpu.memory_space<vmem>> -> memref<1x64xi32, #tpu.memory_space<vmem>>
      %dma_wait3A_196 = tpu.memref_squeeze %dma_wait3A_195 : memref<1x64xi32, #tpu.memory_space<vmem>> -> memref<64xi32, #tpu.memory_space<vmem>>
      %dma_wait3A_197 = arith.constant 0 : i32
      %dma_wait3A_198 = arith.constant 0 : i32
      %dma_wait3A_199 = tpu.memref_slice %arg20[%dma_wait3A_197, %dma_wait3A_198] : memref<10240x128xf32, #tpu.memory_space<vmem_shared>> -> memref<10240x128xf32, #tpu.memory_space<vmem_shared>>
      tpu.wait_indirect_dma semaphore(%arg18 : memref<!tpu.dma_semaphore, #tpu.memory_space<semaphore_mem>>) src(%arg10 : memref<64x128xf32, #tpu.memory_space<vmem>>) dst(%dma_wait3A_199 : memref<10240x128xf32, #tpu.memory_space<vmem_shared>>)
      %dma_wait3A_200 = arith.constant 15 : i32
      %dma_wait3A_201 = arith.constant 0 : i32
      %dma_wait3A_202 = tpu.memref_slice %arg7[%dma_wait3A_200, %dma_wait3A_201] : memref<16x64xi32, #tpu.memory_space<vmem>> -> memref<1x64xi32, #tpu.memory_space<vmem>>
      %dma_wait3A_203 = tpu.memref_squeeze %dma_wait3A_202 : memref<1x64xi32, #tpu.memory_space<vmem>> -> memref<64xi32, #tpu.memory_space<vmem>>
      %dma_wait3A_204 = arith.constant 0 : i32
      %dma_wait3A_205 = arith.constant 0 : i32
      %dma_wait3A_206 = tpu.memref_slice %arg20[%dma_wait3A_204, %dma_wait3A_205] : memref<10240x128xf32, #tpu.memory_space<vmem_shared>> -> memref<10240x128xf32, #tpu.memory_space<vmem_shared>>
      tpu.wait_indirect_dma semaphore(%arg19 : memref<!tpu.dma_semaphore, #tpu.memory_space<semaphore_mem>>) src(%arg11 : memref<64x128xf32, #tpu.memory_space<vmem>>) dst(%dma_wait3A_206 : memref<10240x128xf32, #tpu.memory_space<vmem_shared>>)
    }
    %scan3A_16 = arith.constant 10 : i32
    %barrier3A_17 = arith.constant 0 : index
    tpu.barrier barrier_id(%barrier3A_17)
    %add3A_18 = arith.constant 0 : i32
    %add3A_19 = arith.addi %mul3A_2, %add3A_18 : i32
    "tpu.region"() ({
      %run_scoped3A = tpu.sem_alloc : memref<!tpu.dma_semaphore, #tpu.memory_space<semaphore_mem>>
      %dma_start3A = arith.constant 0 : i32
      %dma_start3A_82 = arith.constant 0 : i32
      %dma_start3A_83 = tpu.memref_slice %arg8[%dma_start3A, %dma_start3A_82] : memref<64x128xf32, #tpu.memory_space<vmem>> -> memref<40x128xf32, #tpu.memory_space<vmem>>
      %dma_start3A_84 = arith.constant 0 : i32
      %dma_start3A_85 = tpu.memref_slice %arg20[%add3A_19, %dma_start3A_84] : memref<10240x128xf32, #tpu.memory_space<vmem_shared>> -> memref<40x128xf32, #tpu.memory_space<vmem_shared>>
      %dma_start3A_86 = arith.constant 0 : i32
      %dma_start3A_87 = arith.constant 0 : i32
      %dma_start3A_88 = tpu.memref_slice %arg8[%dma_start3A_86, %dma_start3A_87] : memref<64x128xf32, #tpu.memory_space<vmem>> -> memref<40x128xf32, #tpu.memory_space<vmem>>
      %dma_start3A_89 = arith.constant 0 : i32
      %dma_start3A_90 = tpu.memref_slice %arg20[%add3A_19, %dma_start3A_89] : memref<10240x128xf32, #tpu.memory_space<vmem_shared>> -> memref<40x128xf32, #tpu.memory_space<vmem_shared>>
      tpu.enqueue_dma source(%dma_start3A_90 : memref<40x128xf32, #tpu.memory_space<vmem_shared>>) target(%dma_start3A_88 : memref<40x128xf32, #tpu.memory_space<vmem>>) target_semaphore(%run_scoped3A : memref<!tpu.dma_semaphore, #tpu.memory_space<semaphore_mem>>)
      %dma_wait3A = arith.constant 0 : i32
      %dma_wait3A_91 = arith.constant 0 : i32
      %dma_wait3A_92 = tpu.memref_slice %arg8[%dma_wait3A, %dma_wait3A_91] : memref<64x128xf32, #tpu.memory_space<vmem>> -> memref<40x128xf32, #tpu.memory_space<vmem>>
      %dma_wait3A_93 = arith.constant 0 : i32
      %dma_wait3A_94 = tpu.memref_slice %arg20[%add3A_19, %dma_wait3A_93] : memref<10240x128xf32, #tpu.memory_space<vmem_shared>> -> memref<40x128xf32, #tpu.memory_space<vmem_shared>>
      %dma_wait3A_95 = arith.constant 0 : i32
      %dma_wait3A_96 = arith.constant 0 : i32
      %dma_wait3A_97 = tpu.memref_slice %arg8[%dma_wait3A_95, %dma_wait3A_96] : memref<64x128xf32, #tpu.memory_space<vmem>> -> memref<40x128xf32, #tpu.memory_space<vmem>>
      %dma_wait3A_98 = arith.constant 0 : i32
      %dma_wait3A_99 = tpu.memref_slice %arg20[%add3A_19, %dma_wait3A_98] : memref<10240x128xf32, #tpu.memory_space<vmem_shared>> -> memref<40x128xf32, #tpu.memory_space<vmem_shared>>
      tpu.wait_dma2 semaphore(%run_scoped3A : memref<!tpu.dma_semaphore, #tpu.memory_space<semaphore_mem>>) src(%dma_wait3A_99 : memref<40x128xf32, #tpu.memory_space<vmem_shared>>) dst(%dma_wait3A_97 : memref<40x128xf32, #tpu.memory_space<vmem>>)
      tpu.yield
    }) : () -> ()
    %add3A_20 = arith.constant 0 : i32
    %add3A_21 = arith.addi %mul3A_2, %add3A_20 : i32
    "tpu.region"() ({
      %run_scoped3A = tpu.sem_alloc : memref<!tpu.dma_semaphore, #tpu.memory_space<semaphore_mem>>
      %dma_start3A = arith.constant 0 : i32
      %dma_start3A_82 = arith.constant 0 : i32
      %dma_start3A_83 = tpu.memref_slice %arg8[%dma_start3A, %dma_start3A_82] : memref<64x128xf32, #tpu.memory_space<vmem>> -> memref<40x128xf32, #tpu.memory_space<vmem>>
      %dma_start3A_84 = arith.constant 0 : i32
      %dma_start3A_85 = tpu.memref_slice %arg5[%arg0, %add3A_21, %dma_start3A_84] : memref<2x10240x128xf32, #tpu.memory_space<hbm>> -> memref<1x40x128xf32, #tpu.memory_space<hbm>>
      %dma_start3A_86 = tpu.memref_squeeze %dma_start3A_85 : memref<1x40x128xf32, #tpu.memory_space<hbm>> -> memref<40x128xf32, #tpu.memory_space<hbm>>
      %dma_start3A_87 = arith.constant 0 : i32
      %dma_start3A_88 = tpu.memref_slice %arg5[%arg0, %add3A_21, %dma_start3A_87] : memref<2x10240x128xf32, #tpu.memory_space<hbm>> -> memref<1x40x128xf32, #tpu.memory_space<hbm>>
      %dma_start3A_89 = tpu.memref_squeeze %dma_start3A_88 : memref<1x40x128xf32, #tpu.memory_space<hbm>> -> memref<40x128xf32, #tpu.memory_space<hbm>>
      %dma_start3A_90 = arith.constant 0 : i32
      %dma_start3A_91 = arith.constant 0 : i32
      %dma_start3A_92 = tpu.memref_slice %arg8[%dma_start3A_90, %dma_start3A_91] : memref<64x128xf32, #tpu.memory_space<vmem>> -> memref<40x128xf32, #tpu.memory_space<vmem>>
      tpu.enqueue_dma source(%dma_start3A_92 : memref<40x128xf32, #tpu.memory_space<vmem>>) target(%dma_start3A_89 : memref<40x128xf32, #tpu.memory_space<hbm>>) target_semaphore(%run_scoped3A : memref<!tpu.dma_semaphore, #tpu.memory_space<semaphore_mem>>)
      %dma_wait3A = arith.constant 0 : i32
      %dma_wait3A_93 = arith.constant 0 : i32
      %dma_wait3A_94 = tpu.memref_slice %arg8[%dma_wait3A, %dma_wait3A_93] : memref<64x128xf32, #tpu.memory_space<vmem>> -> memref<40x128xf32, #tpu.memory_space<vmem>>
      %dma_wait3A_95 = arith.constant 0 : i32
      %dma_wait3A_96 = tpu.memref_slice %arg5[%arg0, %add3A_21, %dma_wait3A_95] : memref<2x10240x128xf32, #tpu.memory_space<hbm>> -> memref<1x40x128xf32, #tpu.memory_space<hbm>>
      %dma_wait3A_97 = tpu.memref_squeeze %dma_wait3A_96 : memref<1x40x128xf32, #tpu.memory_space<hbm>> -> memref<40x128xf32, #tpu.memory_space<hbm>>
      %dma_wait3A_98 = arith.constant 0 : i32
      %dma_wait3A_99 = tpu.memref_slice %arg5[%arg0, %add3A_21, %dma_wait3A_98] : memref<2x10240x128xf32, #tpu.memory_space<hbm>> -> memref<1x40x128xf32, #tpu.memory_space<hbm>>
      %dma_wait3A_100 = tpu.memref_squeeze %dma_wait3A_99 : memref<1x40x128xf32, #tpu.memory_space<hbm>> -> memref<40x128xf32, #tpu.memory_space<hbm>>
      %dma_wait3A_101 = arith.constant 0 : i32
      %dma_wait3A_102 = arith.constant 0 : i32
      %dma_wait3A_103 = tpu.memref_slice %arg8[%dma_wait3A_101, %dma_wait3A_102] : memref<64x128xf32, #tpu.memory_space<vmem>> -> memref<40x128xf32, #tpu.memory_space<vmem>>
      tpu.wait_dma2 semaphore(%run_scoped3A : memref<!tpu.dma_semaphore, #tpu.memory_space<semaphore_mem>>) src(%dma_wait3A_103 : memref<40x128xf32, #tpu.memory_space<vmem>>) dst(%dma_wait3A_100 : memref<40x128xf32, #tpu.memory_space<hbm>>)
      tpu.yield
    }) : () -> ()
    %add3A_22 = arith.constant 40 : i32
    %add3A_23 = arith.addi %mul3A_2, %add3A_22 : i32
    "tpu.region"() ({
      %run_scoped3A = tpu.sem_alloc : memref<!tpu.dma_semaphore, #tpu.memory_space<semaphore_mem>>
      %dma_start3A = arith.constant 0 : i32
      %dma_start3A_82 = arith.constant 0 : i32
      %dma_start3A_83 = tpu.memref_slice %arg8[%dma_start3A, %dma_start3A_82] : memref<64x128xf32, #tpu.memory_space<vmem>> -> memref<40x128xf32, #tpu.memory_space<vmem>>
      %dma_start3A_84 = arith.constant 0 : i32
      %dma_start3A_85 = tpu.memref_slice %arg20[%add3A_23, %dma_start3A_84] : memref<10240x128xf32, #tpu.memory_space<vmem_shared>> -> memref<40x128xf32, #tpu.memory_space<vmem_shared>>
      %dma_start3A_86 = arith.constant 0 : i32
      %dma_start3A_87 = arith.constant 0 : i32
      %dma_start3A_88 = tpu.memref_slice %arg8[%dma_start3A_86, %dma_start3A_87] : memref<64x128xf32, #tpu.memory_space<vmem>> -> memref<40x128xf32, #tpu.memory_space<vmem>>
      %dma_start3A_89 = arith.constant 0 : i32
      %dma_start3A_90 = tpu.memref_slice %arg20[%add3A_23, %dma_start3A_89] : memref<10240x128xf32, #tpu.memory_space<vmem_shared>> -> memref<40x128xf32, #tpu.memory_space<vmem_shared>>
      tpu.enqueue_dma source(%dma_start3A_90 : memref<40x128xf32, #tpu.memory_space<vmem_shared>>) target(%dma_start3A_88 : memref<40x128xf32, #tpu.memory_space<vmem>>) target_semaphore(%run_scoped3A : memref<!tpu.dma_semaphore, #tpu.memory_space<semaphore_mem>>)
      %dma_wait3A = arith.constant 0 : i32
      %dma_wait3A_91 = arith.constant 0 : i32
      %dma_wait3A_92 = tpu.memref_slice %arg8[%dma_wait3A, %dma_wait3A_91] : memref<64x128xf32, #tpu.memory_space<vmem>> -> memref<40x128xf32, #tpu.memory_space<vmem>>
      %dma_wait3A_93 = arith.constant 0 : i32
      %dma_wait3A_94 = tpu.memref_slice %arg20[%add3A_23, %dma_wait3A_93] : memref<10240x128xf32, #tpu.memory_space<vmem_shared>> -> memref<40x128xf32, #tpu.memory_space<vmem_shared>>
      %dma_wait3A_95 = arith.constant 0 : i32
      %dma_wait3A_96 = arith.constant 0 : i32
      %dma_wait3A_97 = tpu.memref_slice %arg8[%dma_wait3A_95, %dma_wait3A_96] : memref<64x128xf32, #tpu.memory_space<vmem>> -> memref<40x128xf32, #tpu.memory_space<vmem>>
      %dma_wait3A_98 = arith.constant 0 : i32
      %dma_wait3A_99 = tpu.memref_slice %arg20[%add3A_23, %dma_wait3A_98] : memref<10240x128xf32, #tpu.memory_space<vmem_shared>> -> memref<40x128xf32, #tpu.memory_space<vmem_shared>>
      tpu.wait_dma2 semaphore(%run_scoped3A : memref<!tpu.dma_semaphore, #tpu.memory_space<semaphore_mem>>) src(%dma_wait3A_99 : memref<40x128xf32, #tpu.memory_space<vmem_shared>>) dst(%dma_wait3A_97 : memref<40x128xf32, #tpu.memory_space<vmem>>)
      tpu.yield
    }) : () -> ()
    %add3A_24 = arith.constant 40 : i32
    %add3A_25 = arith.addi %mul3A_2, %add3A_24 : i32
    "tpu.region"() ({
      %run_scoped3A = tpu.sem_alloc : memref<!tpu.dma_semaphore, #tpu.memory_space<semaphore_mem>>
      %dma_start3A = arith.constant 0 : i32
      %dma_start3A_82 = arith.constant 0 : i32
      %dma_start3A_83 = tpu.memref_slice %arg8[%dma_start3A, %dma_start3A_82] : memref<64x128xf32, #tpu.memory_space<vmem>> -> memref<40x128xf32, #tpu.memory_space<vmem>>
      %dma_start3A_84 = arith.constant 0 : i32
      %dma_start3A_85 = tpu.memref_slice %arg5[%arg0, %add3A_25, %dma_start3A_84] : memref<2x10240x128xf32, #tpu.memory_space<hbm>> -> memref<1x40x128xf32, #tpu.memory_space<hbm>>
      %dma_start3A_86 = tpu.memref_squeeze %dma_start3A_85 : memref<1x40x128xf32, #tpu.memory_space<hbm>> -> memref<40x128xf32, #tpu.memory_space<hbm>>
      %dma_start3A_87 = arith.constant 0 : i32
      %dma_start3A_88 = tpu.memref_slice %arg5[%arg0, %add3A_25, %dma_start3A_87] : memref<2x10240x128xf32, #tpu.memory_space<hbm>> -> memref<1x40x128xf32, #tpu.memory_space<hbm>>
      %dma_start3A_89 = tpu.memref_squeeze %dma_start3A_88 : memref<1x40x128xf32, #tpu.memory_space<hbm>> -> memref<40x128xf32, #tpu.memory_space<hbm>>
      %dma_start3A_90 = arith.constant 0 : i32
      %dma_start3A_91 = arith.constant 0 : i32
      %dma_start3A_92 = tpu.memref_slice %arg8[%dma_start3A_90, %dma_start3A_91] : memref<64x128xf32, #tpu.memory_space<vmem>> -> memref<40x128xf32, #tpu.memory_space<vmem>>
      tpu.enqueue_dma source(%dma_start3A_92 : memref<40x128xf32, #tpu.memory_space<vmem>>) target(%dma_start3A_89 : memref<40x128xf32, #tpu.memory_space<hbm>>) target_semaphore(%run_scoped3A : memref<!tpu.dma_semaphore, #tpu.memory_space<semaphore_mem>>)
      %dma_wait3A = arith.constant 0 : i32
      %dma_wait3A_93 = arith.constant 0 : i32
      %dma_wait3A_94 = tpu.memref_slice %arg8[%dma_wait3A, %dma_wait3A_93] : memref<64x128xf32, #tpu.memory_space<vmem>> -> memref<40x128xf32, #tpu.memory_space<vmem>>
      %dma_wait3A_95 = arith.constant 0 : i32
      %dma_wait3A_96 = tpu.memref_slice %arg5[%arg0, %add3A_25, %dma_wait3A_95] : memref<2x10240x128xf32, #tpu.memory_space<hbm>> -> memref<1x40x128xf32, #tpu.memory_space<hbm>>
      %dma_wait3A_97 = tpu.memref_squeeze %dma_wait3A_96 : memref<1x40x128xf32, #tpu.memory_space<hbm>> -> memref<40x128xf32, #tpu.memory_space<hbm>>
      %dma_wait3A_98 = arith.constant 0 : i32
      %dma_wait3A_99 = tpu.memref_slice %arg5[%arg0, %add3A_25, %dma_wait3A_98] : memref<2x10240x128xf32, #tpu.memory_space<hbm>> -> memref<1x40x128xf32, #tpu.memory_space<hbm>>
      %dma_wait3A_100 = tpu.memref_squeeze %dma_wait3A_99 : memref<1x40x128xf32, #tpu.memory_space<hbm>> -> memref<40x128xf32, #tpu.memory_space<hbm>>
      %dma_wait3A_101 = arith.constant 0 : i32
      %dma_wait3A_102 = arith.constant 0 : i32
      %dma_wait3A_103 = tpu.memref_slice %arg8[%dma_wait3A_101, %dma_wait3A_102] : memref<64x128xf32, #tpu.memory_space<vmem>> -> memref<40x128xf32, #tpu.memory_space<vmem>>
      tpu.wait_dma2 semaphore(%run_scoped3A : memref<!tpu.dma_semaphore, #tpu.memory_space<semaphore_mem>>) src(%dma_wait3A_103 : memref<40x128xf32, #tpu.memory_space<vmem>>) dst(%dma_wait3A_100 : memref<40x128xf32, #tpu.memory_space<hbm>>)
      tpu.yield
    }) : () -> ()
    %add3A_26 = arith.constant 80 : i32
    %add3A_27 = arith.addi %mul3A_2, %add3A_26 : i32
    "tpu.region"() ({
      %run_scoped3A = tpu.sem_alloc : memref<!tpu.dma_semaphore, #tpu.memory_space<semaphore_mem>>
      %dma_start3A = arith.constant 0 : i32
      %dma_start3A_82 = arith.constant 0 : i32
      %dma_start3A_83 = tpu.memref_slice %arg8[%dma_start3A, %dma_start3A_82] : memref<64x128xf32, #tpu.memory_space<vmem>> -> memref<40x128xf32, #tpu.memory_space<vmem>>
      %dma_start3A_84 = arith.constant 0 : i32
      %dma_start3A_85 = tpu.memref_slice %arg20[%add3A_27, %dma_start3A_84] : memref<10240x128xf32, #tpu.memory_space<vmem_shared>> -> memref<40x128xf32, #tpu.memory_space<vmem_shared>>
      %dma_start3A_86 = arith.constant 0 : i32
      %dma_start3A_87 = arith.constant 0 : i32
      %dma_start3A_88 = tpu.memref_slice %arg8[%dma_start3A_86, %dma_start3A_87] : memref<64x128xf32, #tpu.memory_space<vmem>> -> memref<40x128xf32, #tpu.memory_space<vmem>>
      %dma_start3A_89 = arith.constant 0 : i32
      %dma_start3A_90 = tpu.memref_slice %arg20[%add3A_27, %dma_start3A_89] : memref<10240x128xf32, #tpu.memory_space<vmem_shared>> -> memref<40x128xf32, #tpu.memory_space<vmem_shared>>
      tpu.enqueue_dma source(%dma_start3A_90 : memref<40x128xf32, #tpu.memory_space<vmem_shared>>) target(%dma_start3A_88 : memref<40x128xf32, #tpu.memory_space<vmem>>) target_semaphore(%run_scoped3A : memref<!tpu.dma_semaphore, #tpu.memory_space<semaphore_mem>>)
      %dma_wait3A = arith.constant 0 : i32
      %dma_wait3A_91 = arith.constant 0 : i32
      %dma_wait3A_92 = tpu.memref_slice %arg8[%dma_wait3A, %dma_wait3A_91] : memref<64x128xf32, #tpu.memory_space<vmem>> -> memref<40x128xf32, #tpu.memory_space<vmem>>
      %dma_wait3A_93 = arith.constant 0 : i32
      %dma_wait3A_94 = tpu.memref_slice %arg20[%add3A_27, %dma_wait3A_93] : memref<10240x128xf32, #tpu.memory_space<vmem_shared>> -> memref<40x128xf32, #tpu.memory_space<vmem_shared>>
      %dma_wait3A_95 = arith.constant 0 : i32
      %dma_wait3A_96 = arith.constant 0 : i32
      %dma_wait3A_97 = tpu.memref_slice %arg8[%dma_wait3A_95, %dma_wait3A_96] : memref<64x128xf32, #tpu.memory_space<vmem>> -> memref<40x128xf32, #tpu.memory_space<vmem>>
      %dma_wait3A_98 = arith.constant 0 : i32
      %dma_wait3A_99 = tpu.memref_slice %arg20[%add3A_27, %dma_wait3A_98] : memref<10240x128xf32, #tpu.memory_space<vmem_shared>> -> memref<40x128xf32, #tpu.memory_space<vmem_shared>>
      tpu.wait_dma2 semaphore(%run_scoped3A : memref<!tpu.dma_semaphore, #tpu.memory_space<semaphore_mem>>) src(%dma_wait3A_99 : memref<40x128xf32, #tpu.memory_space<vmem_shared>>) dst(%dma_wait3A_97 : memref<40x128xf32, #tpu.memory_space<vmem>>)
      tpu.yield
    }) : () -> ()
    %add3A_28 = arith.constant 80 : i32
    %add3A_29 = arith.addi %mul3A_2, %add3A_28 : i32
    "tpu.region"() ({
      %run_scoped3A = tpu.sem_alloc : memref<!tpu.dma_semaphore, #tpu.memory_space<semaphore_mem>>
      %dma_start3A = arith.constant 0 : i32
      %dma_start3A_82 = arith.constant 0 : i32
      %dma_start3A_83 = tpu.memref_slice %arg8[%dma_start3A, %dma_start3A_82] : memref<64x128xf32, #tpu.memory_space<vmem>> -> memref<40x128xf32, #tpu.memory_space<vmem>>
      %dma_start3A_84 = arith.constant 0 : i32
      %dma_start3A_85 = tpu.memref_slice %arg5[%arg0, %add3A_29, %dma_start3A_84] : memref<2x10240x128xf32, #tpu.memory_space<hbm>> -> memref<1x40x128xf32, #tpu.memory_space<hbm>>
      %dma_start3A_86 = tpu.memref_squeeze %dma_start3A_85 : memref<1x40x128xf32, #tpu.memory_space<hbm>> -> memref<40x128xf32, #tpu.memory_space<hbm>>
      %dma_start3A_87 = arith.constant 0 : i32
      %dma_start3A_88 = tpu.memref_slice %arg5[%arg0, %add3A_29, %dma_start3A_87] : memref<2x10240x128xf32, #tpu.memory_space<hbm>> -> memref<1x40x128xf32, #tpu.memory_space<hbm>>
      %dma_start3A_89 = tpu.memref_squeeze %dma_start3A_88 : memref<1x40x128xf32, #tpu.memory_space<hbm>> -> memref<40x128xf32, #tpu.memory_space<hbm>>
      %dma_start3A_90 = arith.constant 0 : i32
      %dma_start3A_91 = arith.constant 0 : i32
      %dma_start3A_92 = tpu.memref_slice %arg8[%dma_start3A_90, %dma_start3A_91] : memref<64x128xf32, #tpu.memory_space<vmem>> -> memref<40x128xf32, #tpu.memory_space<vmem>>
      tpu.enqueue_dma source(%dma_start3A_92 : memref<40x128xf32, #tpu.memory_space<vmem>>) target(%dma_start3A_89 : memref<40x128xf32, #tpu.memory_space<hbm>>) target_semaphore(%run_scoped3A : memref<!tpu.dma_semaphore, #tpu.memory_space<semaphore_mem>>)
      %dma_wait3A = arith.constant 0 : i32
      %dma_wait3A_93 = arith.constant 0 : i32
      %dma_wait3A_94 = tpu.memref_slice %arg8[%dma_wait3A, %dma_wait3A_93] : memref<64x128xf32, #tpu.memory_space<vmem>> -> memref<40x128xf32, #tpu.memory_space<vmem>>
      %dma_wait3A_95 = arith.constant 0 : i32
      %dma_wait3A_96 = tpu.memref_slice %arg5[%arg0, %add3A_29, %dma_wait3A_95] : memref<2x10240x128xf32, #tpu.memory_space<hbm>> -> memref<1x40x128xf32, #tpu.memory_space<hbm>>
      %dma_wait3A_97 = tpu.memref_squeeze %dma_wait3A_96 : memref<1x40x128xf32, #tpu.memory_space<hbm>> -> memref<40x128xf32, #tpu.memory_space<hbm>>
      %dma_wait3A_98 = arith.constant 0 : i32
      %dma_wait3A_99 = tpu.memref_slice %arg5[%arg0, %add3A_29, %dma_wait3A_98] : memref<2x10240x128xf32, #tpu.memory_space<hbm>> -> memref<1x40x128xf32, #tpu.memory_space<hbm>>
      %dma_wait3A_100 = tpu.memref_squeeze %dma_wait3A_99 : memref<1x40x128xf32, #tpu.memory_space<hbm>> -> memref<40x128xf32, #tpu.memory_space<hbm>>
      %dma_wait3A_101 = arith.constant 0 : i32
      %dma_wait3A_102 = arith.constant 0 : i32
      %dma_wait3A_103 = tpu.memref_slice %arg8[%dma_wait3A_101, %dma_wait3A_102] : memref<64x128xf32, #tpu.memory_space<vmem>> -> memref<40x128xf32, #tpu.memory_space<vmem>>
      tpu.wait_dma2 semaphore(%run_scoped3A : memref<!tpu.dma_semaphore, #tpu.memory_space<semaphore_mem>>) src(%dma_wait3A_103 : memref<40x128xf32, #tpu.memory_space<vmem>>) dst(%dma_wait3A_100 : memref<40x128xf32, #tpu.memory_space<hbm>>)
      tpu.yield
    }) : () -> ()
    %add3A_30 = arith.constant 120 : i32
    %add3A_31 = arith.addi %mul3A_2, %add3A_30 : i32
    "tpu.region"() ({
      %run_scoped3A = tpu.sem_alloc : memref<!tpu.dma_semaphore, #tpu.memory_space<semaphore_mem>>
      %dma_start3A = arith.constant 0 : i32
      %dma_start3A_82 = arith.constant 0 : i32
      %dma_start3A_83 = tpu.memref_slice %arg8[%dma_start3A, %dma_start3A_82] : memref<64x128xf32, #tpu.memory_space<vmem>> -> memref<40x128xf32, #tpu.memory_space<vmem>>
      %dma_start3A_84 = arith.constant 0 : i32
      %dma_start3A_85 = tpu.memref_slice %arg20[%add3A_31, %dma_start3A_84] : memref<10240x128xf32, #tpu.memory_space<vmem_shared>> -> memref<40x128xf32, #tpu.memory_space<vmem_shared>>
      %dma_start3A_86 = arith.constant 0 : i32
      %dma_start3A_87 = arith.constant 0 : i32
      %dma_start3A_88 = tpu.memref_slice %arg8[%dma_start3A_86, %dma_start3A_87] : memref<64x128xf32, #tpu.memory_space<vmem>> -> memref<40x128xf32, #tpu.memory_space<vmem>>
      %dma_start3A_89 = arith.constant 0 : i32
      %dma_start3A_90 = tpu.memref_slice %arg20[%add3A_31, %dma_start3A_89] : memref<10240x128xf32, #tpu.memory_space<vmem_shared>> -> memref<40x128xf32, #tpu.memory_space<vmem_shared>>
      tpu.enqueue_dma source(%dma_start3A_90 : memref<40x128xf32, #tpu.memory_space<vmem_shared>>) target(%dma_start3A_88 : memref<40x128xf32, #tpu.memory_space<vmem>>) target_semaphore(%run_scoped3A : memref<!tpu.dma_semaphore, #tpu.memory_space<semaphore_mem>>)
      %dma_wait3A = arith.constant 0 : i32
      %dma_wait3A_91 = arith.constant 0 : i32
      %dma_wait3A_92 = tpu.memref_slice %arg8[%dma_wait3A, %dma_wait3A_91] : memref<64x128xf32, #tpu.memory_space<vmem>> -> memref<40x128xf32, #tpu.memory_space<vmem>>
      %dma_wait3A_93 = arith.constant 0 : i32
      %dma_wait3A_94 = tpu.memref_slice %arg20[%add3A_31, %dma_wait3A_93] : memref<10240x128xf32, #tpu.memory_space<vmem_shared>> -> memref<40x128xf32, #tpu.memory_space<vmem_shared>>
      %dma_wait3A_95 = arith.constant 0 : i32
      %dma_wait3A_96 = arith.constant 0 : i32
      %dma_wait3A_97 = tpu.memref_slice %arg8[%dma_wait3A_95, %dma_wait3A_96] : memref<64x128xf32, #tpu.memory_space<vmem>> -> memref<40x128xf32, #tpu.memory_space<vmem>>
      %dma_wait3A_98 = arith.constant 0 : i32
      %dma_wait3A_99 = tpu.memref_slice %arg20[%add3A_31, %dma_wait3A_98] : memref<10240x128xf32, #tpu.memory_space<vmem_shared>> -> memref<40x128xf32, #tpu.memory_space<vmem_shared>>
      tpu.wait_dma2 semaphore(%run_scoped3A : memref<!tpu.dma_semaphore, #tpu.memory_space<semaphore_mem>>) src(%dma_wait3A_99 : memref<40x128xf32, #tpu.memory_space<vmem_shared>>) dst(%dma_wait3A_97 : memref<40x128xf32, #tpu.memory_space<vmem>>)
      tpu.yield
    }) : () -> ()
    %add3A_32 = arith.constant 120 : i32
    %add3A_33 = arith.addi %mul3A_2, %add3A_32 : i32
    "tpu.region"() ({
      %run_scoped3A = tpu.sem_alloc : memref<!tpu.dma_semaphore, #tpu.memory_space<semaphore_mem>>
      %dma_start3A = arith.constant 0 : i32
      %dma_start3A_82 = arith.constant 0 : i32
      %dma_start3A_83 = tpu.memref_slice %arg8[%dma_start3A, %dma_start3A_82] : memref<64x128xf32, #tpu.memory_space<vmem>> -> memref<40x128xf32, #tpu.memory_space<vmem>>
      %dma_start3A_84 = arith.constant 0 : i32
      %dma_start3A_85 = tpu.memref_slice %arg5[%arg0, %add3A_33, %dma_start3A_84] : memref<2x10240x128xf32, #tpu.memory_space<hbm>> -> memref<1x40x128xf32, #tpu.memory_space<hbm>>
      %dma_start3A_86 = tpu.memref_squeeze %dma_start3A_85 : memref<1x40x128xf32, #tpu.memory_space<hbm>> -> memref<40x128xf32, #tpu.memory_space<hbm>>
      %dma_start3A_87 = arith.constant 0 : i32
      %dma_start3A_88 = tpu.memref_slice %arg5[%arg0, %add3A_33, %dma_start3A_87] : memref<2x10240x128xf32, #tpu.memory_space<hbm>> -> memref<1x40x128xf32, #tpu.memory_space<hbm>>
      %dma_start3A_89 = tpu.memref_squeeze %dma_start3A_88 : memref<1x40x128xf32, #tpu.memory_space<hbm>> -> memref<40x128xf32, #tpu.memory_space<hbm>>
      %dma_start3A_90 = arith.constant 0 : i32
      %dma_start3A_91 = arith.constant 0 : i32
      %dma_start3A_92 = tpu.memref_slice %arg8[%dma_start3A_90, %dma_start3A_91] : memref<64x128xf32, #tpu.memory_space<vmem>> -> memref<40x128xf32, #tpu.memory_space<vmem>>
      tpu.enqueue_dma source(%dma_start3A_92 : memref<40x128xf32, #tpu.memory_space<vmem>>) target(%dma_start3A_89 : memref<40x128xf32, #tpu.memory_space<hbm>>) target_semaphore(%run_scoped3A : memref<!tpu.dma_semaphore, #tpu.memory_space<semaphore_mem>>)
      %dma_wait3A = arith.constant 0 : i32
      %dma_wait3A_93 = arith.constant 0 : i32
      %dma_wait3A_94 = tpu.memref_slice %arg8[%dma_wait3A, %dma_wait3A_93] : memref<64x128xf32, #tpu.memory_space<vmem>> -> memref<40x128xf32, #tpu.memory_space<vmem>>
      %dma_wait3A_95 = arith.constant 0 : i32
      %dma_wait3A_96 = tpu.memref_slice %arg5[%arg0, %add3A_33, %dma_wait3A_95] : memref<2x10240x128xf32, #tpu.memory_space<hbm>> -> memref<1x40x128xf32, #tpu.memory_space<hbm>>
      %dma_wait3A_97 = tpu.memref_squeeze %dma_wait3A_96 : memref<1x40x128xf32, #tpu.memory_space<hbm>> -> memref<40x128xf32, #tpu.memory_space<hbm>>
      %dma_wait3A_98 = arith.constant 0 : i32
      %dma_wait3A_99 = tpu.memref_slice %arg5[%arg0, %add3A_33, %dma_wait3A_98] : memref<2x10240x128xf32, #tpu.memory_space<hbm>> -> memref<1x40x128xf32, #tpu.memory_space<hbm>>
      %dma_wait3A_100 = tpu.memref_squeeze %dma_wait3A_99 : memref<1x40x128xf32, #tpu.memory_space<hbm>> -> memref<40x128xf32, #tpu.memory_space<hbm>>
      %dma_wait3A_101 = arith.constant 0 : i32
      %dma_wait3A_102 = arith.constant 0 : i32
      %dma_wait3A_103 = tpu.memref_slice %arg8[%dma_wait3A_101, %dma_wait3A_102] : memref<64x128xf32, #tpu.memory_space<vmem>> -> memref<40x128xf32, #tpu.memory_space<vmem>>
      tpu.wait_dma2 semaphore(%run_scoped3A : memref<!tpu.dma_semaphore, #tpu.memory_space<semaphore_mem>>) src(%dma_wait3A_103 : memref<40x128xf32, #tpu.memory_space<vmem>>) dst(%dma_wait3A_100 : memref<40x128xf32, #tpu.memory_space<hbm>>)
      tpu.yield
    }) : () -> ()
    %add3A_34 = arith.constant 160 : i32
    %add3A_35 = arith.addi %mul3A_2, %add3A_34 : i32
    "tpu.region"() ({
      %run_scoped3A = tpu.sem_alloc : memref<!tpu.dma_semaphore, #tpu.memory_space<semaphore_mem>>
      %dma_start3A = arith.constant 0 : i32
      %dma_start3A_82 = arith.constant 0 : i32
      %dma_start3A_83 = tpu.memref_slice %arg8[%dma_start3A, %dma_start3A_82] : memref<64x128xf32, #tpu.memory_space<vmem>> -> memref<40x128xf32, #tpu.memory_space<vmem>>
      %dma_start3A_84 = arith.constant 0 : i32
      %dma_start3A_85 = tpu.memref_slice %arg20[%add3A_35, %dma_start3A_84] : memref<10240x128xf32, #tpu.memory_space<vmem_shared>> -> memref<40x128xf32, #tpu.memory_space<vmem_shared>>
      %dma_start3A_86 = arith.constant 0 : i32
      %dma_start3A_87 = arith.constant 0 : i32
      %dma_start3A_88 = tpu.memref_slice %arg8[%dma_start3A_86, %dma_start3A_87] : memref<64x128xf32, #tpu.memory_space<vmem>> -> memref<40x128xf32, #tpu.memory_space<vmem>>
      %dma_start3A_89 = arith.constant 0 : i32
      %dma_start3A_90 = tpu.memref_slice %arg20[%add3A_35, %dma_start3A_89] : memref<10240x128xf32, #tpu.memory_space<vmem_shared>> -> memref<40x128xf32, #tpu.memory_space<vmem_shared>>
      tpu.enqueue_dma source(%dma_start3A_90 : memref<40x128xf32, #tpu.memory_space<vmem_shared>>) target(%dma_start3A_88 : memref<40x128xf32, #tpu.memory_space<vmem>>) target_semaphore(%run_scoped3A : memref<!tpu.dma_semaphore, #tpu.memory_space<semaphore_mem>>)
      %dma_wait3A = arith.constant 0 : i32
      %dma_wait3A_91 = arith.constant 0 : i32
      %dma_wait3A_92 = tpu.memref_slice %arg8[%dma_wait3A, %dma_wait3A_91] : memref<64x128xf32, #tpu.memory_space<vmem>> -> memref<40x128xf32, #tpu.memory_space<vmem>>
      %dma_wait3A_93 = arith.constant 0 : i32
      %dma_wait3A_94 = tpu.memref_slice %arg20[%add3A_35, %dma_wait3A_93] : memref<10240x128xf32, #tpu.memory_space<vmem_shared>> -> memref<40x128xf32, #tpu.memory_space<vmem_shared>>
      %dma_wait3A_95 = arith.constant 0 : i32
      %dma_wait3A_96 = arith.constant 0 : i32
      %dma_wait3A_97 = tpu.memref_slice %arg8[%dma_wait3A_95, %dma_wait3A_96] : memref<64x128xf32, #tpu.memory_space<vmem>> -> memref<40x128xf32, #tpu.memory_space<vmem>>
      %dma_wait3A_98 = arith.constant 0 : i32
      %dma_wait3A_99 = tpu.memref_slice %arg20[%add3A_35, %dma_wait3A_98] : memref<10240x128xf32, #tpu.memory_space<vmem_shared>> -> memref<40x128xf32, #tpu.memory_space<vmem_shared>>
      tpu.wait_dma2 semaphore(%run_scoped3A : memref<!tpu.dma_semaphore, #tpu.memory_space<semaphore_mem>>) src(%dma_wait3A_99 : memref<40x128xf32, #tpu.memory_space<vmem_shared>>) dst(%dma_wait3A_97 : memref<40x128xf32, #tpu.memory_space<vmem>>)
      tpu.yield
    }) : () -> ()
    %add3A_36 = arith.constant 160 : i32
    %add3A_37 = arith.addi %mul3A_2, %add3A_36 : i32
    "tpu.region"() ({
      %run_scoped3A = tpu.sem_alloc : memref<!tpu.dma_semaphore, #tpu.memory_space<semaphore_mem>>
      %dma_start3A = arith.constant 0 : i32
      %dma_start3A_82 = arith.constant 0 : i32
      %dma_start3A_83 = tpu.memref_slice %arg8[%dma_start3A, %dma_start3A_82] : memref<64x128xf32, #tpu.memory_space<vmem>> -> memref<40x128xf32, #tpu.memory_space<vmem>>
      %dma_start3A_84 = arith.constant 0 : i32
      %dma_start3A_85 = tpu.memref_slice %arg5[%arg0, %add3A_37, %dma_start3A_84] : memref<2x10240x128xf32, #tpu.memory_space<hbm>> -> memref<1x40x128xf32, #tpu.memory_space<hbm>>
      %dma_start3A_86 = tpu.memref_squeeze %dma_start3A_85 : memref<1x40x128xf32, #tpu.memory_space<hbm>> -> memref<40x128xf32, #tpu.memory_space<hbm>>
      %dma_start3A_87 = arith.constant 0 : i32
      %dma_start3A_88 = tpu.memref_slice %arg5[%arg0, %add3A_37, %dma_start3A_87] : memref<2x10240x128xf32, #tpu.memory_space<hbm>> -> memref<1x40x128xf32, #tpu.memory_space<hbm>>
      %dma_start3A_89 = tpu.memref_squeeze %dma_start3A_88 : memref<1x40x128xf32, #tpu.memory_space<hbm>> -> memref<40x128xf32, #tpu.memory_space<hbm>>
      %dma_start3A_90 = arith.constant 0 : i32
      %dma_start3A_91 = arith.constant 0 : i32
      %dma_start3A_92 = tpu.memref_slice %arg8[%dma_start3A_90, %dma_start3A_91] : memref<64x128xf32, #tpu.memory_space<vmem>> -> memref<40x128xf32, #tpu.memory_space<vmem>>
      tpu.enqueue_dma source(%dma_start3A_92 : memref<40x128xf32, #tpu.memory_space<vmem>>) target(%dma_start3A_89 : memref<40x128xf32, #tpu.memory_space<hbm>>) target_semaphore(%run_scoped3A : memref<!tpu.dma_semaphore, #tpu.memory_space<semaphore_mem>>)
      %dma_wait3A = arith.constant 0 : i32
      %dma_wait3A_93 = arith.constant 0 : i32
      %dma_wait3A_94 = tpu.memref_slice %arg8[%dma_wait3A, %dma_wait3A_93] : memref<64x128xf32, #tpu.memory_space<vmem>> -> memref<40x128xf32, #tpu.memory_space<vmem>>
      %dma_wait3A_95 = arith.constant 0 : i32
      %dma_wait3A_96 = tpu.memref_slice %arg5[%arg0, %add3A_37, %dma_wait3A_95] : memref<2x10240x128xf32, #tpu.memory_space<hbm>> -> memref<1x40x128xf32, #tpu.memory_space<hbm>>
      %dma_wait3A_97 = tpu.memref_squeeze %dma_wait3A_96 : memref<1x40x128xf32, #tpu.memory_space<hbm>> -> memref<40x128xf32, #tpu.memory_space<hbm>>
      %dma_wait3A_98 = arith.constant 0 : i32
      %dma_wait3A_99 = tpu.memref_slice %arg5[%arg0, %add3A_37, %dma_wait3A_98] : memref<2x10240x128xf32, #tpu.memory_space<hbm>> -> memref<1x40x128xf32, #tpu.memory_space<hbm>>
      %dma_wait3A_100 = tpu.memref_squeeze %dma_wait3A_99 : memref<1x40x128xf32, #tpu.memory_space<hbm>> -> memref<40x128xf32, #tpu.memory_space<hbm>>
      %dma_wait3A_101 = arith.constant 0 : i32
      %dma_wait3A_102 = arith.constant 0 : i32
      %dma_wait3A_103 = tpu.memref_slice %arg8[%dma_wait3A_101, %dma_wait3A_102] : memref<64x128xf32, #tpu.memory_space<vmem>> -> memref<40x128xf32, #tpu.memory_space<vmem>>
      tpu.wait_dma2 semaphore(%run_scoped3A : memref<!tpu.dma_semaphore, #tpu.memory_space<semaphore_mem>>) src(%dma_wait3A_103 : memref<40x128xf32, #tpu.memory_space<vmem>>) dst(%dma_wait3A_100 : memref<40x128xf32, #tpu.memory_space<hbm>>)
      tpu.yield
    }) : () -> ()
    %add3A_38 = arith.constant 200 : i32
    %add3A_39 = arith.addi %mul3A_2, %add3A_38 : i32
    "tpu.region"() ({
      %run_scoped3A = tpu.sem_alloc : memref<!tpu.dma_semaphore, #tpu.memory_space<semaphore_mem>>
      %dma_start3A = arith.constant 0 : i32
      %dma_start3A_82 = arith.constant 0 : i32
      %dma_start3A_83 = tpu.memref_slice %arg8[%dma_start3A, %dma_start3A_82] : memref<64x128xf32, #tpu.memory_space<vmem>> -> memref<40x128xf32, #tpu.memory_space<vmem>>
      %dma_start3A_84 = arith.constant 0 : i32
      %dma_start3A_85 = tpu.memref_slice %arg20[%add3A_39, %dma_start3A_84] : memref<10240x128xf32, #tpu.memory_space<vmem_shared>> -> memref<40x128xf32, #tpu.memory_space<vmem_shared>>
      %dma_start3A_86 = arith.constant 0 : i32
      %dma_start3A_87 = arith.constant 0 : i32
      %dma_start3A_88 = tpu.memref_slice %arg8[%dma_start3A_86, %dma_start3A_87] : memref<64x128xf32, #tpu.memory_space<vmem>> -> memref<40x128xf32, #tpu.memory_space<vmem>>
      %dma_start3A_89 = arith.constant 0 : i32
      %dma_start3A_90 = tpu.memref_slice %arg20[%add3A_39, %dma_start3A_89] : memref<10240x128xf32, #tpu.memory_space<vmem_shared>> -> memref<40x128xf32, #tpu.memory_space<vmem_shared>>
      tpu.enqueue_dma source(%dma_start3A_90 : memref<40x128xf32, #tpu.memory_space<vmem_shared>>) target(%dma_start3A_88 : memref<40x128xf32, #tpu.memory_space<vmem>>) target_semaphore(%run_scoped3A : memref<!tpu.dma_semaphore, #tpu.memory_space<semaphore_mem>>)
      %dma_wait3A = arith.constant 0 : i32
      %dma_wait3A_91 = arith.constant 0 : i32
      %dma_wait3A_92 = tpu.memref_slice %arg8[%dma_wait3A, %dma_wait3A_91] : memref<64x128xf32, #tpu.memory_space<vmem>> -> memref<40x128xf32, #tpu.memory_space<vmem>>
      %dma_wait3A_93 = arith.constant 0 : i32
      %dma_wait3A_94 = tpu.memref_slice %arg20[%add3A_39, %dma_wait3A_93] : memref<10240x128xf32, #tpu.memory_space<vmem_shared>> -> memref<40x128xf32, #tpu.memory_space<vmem_shared>>
      %dma_wait3A_95 = arith.constant 0 : i32
      %dma_wait3A_96 = arith.constant 0 : i32
      %dma_wait3A_97 = tpu.memref_slice %arg8[%dma_wait3A_95, %dma_wait3A_96] : memref<64x128xf32, #tpu.memory_space<vmem>> -> memref<40x128xf32, #tpu.memory_space<vmem>>
      %dma_wait3A_98 = arith.constant 0 : i32
      %dma_wait3A_99 = tpu.memref_slice %arg20[%add3A_39, %dma_wait3A_98] : memref<10240x128xf32, #tpu.memory_space<vmem_shared>> -> memref<40x128xf32, #tpu.memory_space<vmem_shared>>
      tpu.wait_dma2 semaphore(%run_scoped3A : memref<!tpu.dma_semaphore, #tpu.memory_space<semaphore_mem>>) src(%dma_wait3A_99 : memref<40x128xf32, #tpu.memory_space<vmem_shared>>) dst(%dma_wait3A_97 : memref<40x128xf32, #tpu.memory_space<vmem>>)
      tpu.yield
    }) : () -> ()
    %add3A_40 = arith.constant 200 : i32
    %add3A_41 = arith.addi %mul3A_2, %add3A_40 : i32
    "tpu.region"() ({
      %run_scoped3A = tpu.sem_alloc : memref<!tpu.dma_semaphore, #tpu.memory_space<semaphore_mem>>
      %dma_start3A = arith.constant 0 : i32
      %dma_start3A_82 = arith.constant 0 : i32
      %dma_start3A_83 = tpu.memref_slice %arg8[%dma_start3A, %dma_start3A_82] : memref<64x128xf32, #tpu.memory_space<vmem>> -> memref<40x128xf32, #tpu.memory_space<vmem>>
      %dma_start3A_84 = arith.constant 0 : i32
      %dma_start3A_85 = tpu.memref_slice %arg5[%arg0, %add3A_41, %dma_start3A_84] : memref<2x10240x128xf32, #tpu.memory_space<hbm>> -> memref<1x40x128xf32, #tpu.memory_space<hbm>>
      %dma_start3A_86 = tpu.memref_squeeze %dma_start3A_85 : memref<1x40x128xf32, #tpu.memory_space<hbm>> -> memref<40x128xf32, #tpu.memory_space<hbm>>
      %dma_start3A_87 = arith.constant 0 : i32
      %dma_start3A_88 = tpu.memref_slice %arg5[%arg0, %add3A_41, %dma_start3A_87] : memref<2x10240x128xf32, #tpu.memory_space<hbm>> -> memref<1x40x128xf32, #tpu.memory_space<hbm>>
      %dma_start3A_89 = tpu.memref_squeeze %dma_start3A_88 : memref<1x40x128xf32, #tpu.memory_space<hbm>> -> memref<40x128xf32, #tpu.memory_space<hbm>>
      %dma_start3A_90 = arith.constant 0 : i32
      %dma_start3A_91 = arith.constant 0 : i32
      %dma_start3A_92 = tpu.memref_slice %arg8[%dma_start3A_90, %dma_start3A_91] : memref<64x128xf32, #tpu.memory_space<vmem>> -> memref<40x128xf32, #tpu.memory_space<vmem>>
      tpu.enqueue_dma source(%dma_start3A_92 : memref<40x128xf32, #tpu.memory_space<vmem>>) target(%dma_start3A_89 : memref<40x128xf32, #tpu.memory_space<hbm>>) target_semaphore(%run_scoped3A : memref<!tpu.dma_semaphore, #tpu.memory_space<semaphore_mem>>)
      %dma_wait3A = arith.constant 0 : i32
      %dma_wait3A_93 = arith.constant 0 : i32
      %dma_wait3A_94 = tpu.memref_slice %arg8[%dma_wait3A, %dma_wait3A_93] : memref<64x128xf32, #tpu.memory_space<vmem>> -> memref<40x128xf32, #tpu.memory_space<vmem>>
      %dma_wait3A_95 = arith.constant 0 : i32
      %dma_wait3A_96 = tpu.memref_slice %arg5[%arg0, %add3A_41, %dma_wait3A_95] : memref<2x10240x128xf32, #tpu.memory_space<hbm>> -> memref<1x40x128xf32, #tpu.memory_space<hbm>>
      %dma_wait3A_97 = tpu.memref_squeeze %dma_wait3A_96 : memref<1x40x128xf32, #tpu.memory_space<hbm>> -> memref<40x128xf32, #tpu.memory_space<hbm>>
      %dma_wait3A_98 = arith.constant 0 : i32
      %dma_wait3A_99 = tpu.memref_slice %arg5[%arg0, %add3A_41, %dma_wait3A_98] : memref<2x10240x128xf32, #tpu.memory_space<hbm>> -> memref<1x40x128xf32, #tpu.memory_space<hbm>>
      %dma_wait3A_100 = tpu.memref_squeeze %dma_wait3A_99 : memref<1x40x128xf32, #tpu.memory_space<hbm>> -> memref<40x128xf32, #tpu.memory_space<hbm>>
      %dma_wait3A_101 = arith.constant 0 : i32
      %dma_wait3A_102 = arith.constant 0 : i32
      %dma_wait3A_103 = tpu.memref_slice %arg8[%dma_wait3A_101, %dma_wait3A_102] : memref<64x128xf32, #tpu.memory_space<vmem>> -> memref<40x128xf32, #tpu.memory_space<vmem>>
      tpu.wait_dma2 semaphore(%run_scoped3A : memref<!tpu.dma_semaphore, #tpu.memory_space<semaphore_mem>>) src(%dma_wait3A_103 : memref<40x128xf32, #tpu.memory_space<vmem>>) dst(%dma_wait3A_100 : memref<40x128xf32, #tpu.memory_space<hbm>>)
      tpu.yield
    }) : () -> ()
    %add3A_42 = arith.constant 240 : i32
    %add3A_43 = arith.addi %mul3A_2, %add3A_42 : i32
    "tpu.region"() ({
      %run_scoped3A = tpu.sem_alloc : memref<!tpu.dma_semaphore, #tpu.memory_space<semaphore_mem>>
      %dma_start3A = arith.constant 0 : i32
      %dma_start3A_82 = arith.constant 0 : i32
      %dma_start3A_83 = tpu.memref_slice %arg8[%dma_start3A, %dma_start3A_82] : memref<64x128xf32, #tpu.memory_space<vmem>> -> memref<40x128xf32, #tpu.memory_space<vmem>>
      %dma_start3A_84 = arith.constant 0 : i32
      %dma_start3A_85 = tpu.memref_slice %arg20[%add3A_43, %dma_start3A_84] : memref<10240x128xf32, #tpu.memory_space<vmem_shared>> -> memref<40x128xf32, #tpu.memory_space<vmem_shared>>
      %dma_start3A_86 = arith.constant 0 : i32
      %dma_start3A_87 = arith.constant 0 : i32
      %dma_start3A_88 = tpu.memref_slice %arg8[%dma_start3A_86, %dma_start3A_87] : memref<64x128xf32, #tpu.memory_space<vmem>> -> memref<40x128xf32, #tpu.memory_space<vmem>>
      %dma_start3A_89 = arith.constant 0 : i32
      %dma_start3A_90 = tpu.memref_slice %arg20[%add3A_43, %dma_start3A_89] : memref<10240x128xf32, #tpu.memory_space<vmem_shared>> -> memref<40x128xf32, #tpu.memory_space<vmem_shared>>
      tpu.enqueue_dma source(%dma_start3A_90 : memref<40x128xf32, #tpu.memory_space<vmem_shared>>) target(%dma_start3A_88 : memref<40x128xf32, #tpu.memory_space<vmem>>) target_semaphore(%run_scoped3A : memref<!tpu.dma_semaphore, #tpu.memory_space<semaphore_mem>>)
      %dma_wait3A = arith.constant 0 : i32
      %dma_wait3A_91 = arith.constant 0 : i32
      %dma_wait3A_92 = tpu.memref_slice %arg8[%dma_wait3A, %dma_wait3A_91] : memref<64x128xf32, #tpu.memory_space<vmem>> -> memref<40x128xf32, #tpu.memory_space<vmem>>
      %dma_wait3A_93 = arith.constant 0 : i32
      %dma_wait3A_94 = tpu.memref_slice %arg20[%add3A_43, %dma_wait3A_93] : memref<10240x128xf32, #tpu.memory_space<vmem_shared>> -> memref<40x128xf32, #tpu.memory_space<vmem_shared>>
      %dma_wait3A_95 = arith.constant 0 : i32
      %dma_wait3A_96 = arith.constant 0 : i32
      %dma_wait3A_97 = tpu.memref_slice %arg8[%dma_wait3A_95, %dma_wait3A_96] : memref<64x128xf32, #tpu.memory_space<vmem>> -> memref<40x128xf32, #tpu.memory_space<vmem>>
      %dma_wait3A_98 = arith.constant 0 : i32
      %dma_wait3A_99 = tpu.memref_slice %arg20[%add3A_43, %dma_wait3A_98] : memref<10240x128xf32, #tpu.memory_space<vmem_shared>> -> memref<40x128xf32, #tpu.memory_space<vmem_shared>>
      tpu.wait_dma2 semaphore(%run_scoped3A : memref<!tpu.dma_semaphore, #tpu.memory_space<semaphore_mem>>) src(%dma_wait3A_99 : memref<40x128xf32, #tpu.memory_space<vmem_shared>>) dst(%dma_wait3A_97 : memref<40x128xf32, #tpu.memory_space<vmem>>)
      tpu.yield
    }) : () -> ()
    %add3A_44 = arith.constant 240 : i32
    %add3A_45 = arith.addi %mul3A_2, %add3A_44 : i32
    "tpu.region"() ({
      %run_scoped3A = tpu.sem_alloc : memref<!tpu.dma_semaphore, #tpu.memory_space<semaphore_mem>>
      %dma_start3A = arith.constant 0 : i32
      %dma_start3A_82 = arith.constant 0 : i32
      %dma_start3A_83 = tpu.memref_slice %arg8[%dma_start3A, %dma_start3A_82] : memref<64x128xf32, #tpu.memory_space<vmem>> -> memref<40x128xf32, #tpu.memory_space<vmem>>
      %dma_start3A_84 = arith.constant 0 : i32
      %dma_start3A_85 = tpu.memref_slice %arg5[%arg0, %add3A_45, %dma_start3A_84] : memref<2x10240x128xf32, #tpu.memory_space<hbm>> -> memref<1x40x128xf32, #tpu.memory_space<hbm>>
      %dma_start3A_86 = tpu.memref_squeeze %dma_start3A_85 : memref<1x40x128xf32, #tpu.memory_space<hbm>> -> memref<40x128xf32, #tpu.memory_space<hbm>>
      %dma_start3A_87 = arith.constant 0 : i32
      %dma_start3A_88 = tpu.memref_slice %arg5[%arg0, %add3A_45, %dma_start3A_87] : memref<2x10240x128xf32, #tpu.memory_space<hbm>> -> memref<1x40x128xf32, #tpu.memory_space<hbm>>
      %dma_start3A_89 = tpu.memref_squeeze %dma_start3A_88 : memref<1x40x128xf32, #tpu.memory_space<hbm>> -> memref<40x128xf32, #tpu.memory_space<hbm>>
      %dma_start3A_90 = arith.constant 0 : i32
      %dma_start3A_91 = arith.constant 0 : i32
      %dma_start3A_92 = tpu.memref_slice %arg8[%dma_start3A_90, %dma_start3A_91] : memref<64x128xf32, #tpu.memory_space<vmem>> -> memref<40x128xf32, #tpu.memory_space<vmem>>
      tpu.enqueue_dma source(%dma_start3A_92 : memref<40x128xf32, #tpu.memory_space<vmem>>) target(%dma_start3A_89 : memref<40x128xf32, #tpu.memory_space<hbm>>) target_semaphore(%run_scoped3A : memref<!tpu.dma_semaphore, #tpu.memory_space<semaphore_mem>>)
      %dma_wait3A = arith.constant 0 : i32
      %dma_wait3A_93 = arith.constant 0 : i32
      %dma_wait3A_94 = tpu.memref_slice %arg8[%dma_wait3A, %dma_wait3A_93] : memref<64x128xf32, #tpu.memory_space<vmem>> -> memref<40x128xf32, #tpu.memory_space<vmem>>
      %dma_wait3A_95 = arith.constant 0 : i32
      %dma_wait3A_96 = tpu.memref_slice %arg5[%arg0, %add3A_45, %dma_wait3A_95] : memref<2x10240x128xf32, #tpu.memory_space<hbm>> -> memref<1x40x128xf32, #tpu.memory_space<hbm>>
      %dma_wait3A_97 = tpu.memref_squeeze %dma_wait3A_96 : memref<1x40x128xf32, #tpu.memory_space<hbm>> -> memref<40x128xf32, #tpu.memory_space<hbm>>
      %dma_wait3A_98 = arith.constant 0 : i32
      %dma_wait3A_99 = tpu.memref_slice %arg5[%arg0, %add3A_45, %dma_wait3A_98] : memref<2x10240x128xf32, #tpu.memory_space<hbm>> -> memref<1x40x128xf32, #tpu.memory_space<hbm>>
      %dma_wait3A_100 = tpu.memref_squeeze %dma_wait3A_99 : memref<1x40x128xf32, #tpu.memory_space<hbm>> -> memref<40x128xf32, #tpu.memory_space<hbm>>
      %dma_wait3A_101 = arith.constant 0 : i32
      %dma_wait3A_102 = arith.constant 0 : i32
      %dma_wait3A_103 = tpu.memref_slice %arg8[%dma_wait3A_101, %dma_wait3A_102] : memref<64x128xf32, #tpu.memory_space<vmem>> -> memref<40x128xf32, #tpu.memory_space<vmem>>
      tpu.wait_dma2 semaphore(%run_scoped3A : memref<!tpu.dma_semaphore, #tpu.memory_space<semaphore_mem>>) src(%dma_wait3A_103 : memref<40x128xf32, #tpu.memory_space<vmem>>) dst(%dma_wait3A_100 : memref<40x128xf32, #tpu.memory_space<hbm>>)
      tpu.yield
    }) : () -> ()
    %add3A_46 = arith.constant 280 : i32
    %add3A_47 = arith.addi %mul3A_2, %add3A_46 : i32
    "tpu.region"() ({
      %run_scoped3A = tpu.sem_alloc : memref<!tpu.dma_semaphore, #tpu.memory_space<semaphore_mem>>
      %dma_start3A = arith.constant 0 : i32
      %dma_start3A_82 = arith.constant 0 : i32
      %dma_start3A_83 = tpu.memref_slice %arg8[%dma_start3A, %dma_start3A_82] : memref<64x128xf32, #tpu.memory_space<vmem>> -> memref<40x128xf32, #tpu.memory_space<vmem>>
      %dma_start3A_84 = arith.constant 0 : i32
      %dma_start3A_85 = tpu.memref_slice %arg20[%add3A_47, %dma_start3A_84] : memref<10240x128xf32, #tpu.memory_space<vmem_shared>> -> memref<40x128xf32, #tpu.memory_space<vmem_shared>>
      %dma_start3A_86 = arith.constant 0 : i32
      %dma_start3A_87 = arith.constant 0 : i32
      %dma_start3A_88 = tpu.memref_slice %arg8[%dma_start3A_86, %dma_start3A_87] : memref<64x128xf32, #tpu.memory_space<vmem>> -> memref<40x128xf32, #tpu.memory_space<vmem>>
      %dma_start3A_89 = arith.constant 0 : i32
      %dma_start3A_90 = tpu.memref_slice %arg20[%add3A_47, %dma_start3A_89] : memref<10240x128xf32, #tpu.memory_space<vmem_shared>> -> memref<40x128xf32, #tpu.memory_space<vmem_shared>>
      tpu.enqueue_dma source(%dma_start3A_90 : memref<40x128xf32, #tpu.memory_space<vmem_shared>>) target(%dma_start3A_88 : memref<40x128xf32, #tpu.memory_space<vmem>>) target_semaphore(%run_scoped3A : memref<!tpu.dma_semaphore, #tpu.memory_space<semaphore_mem>>)
      %dma_wait3A = arith.constant 0 : i32
      %dma_wait3A_91 = arith.constant 0 : i32
      %dma_wait3A_92 = tpu.memref_slice %arg8[%dma_wait3A, %dma_wait3A_91] : memref<64x128xf32, #tpu.memory_space<vmem>> -> memref<40x128xf32, #tpu.memory_space<vmem>>
      %dma_wait3A_93 = arith.constant 0 : i32
      %dma_wait3A_94 = tpu.memref_slice %arg20[%add3A_47, %dma_wait3A_93] : memref<10240x128xf32, #tpu.memory_space<vmem_shared>> -> memref<40x128xf32, #tpu.memory_space<vmem_shared>>
      %dma_wait3A_95 = arith.constant 0 : i32
      %dma_wait3A_96 = arith.constant 0 : i32
      %dma_wait3A_97 = tpu.memref_slice %arg8[%dma_wait3A_95, %dma_wait3A_96] : memref<64x128xf32, #tpu.memory_space<vmem>> -> memref<40x128xf32, #tpu.memory_space<vmem>>
      %dma_wait3A_98 = arith.constant 0 : i32
      %dma_wait3A_99 = tpu.memref_slice %arg20[%add3A_47, %dma_wait3A_98] : memref<10240x128xf32, #tpu.memory_space<vmem_shared>> -> memref<40x128xf32, #tpu.memory_space<vmem_shared>>
      tpu.wait_dma2 semaphore(%run_scoped3A : memref<!tpu.dma_semaphore, #tpu.memory_space<semaphore_mem>>) src(%dma_wait3A_99 : memref<40x128xf32, #tpu.memory_space<vmem_shared>>) dst(%dma_wait3A_97 : memref<40x128xf32, #tpu.memory_space<vmem>>)
      tpu.yield
    }) : () -> ()
    %add3A_48 = arith.constant 280 : i32
    %add3A_49 = arith.addi %mul3A_2, %add3A_48 : i32
    "tpu.region"() ({
      %run_scoped3A = tpu.sem_alloc : memref<!tpu.dma_semaphore, #tpu.memory_space<semaphore_mem>>
      %dma_start3A = arith.constant 0 : i32
      %dma_start3A_82 = arith.constant 0 : i32
      %dma_start3A_83 = tpu.memref_slice %arg8[%dma_start3A, %dma_start3A_82] : memref<64x128xf32, #tpu.memory_space<vmem>> -> memref<40x128xf32, #tpu.memory_space<vmem>>
      %dma_start3A_84 = arith.constant 0 : i32
      %dma_start3A_85 = tpu.memref_slice %arg5[%arg0, %add3A_49, %dma_start3A_84] : memref<2x10240x128xf32, #tpu.memory_space<hbm>> -> memref<1x40x128xf32, #tpu.memory_space<hbm>>
      %dma_start3A_86 = tpu.memref_squeeze %dma_start3A_85 : memref<1x40x128xf32, #tpu.memory_space<hbm>> -> memref<40x128xf32, #tpu.memory_space<hbm>>
      %dma_start3A_87 = arith.constant 0 : i32
      %dma_start3A_88 = tpu.memref_slice %arg5[%arg0, %add3A_49, %dma_start3A_87] : memref<2x10240x128xf32, #tpu.memory_space<hbm>> -> memref<1x40x128xf32, #tpu.memory_space<hbm>>
      %dma_start3A_89 = tpu.memref_squeeze %dma_start3A_88 : memref<1x40x128xf32, #tpu.memory_space<hbm>> -> memref<40x128xf32, #tpu.memory_space<hbm>>
      %dma_start3A_90 = arith.constant 0 : i32
      %dma_start3A_91 = arith.constant 0 : i32
      %dma_start3A_92 = tpu.memref_slice %arg8[%dma_start3A_90, %dma_start3A_91] : memref<64x128xf32, #tpu.memory_space<vmem>> -> memref<40x128xf32, #tpu.memory_space<vmem>>
      tpu.enqueue_dma source(%dma_start3A_92 : memref<40x128xf32, #tpu.memory_space<vmem>>) target(%dma_start3A_89 : memref<40x128xf32, #tpu.memory_space<hbm>>) target_semaphore(%run_scoped3A : memref<!tpu.dma_semaphore, #tpu.memory_space<semaphore_mem>>)
      %dma_wait3A = arith.constant 0 : i32
      %dma_wait3A_93 = arith.constant 0 : i32
      %dma_wait3A_94 = tpu.memref_slice %arg8[%dma_wait3A, %dma_wait3A_93] : memref<64x128xf32, #tpu.memory_space<vmem>> -> memref<40x128xf32, #tpu.memory_space<vmem>>
      %dma_wait3A_95 = arith.constant 0 : i32
      %dma_wait3A_96 = tpu.memref_slice %arg5[%arg0, %add3A_49, %dma_wait3A_95] : memref<2x10240x128xf32, #tpu.memory_space<hbm>> -> memref<1x40x128xf32, #tpu.memory_space<hbm>>
      %dma_wait3A_97 = tpu.memref_squeeze %dma_wait3A_96 : memref<1x40x128xf32, #tpu.memory_space<hbm>> -> memref<40x128xf32, #tpu.memory_space<hbm>>
      %dma_wait3A_98 = arith.constant 0 : i32
      %dma_wait3A_99 = tpu.memref_slice %arg5[%arg0, %add3A_49, %dma_wait3A_98] : memref<2x10240x128xf32, #tpu.memory_space<hbm>> -> memref<1x40x128xf32, #tpu.memory_space<hbm>>
      %dma_wait3A_100 = tpu.memref_squeeze %dma_wait3A_99 : memref<1x40x128xf32, #tpu.memory_space<hbm>> -> memref<40x128xf32, #tpu.memory_space<hbm>>
      %dma_wait3A_101 = arith.constant 0 : i32
      %dma_wait3A_102 = arith.constant 0 : i32
      %dma_wait3A_103 = tpu.memref_slice %arg8[%dma_wait3A_101, %dma_wait3A_102] : memref<64x128xf32, #tpu.memory_space<vmem>> -> memref<40x128xf32, #tpu.memory_space<vmem>>
      tpu.wait_dma2 semaphore(%run_scoped3A : memref<!tpu.dma_semaphore, #tpu.memory_space<semaphore_mem>>) src(%dma_wait3A_103 : memref<40x128xf32, #tpu.memory_space<vmem>>) dst(%dma_wait3A_100 : memref<40x128xf32, #tpu.memory_space<hbm>>)
      tpu.yield
    }) : () -> ()
    %add3A_50 = arith.constant 320 : i32
    %add3A_51 = arith.addi %mul3A_2, %add3A_50 : i32
    "tpu.region"() ({
      %run_scoped3A = tpu.sem_alloc : memref<!tpu.dma_semaphore, #tpu.memory_space<semaphore_mem>>
      %dma_start3A = arith.constant 0 : i32
      %dma_start3A_82 = arith.constant 0 : i32
      %dma_start3A_83 = tpu.memref_slice %arg8[%dma_start3A, %dma_start3A_82] : memref<64x128xf32, #tpu.memory_space<vmem>> -> memref<40x128xf32, #tpu.memory_space<vmem>>
      %dma_start3A_84 = arith.constant 0 : i32
      %dma_start3A_85 = tpu.memref_slice %arg20[%add3A_51, %dma_start3A_84] : memref<10240x128xf32, #tpu.memory_space<vmem_shared>> -> memref<40x128xf32, #tpu.memory_space<vmem_shared>>
      %dma_start3A_86 = arith.constant 0 : i32
      %dma_start3A_87 = arith.constant 0 : i32
      %dma_start3A_88 = tpu.memref_slice %arg8[%dma_start3A_86, %dma_start3A_87] : memref<64x128xf32, #tpu.memory_space<vmem>> -> memref<40x128xf32, #tpu.memory_space<vmem>>
      %dma_start3A_89 = arith.constant 0 : i32
      %dma_start3A_90 = tpu.memref_slice %arg20[%add3A_51, %dma_start3A_89] : memref<10240x128xf32, #tpu.memory_space<vmem_shared>> -> memref<40x128xf32, #tpu.memory_space<vmem_shared>>
      tpu.enqueue_dma source(%dma_start3A_90 : memref<40x128xf32, #tpu.memory_space<vmem_shared>>) target(%dma_start3A_88 : memref<40x128xf32, #tpu.memory_space<vmem>>) target_semaphore(%run_scoped3A : memref<!tpu.dma_semaphore, #tpu.memory_space<semaphore_mem>>)
      %dma_wait3A = arith.constant 0 : i32
      %dma_wait3A_91 = arith.constant 0 : i32
      %dma_wait3A_92 = tpu.memref_slice %arg8[%dma_wait3A, %dma_wait3A_91] : memref<64x128xf32, #tpu.memory_space<vmem>> -> memref<40x128xf32, #tpu.memory_space<vmem>>
      %dma_wait3A_93 = arith.constant 0 : i32
      %dma_wait3A_94 = tpu.memref_slice %arg20[%add3A_51, %dma_wait3A_93] : memref<10240x128xf32, #tpu.memory_space<vmem_shared>> -> memref<40x128xf32, #tpu.memory_space<vmem_shared>>
      %dma_wait3A_95 = arith.constant 0 : i32
      %dma_wait3A_96 = arith.constant 0 : i32
      %dma_wait3A_97 = tpu.memref_slice %arg8[%dma_wait3A_95, %dma_wait3A_96] : memref<64x128xf32, #tpu.memory_space<vmem>> -> memref<40x128xf32, #tpu.memory_space<vmem>>
      %dma_wait3A_98 = arith.constant 0 : i32
      %dma_wait3A_99 = tpu.memref_slice %arg20[%add3A_51, %dma_wait3A_98] : memref<10240x128xf32, #tpu.memory_space<vmem_shared>> -> memref<40x128xf32, #tpu.memory_space<vmem_shared>>
      tpu.wait_dma2 semaphore(%run_scoped3A : memref<!tpu.dma_semaphore, #tpu.memory_space<semaphore_mem>>) src(%dma_wait3A_99 : memref<40x128xf32, #tpu.memory_space<vmem_shared>>) dst(%dma_wait3A_97 : memref<40x128xf32, #tpu.memory_space<vmem>>)
      tpu.yield
    }) : () -> ()
    %add3A_52 = arith.constant 320 : i32
    %add3A_53 = arith.addi %mul3A_2, %add3A_52 : i32
    "tpu.region"() ({
      %run_scoped3A = tpu.sem_alloc : memref<!tpu.dma_semaphore, #tpu.memory_space<semaphore_mem>>
      %dma_start3A = arith.constant 0 : i32
      %dma_start3A_82 = arith.constant 0 : i32
      %dma_start3A_83 = tpu.memref_slice %arg8[%dma_start3A, %dma_start3A_82] : memref<64x128xf32, #tpu.memory_space<vmem>> -> memref<40x128xf32, #tpu.memory_space<vmem>>
      %dma_start3A_84 = arith.constant 0 : i32
      %dma_start3A_85 = tpu.memref_slice %arg5[%arg0, %add3A_53, %dma_start3A_84] : memref<2x10240x128xf32, #tpu.memory_space<hbm>> -> memref<1x40x128xf32, #tpu.memory_space<hbm>>
      %dma_start3A_86 = tpu.memref_squeeze %dma_start3A_85 : memref<1x40x128xf32, #tpu.memory_space<hbm>> -> memref<40x128xf32, #tpu.memory_space<hbm>>
      %dma_start3A_87 = arith.constant 0 : i32
      %dma_start3A_88 = tpu.memref_slice %arg5[%arg0, %add3A_53, %dma_start3A_87] : memref<2x10240x128xf32, #tpu.memory_space<hbm>> -> memref<1x40x128xf32, #tpu.memory_space<hbm>>
      %dma_start3A_89 = tpu.memref_squeeze %dma_start3A_88 : memref<1x40x128xf32, #tpu.memory_space<hbm>> -> memref<40x128xf32, #tpu.memory_space<hbm>>
      %dma_start3A_90 = arith.constant 0 : i32
      %dma_start3A_91 = arith.constant 0 : i32
      %dma_start3A_92 = tpu.memref_slice %arg8[%dma_start3A_90, %dma_start3A_91] : memref<64x128xf32, #tpu.memory_space<vmem>> -> memref<40x128xf32, #tpu.memory_space<vmem>>
      tpu.enqueue_dma source(%dma_start3A_92 : memref<40x128xf32, #tpu.memory_space<vmem>>) target(%dma_start3A_89 : memref<40x128xf32, #tpu.memory_space<hbm>>) target_semaphore(%run_scoped3A : memref<!tpu.dma_semaphore, #tpu.memory_space<semaphore_mem>>)
      %dma_wait3A = arith.constant 0 : i32
      %dma_wait3A_93 = arith.constant 0 : i32
      %dma_wait3A_94 = tpu.memref_slice %arg8[%dma_wait3A, %dma_wait3A_93] : memref<64x128xf32, #tpu.memory_space<vmem>> -> memref<40x128xf32, #tpu.memory_space<vmem>>
      %dma_wait3A_95 = arith.constant 0 : i32
      %dma_wait3A_96 = tpu.memref_slice %arg5[%arg0, %add3A_53, %dma_wait3A_95] : memref<2x10240x128xf32, #tpu.memory_space<hbm>> -> memref<1x40x128xf32, #tpu.memory_space<hbm>>
      %dma_wait3A_97 = tpu.memref_squeeze %dma_wait3A_96 : memref<1x40x128xf32, #tpu.memory_space<hbm>> -> memref<40x128xf32, #tpu.memory_space<hbm>>
      %dma_wait3A_98 = arith.constant 0 : i32
      %dma_wait3A_99 = tpu.memref_slice %arg5[%arg0, %add3A_53, %dma_wait3A_98] : memref<2x10240x128xf32, #tpu.memory_space<hbm>> -> memref<1x40x128xf32, #tpu.memory_space<hbm>>
      %dma_wait3A_100 = tpu.memref_squeeze %dma_wait3A_99 : memref<1x40x128xf32, #tpu.memory_space<hbm>> -> memref<40x128xf32, #tpu.memory_space<hbm>>
      %dma_wait3A_101 = arith.constant 0 : i32
      %dma_wait3A_102 = arith.constant 0 : i32
      %dma_wait3A_103 = tpu.memref_slice %arg8[%dma_wait3A_101, %dma_wait3A_102] : memref<64x128xf32, #tpu.memory_space<vmem>> -> memref<40x128xf32, #tpu.memory_space<vmem>>
      tpu.wait_dma2 semaphore(%run_scoped3A : memref<!tpu.dma_semaphore, #tpu.memory_space<semaphore_mem>>) src(%dma_wait3A_103 : memref<40x128xf32, #tpu.memory_space<vmem>>) dst(%dma_wait3A_100 : memref<40x128xf32, #tpu.memory_space<hbm>>)
      tpu.yield
    }) : () -> ()
    %add3A_54 = arith.constant 360 : i32
    %add3A_55 = arith.addi %mul3A_2, %add3A_54 : i32
    "tpu.region"() ({
      %run_scoped3A = tpu.sem_alloc : memref<!tpu.dma_semaphore, #tpu.memory_space<semaphore_mem>>
      %dma_start3A = arith.constant 0 : i32
      %dma_start3A_82 = arith.constant 0 : i32
      %dma_start3A_83 = tpu.memref_slice %arg8[%dma_start3A, %dma_start3A_82] : memref<64x128xf32, #tpu.memory_space<vmem>> -> memref<40x128xf32, #tpu.memory_space<vmem>>
      %dma_start3A_84 = arith.constant 0 : i32
      %dma_start3A_85 = tpu.memref_slice %arg20[%add3A_55, %dma_start3A_84] : memref<10240x128xf32, #tpu.memory_space<vmem_shared>> -> memref<40x128xf32, #tpu.memory_space<vmem_shared>>
      %dma_start3A_86 = arith.constant 0 : i32
      %dma_start3A_87 = arith.constant 0 : i32
      %dma_start3A_88 = tpu.memref_slice %arg8[%dma_start3A_86, %dma_start3A_87] : memref<64x128xf32, #tpu.memory_space<vmem>> -> memref<40x128xf32, #tpu.memory_space<vmem>>
      %dma_start3A_89 = arith.constant 0 : i32
      %dma_start3A_90 = tpu.memref_slice %arg20[%add3A_55, %dma_start3A_89] : memref<10240x128xf32, #tpu.memory_space<vmem_shared>> -> memref<40x128xf32, #tpu.memory_space<vmem_shared>>
      tpu.enqueue_dma source(%dma_start3A_90 : memref<40x128xf32, #tpu.memory_space<vmem_shared>>) target(%dma_start3A_88 : memref<40x128xf32, #tpu.memory_space<vmem>>) target_semaphore(%run_scoped3A : memref<!tpu.dma_semaphore, #tpu.memory_space<semaphore_mem>>)
      %dma_wait3A = arith.constant 0 : i32
      %dma_wait3A_91 = arith.constant 0 : i32
      %dma_wait3A_92 = tpu.memref_slice %arg8[%dma_wait3A, %dma_wait3A_91] : memref<64x128xf32, #tpu.memory_space<vmem>> -> memref<40x128xf32, #tpu.memory_space<vmem>>
      %dma_wait3A_93 = arith.constant 0 : i32
      %dma_wait3A_94 = tpu.memref_slice %arg20[%add3A_55, %dma_wait3A_93] : memref<10240x128xf32, #tpu.memory_space<vmem_shared>> -> memref<40x128xf32, #tpu.memory_space<vmem_shared>>
      %dma_wait3A_95 = arith.constant 0 : i32
      %dma_wait3A_96 = arith.constant 0 : i32
      %dma_wait3A_97 = tpu.memref_slice %arg8[%dma_wait3A_95, %dma_wait3A_96] : memref<64x128xf32, #tpu.memory_space<vmem>> -> memref<40x128xf32, #tpu.memory_space<vmem>>
      %dma_wait3A_98 = arith.constant 0 : i32
      %dma_wait3A_99 = tpu.memref_slice %arg20[%add3A_55, %dma_wait3A_98] : memref<10240x128xf32, #tpu.memory_space<vmem_shared>> -> memref<40x128xf32, #tpu.memory_space<vmem_shared>>
      tpu.wait_dma2 semaphore(%run_scoped3A : memref<!tpu.dma_semaphore, #tpu.memory_space<semaphore_mem>>) src(%dma_wait3A_99 : memref<40x128xf32, #tpu.memory_space<vmem_shared>>) dst(%dma_wait3A_97 : memref<40x128xf32, #tpu.memory_space<vmem>>)
      tpu.yield
    }) : () -> ()
    %add3A_56 = arith.constant 360 : i32
    %add3A_57 = arith.addi %mul3A_2, %add3A_56 : i32
    "tpu.region"() ({
      %run_scoped3A = tpu.sem_alloc : memref<!tpu.dma_semaphore, #tpu.memory_space<semaphore_mem>>
      %dma_start3A = arith.constant 0 : i32
      %dma_start3A_82 = arith.constant 0 : i32
      %dma_start3A_83 = tpu.memref_slice %arg8[%dma_start3A, %dma_start3A_82] : memref<64x128xf32, #tpu.memory_space<vmem>> -> memref<40x128xf32, #tpu.memory_space<vmem>>
      %dma_start3A_84 = arith.constant 0 : i32
      %dma_start3A_85 = tpu.memref_slice %arg5[%arg0, %add3A_57, %dma_start3A_84] : memref<2x10240x128xf32, #tpu.memory_space<hbm>> -> memref<1x40x128xf32, #tpu.memory_space<hbm>>
      %dma_start3A_86 = tpu.memref_squeeze %dma_start3A_85 : memref<1x40x128xf32, #tpu.memory_space<hbm>> -> memref<40x128xf32, #tpu.memory_space<hbm>>
      %dma_start3A_87 = arith.constant 0 : i32
      %dma_start3A_88 = tpu.memref_slice %arg5[%arg0, %add3A_57, %dma_start3A_87] : memref<2x10240x128xf32, #tpu.memory_space<hbm>> -> memref<1x40x128xf32, #tpu.memory_space<hbm>>
      %dma_start3A_89 = tpu.memref_squeeze %dma_start3A_88 : memref<1x40x128xf32, #tpu.memory_space<hbm>> -> memref<40x128xf32, #tpu.memory_space<hbm>>
      %dma_start3A_90 = arith.constant 0 : i32
      %dma_start3A_91 = arith.constant 0 : i32
      %dma_start3A_92 = tpu.memref_slice %arg8[%dma_start3A_90, %dma_start3A_91] : memref<64x128xf32, #tpu.memory_space<vmem>> -> memref<40x128xf32, #tpu.memory_space<vmem>>
      tpu.enqueue_dma source(%dma_start3A_92 : memref<40x128xf32, #tpu.memory_space<vmem>>) target(%dma_start3A_89 : memref<40x128xf32, #tpu.memory_space<hbm>>) target_semaphore(%run_scoped3A : memref<!tpu.dma_semaphore, #tpu.memory_space<semaphore_mem>>)
      %dma_wait3A = arith.constant 0 : i32
      %dma_wait3A_93 = arith.constant 0 : i32
      %dma_wait3A_94 = tpu.memref_slice %arg8[%dma_wait3A, %dma_wait3A_93] : memref<64x128xf32, #tpu.memory_space<vmem>> -> memref<40x128xf32, #tpu.memory_space<vmem>>
      %dma_wait3A_95 = arith.constant 0 : i32
      %dma_wait3A_96 = tpu.memref_slice %arg5[%arg0, %add3A_57, %dma_wait3A_95] : memref<2x10240x128xf32, #tpu.memory_space<hbm>> -> memref<1x40x128xf32, #tpu.memory_space<hbm>>
      %dma_wait3A_97 = tpu.memref_squeeze %dma_wait3A_96 : memref<1x40x128xf32, #tpu.memory_space<hbm>> -> memref<40x128xf32, #tpu.memory_space<hbm>>
      %dma_wait3A_98 = arith.constant 0 : i32
      %dma_wait3A_99 = tpu.memref_slice %arg5[%arg0, %add3A_57, %dma_wait3A_98] : memref<2x10240x128xf32, #tpu.memory_space<hbm>> -> memref<1x40x128xf32, #tpu.memory_space<hbm>>
      %dma_wait3A_100 = tpu.memref_squeeze %dma_wait3A_99 : memref<1x40x128xf32, #tpu.memory_space<hbm>> -> memref<40x128xf32, #tpu.memory_space<hbm>>
      %dma_wait3A_101 = arith.constant 0 : i32
      %dma_wait3A_102 = arith.constant 0 : i32
      %dma_wait3A_103 = tpu.memref_slice %arg8[%dma_wait3A_101, %dma_wait3A_102] : memref<64x128xf32, #tpu.memory_space<vmem>> -> memref<40x128xf32, #tpu.memory_space<vmem>>
      tpu.wait_dma2 semaphore(%run_scoped3A : memref<!tpu.dma_semaphore, #tpu.memory_space<semaphore_mem>>) src(%dma_wait3A_103 : memref<40x128xf32, #tpu.memory_space<vmem>>) dst(%dma_wait3A_100 : memref<40x128xf32, #tpu.memory_space<hbm>>)
      tpu.yield
    }) : () -> ()
    %add3A_58 = arith.constant 400 : i32
    %add3A_59 = arith.addi %mul3A_2, %add3A_58 : i32
    "tpu.region"() ({
      %run_scoped3A = tpu.sem_alloc : memref<!tpu.dma_semaphore, #tpu.memory_space<semaphore_mem>>
      %dma_start3A = arith.constant 0 : i32
      %dma_start3A_82 = arith.constant 0 : i32
      %dma_start3A_83 = tpu.memref_slice %arg8[%dma_start3A, %dma_start3A_82] : memref<64x128xf32, #tpu.memory_space<vmem>> -> memref<40x128xf32, #tpu.memory_space<vmem>>
      %dma_start3A_84 = arith.constant 0 : i32
      %dma_start3A_85 = tpu.memref_slice %arg20[%add3A_59, %dma_start3A_84] : memref<10240x128xf32, #tpu.memory_space<vmem_shared>> -> memref<40x128xf32, #tpu.memory_space<vmem_shared>>
      %dma_start3A_86 = arith.constant 0 : i32
      %dma_start3A_87 = arith.constant 0 : i32
      %dma_start3A_88 = tpu.memref_slice %arg8[%dma_start3A_86, %dma_start3A_87] : memref<64x128xf32, #tpu.memory_space<vmem>> -> memref<40x128xf32, #tpu.memory_space<vmem>>
      %dma_start3A_89 = arith.constant 0 : i32
      %dma_start3A_90 = tpu.memref_slice %arg20[%add3A_59, %dma_start3A_89] : memref<10240x128xf32, #tpu.memory_space<vmem_shared>> -> memref<40x128xf32, #tpu.memory_space<vmem_shared>>
      tpu.enqueue_dma source(%dma_start3A_90 : memref<40x128xf32, #tpu.memory_space<vmem_shared>>) target(%dma_start3A_88 : memref<40x128xf32, #tpu.memory_space<vmem>>) target_semaphore(%run_scoped3A : memref<!tpu.dma_semaphore, #tpu.memory_space<semaphore_mem>>)
      %dma_wait3A = arith.constant 0 : i32
      %dma_wait3A_91 = arith.constant 0 : i32
      %dma_wait3A_92 = tpu.memref_slice %arg8[%dma_wait3A, %dma_wait3A_91] : memref<64x128xf32, #tpu.memory_space<vmem>> -> memref<40x128xf32, #tpu.memory_space<vmem>>
      %dma_wait3A_93 = arith.constant 0 : i32
      %dma_wait3A_94 = tpu.memref_slice %arg20[%add3A_59, %dma_wait3A_93] : memref<10240x128xf32, #tpu.memory_space<vmem_shared>> -> memref<40x128xf32, #tpu.memory_space<vmem_shared>>
      %dma_wait3A_95 = arith.constant 0 : i32
      %dma_wait3A_96 = arith.constant 0 : i32
      %dma_wait3A_97 = tpu.memref_slice %arg8[%dma_wait3A_95, %dma_wait3A_96] : memref<64x128xf32, #tpu.memory_space<vmem>> -> memref<40x128xf32, #tpu.memory_space<vmem>>
      %dma_wait3A_98 = arith.constant 0 : i32
      %dma_wait3A_99 = tpu.memref_slice %arg20[%add3A_59, %dma_wait3A_98] : memref<10240x128xf32, #tpu.memory_space<vmem_shared>> -> memref<40x128xf32, #tpu.memory_space<vmem_shared>>
      tpu.wait_dma2 semaphore(%run_scoped3A : memref<!tpu.dma_semaphore, #tpu.memory_space<semaphore_mem>>) src(%dma_wait3A_99 : memref<40x128xf32, #tpu.memory_space<vmem_shared>>) dst(%dma_wait3A_97 : memref<40x128xf32, #tpu.memory_space<vmem>>)
      tpu.yield
    }) : () -> ()
    %add3A_60 = arith.constant 400 : i32
    %add3A_61 = arith.addi %mul3A_2, %add3A_60 : i32
    "tpu.region"() ({
      %run_scoped3A = tpu.sem_alloc : memref<!tpu.dma_semaphore, #tpu.memory_space<semaphore_mem>>
      %dma_start3A = arith.constant 0 : i32
      %dma_start3A_82 = arith.constant 0 : i32
      %dma_start3A_83 = tpu.memref_slice %arg8[%dma_start3A, %dma_start3A_82] : memref<64x128xf32, #tpu.memory_space<vmem>> -> memref<40x128xf32, #tpu.memory_space<vmem>>
      %dma_start3A_84 = arith.constant 0 : i32
      %dma_start3A_85 = tpu.memref_slice %arg5[%arg0, %add3A_61, %dma_start3A_84] : memref<2x10240x128xf32, #tpu.memory_space<hbm>> -> memref<1x40x128xf32, #tpu.memory_space<hbm>>
      %dma_start3A_86 = tpu.memref_squeeze %dma_start3A_85 : memref<1x40x128xf32, #tpu.memory_space<hbm>> -> memref<40x128xf32, #tpu.memory_space<hbm>>
      %dma_start3A_87 = arith.constant 0 : i32
      %dma_start3A_88 = tpu.memref_slice %arg5[%arg0, %add3A_61, %dma_start3A_87] : memref<2x10240x128xf32, #tpu.memory_space<hbm>> -> memref<1x40x128xf32, #tpu.memory_space<hbm>>
      %dma_start3A_89 = tpu.memref_squeeze %dma_start3A_88 : memref<1x40x128xf32, #tpu.memory_space<hbm>> -> memref<40x128xf32, #tpu.memory_space<hbm>>
      %dma_start3A_90 = arith.constant 0 : i32
      %dma_start3A_91 = arith.constant 0 : i32
      %dma_start3A_92 = tpu.memref_slice %arg8[%dma_start3A_90, %dma_start3A_91] : memref<64x128xf32, #tpu.memory_space<vmem>> -> memref<40x128xf32, #tpu.memory_space<vmem>>
      tpu.enqueue_dma source(%dma_start3A_92 : memref<40x128xf32, #tpu.memory_space<vmem>>) target(%dma_start3A_89 : memref<40x128xf32, #tpu.memory_space<hbm>>) target_semaphore(%run_scoped3A : memref<!tpu.dma_semaphore, #tpu.memory_space<semaphore_mem>>)
      %dma_wait3A = arith.constant 0 : i32
      %dma_wait3A_93 = arith.constant 0 : i32
      %dma_wait3A_94 = tpu.memref_slice %arg8[%dma_wait3A, %dma_wait3A_93] : memref<64x128xf32, #tpu.memory_space<vmem>> -> memref<40x128xf32, #tpu.memory_space<vmem>>
      %dma_wait3A_95 = arith.constant 0 : i32
      %dma_wait3A_96 = tpu.memref_slice %arg5[%arg0, %add3A_61, %dma_wait3A_95] : memref<2x10240x128xf32, #tpu.memory_space<hbm>> -> memref<1x40x128xf32, #tpu.memory_space<hbm>>
      %dma_wait3A_97 = tpu.memref_squeeze %dma_wait3A_96 : memref<1x40x128xf32, #tpu.memory_space<hbm>> -> memref<40x128xf32, #tpu.memory_space<hbm>>
      %dma_wait3A_98 = arith.constant 0 : i32
      %dma_wait3A_99 = tpu.memref_slice %arg5[%arg0, %add3A_61, %dma_wait3A_98] : memref<2x10240x128xf32, #tpu.memory_space<hbm>> -> memref<1x40x128xf32, #tpu.memory_space<hbm>>
      %dma_wait3A_100 = tpu.memref_squeeze %dma_wait3A_99 : memref<1x40x128xf32, #tpu.memory_space<hbm>> -> memref<40x128xf32, #tpu.memory_space<hbm>>
      %dma_wait3A_101 = arith.constant 0 : i32
      %dma_wait3A_102 = arith.constant 0 : i32
      %dma_wait3A_103 = tpu.memref_slice %arg8[%dma_wait3A_101, %dma_wait3A_102] : memref<64x128xf32, #tpu.memory_space<vmem>> -> memref<40x128xf32, #tpu.memory_space<vmem>>
      tpu.wait_dma2 semaphore(%run_scoped3A : memref<!tpu.dma_semaphore, #tpu.memory_space<semaphore_mem>>) src(%dma_wait3A_103 : memref<40x128xf32, #tpu.memory_space<vmem>>) dst(%dma_wait3A_100 : memref<40x128xf32, #tpu.memory_space<hbm>>)
      tpu.yield
    }) : () -> ()
    %add3A_62 = arith.constant 440 : i32
    %add3A_63 = arith.addi %mul3A_2, %add3A_62 : i32
    "tpu.region"() ({
      %run_scoped3A = tpu.sem_alloc : memref<!tpu.dma_semaphore, #tpu.memory_space<semaphore_mem>>
      %dma_start3A = arith.constant 0 : i32
      %dma_start3A_82 = arith.constant 0 : i32
      %dma_start3A_83 = tpu.memref_slice %arg8[%dma_start3A, %dma_start3A_82] : memref<64x128xf32, #tpu.memory_space<vmem>> -> memref<40x128xf32, #tpu.memory_space<vmem>>
      %dma_start3A_84 = arith.constant 0 : i32
      %dma_start3A_85 = tpu.memref_slice %arg20[%add3A_63, %dma_start3A_84] : memref<10240x128xf32, #tpu.memory_space<vmem_shared>> -> memref<40x128xf32, #tpu.memory_space<vmem_shared>>
      %dma_start3A_86 = arith.constant 0 : i32
      %dma_start3A_87 = arith.constant 0 : i32
      %dma_start3A_88 = tpu.memref_slice %arg8[%dma_start3A_86, %dma_start3A_87] : memref<64x128xf32, #tpu.memory_space<vmem>> -> memref<40x128xf32, #tpu.memory_space<vmem>>
      %dma_start3A_89 = arith.constant 0 : i32
      %dma_start3A_90 = tpu.memref_slice %arg20[%add3A_63, %dma_start3A_89] : memref<10240x128xf32, #tpu.memory_space<vmem_shared>> -> memref<40x128xf32, #tpu.memory_space<vmem_shared>>
      tpu.enqueue_dma source(%dma_start3A_90 : memref<40x128xf32, #tpu.memory_space<vmem_shared>>) target(%dma_start3A_88 : memref<40x128xf32, #tpu.memory_space<vmem>>) target_semaphore(%run_scoped3A : memref<!tpu.dma_semaphore, #tpu.memory_space<semaphore_mem>>)
      %dma_wait3A = arith.constant 0 : i32
      %dma_wait3A_91 = arith.constant 0 : i32
      %dma_wait3A_92 = tpu.memref_slice %arg8[%dma_wait3A, %dma_wait3A_91] : memref<64x128xf32, #tpu.memory_space<vmem>> -> memref<40x128xf32, #tpu.memory_space<vmem>>
      %dma_wait3A_93 = arith.constant 0 : i32
      %dma_wait3A_94 = tpu.memref_slice %arg20[%add3A_63, %dma_wait3A_93] : memref<10240x128xf32, #tpu.memory_space<vmem_shared>> -> memref<40x128xf32, #tpu.memory_space<vmem_shared>>
      %dma_wait3A_95 = arith.constant 0 : i32
      %dma_wait3A_96 = arith.constant 0 : i32
      %dma_wait3A_97 = tpu.memref_slice %arg8[%dma_wait3A_95, %dma_wait3A_96] : memref<64x128xf32, #tpu.memory_space<vmem>> -> memref<40x128xf32, #tpu.memory_space<vmem>>
      %dma_wait3A_98 = arith.constant 0 : i32
      %dma_wait3A_99 = tpu.memref_slice %arg20[%add3A_63, %dma_wait3A_98] : memref<10240x128xf32, #tpu.memory_space<vmem_shared>> -> memref<40x128xf32, #tpu.memory_space<vmem_shared>>
      tpu.wait_dma2 semaphore(%run_scoped3A : memref<!tpu.dma_semaphore, #tpu.memory_space<semaphore_mem>>) src(%dma_wait3A_99 : memref<40x128xf32, #tpu.memory_space<vmem_shared>>) dst(%dma_wait3A_97 : memref<40x128xf32, #tpu.memory_space<vmem>>)
      tpu.yield
    }) : () -> ()
    %add3A_64 = arith.constant 440 : i32
    %add3A_65 = arith.addi %mul3A_2, %add3A_64 : i32
    "tpu.region"() ({
      %run_scoped3A = tpu.sem_alloc : memref<!tpu.dma_semaphore, #tpu.memory_space<semaphore_mem>>
      %dma_start3A = arith.constant 0 : i32
      %dma_start3A_82 = arith.constant 0 : i32
      %dma_start3A_83 = tpu.memref_slice %arg8[%dma_start3A, %dma_start3A_82] : memref<64x128xf32, #tpu.memory_space<vmem>> -> memref<40x128xf32, #tpu.memory_space<vmem>>
      %dma_start3A_84 = arith.constant 0 : i32
      %dma_start3A_85 = tpu.memref_slice %arg5[%arg0, %add3A_65, %dma_start3A_84] : memref<2x10240x128xf32, #tpu.memory_space<hbm>> -> memref<1x40x128xf32, #tpu.memory_space<hbm>>
      %dma_start3A_86 = tpu.memref_squeeze %dma_start3A_85 : memref<1x40x128xf32, #tpu.memory_space<hbm>> -> memref<40x128xf32, #tpu.memory_space<hbm>>
      %dma_start3A_87 = arith.constant 0 : i32
      %dma_start3A_88 = tpu.memref_slice %arg5[%arg0, %add3A_65, %dma_start3A_87] : memref<2x10240x128xf32, #tpu.memory_space<hbm>> -> memref<1x40x128xf32, #tpu.memory_space<hbm>>
      %dma_start3A_89 = tpu.memref_squeeze %dma_start3A_88 : memref<1x40x128xf32, #tpu.memory_space<hbm>> -> memref<40x128xf32, #tpu.memory_space<hbm>>
      %dma_start3A_90 = arith.constant 0 : i32
      %dma_start3A_91 = arith.constant 0 : i32
      %dma_start3A_92 = tpu.memref_slice %arg8[%dma_start3A_90, %dma_start3A_91] : memref<64x128xf32, #tpu.memory_space<vmem>> -> memref<40x128xf32, #tpu.memory_space<vmem>>
      tpu.enqueue_dma source(%dma_start3A_92 : memref<40x128xf32, #tpu.memory_space<vmem>>) target(%dma_start3A_89 : memref<40x128xf32, #tpu.memory_space<hbm>>) target_semaphore(%run_scoped3A : memref<!tpu.dma_semaphore, #tpu.memory_space<semaphore_mem>>)
      %dma_wait3A = arith.constant 0 : i32
      %dma_wait3A_93 = arith.constant 0 : i32
      %dma_wait3A_94 = tpu.memref_slice %arg8[%dma_wait3A, %dma_wait3A_93] : memref<64x128xf32, #tpu.memory_space<vmem>> -> memref<40x128xf32, #tpu.memory_space<vmem>>
      %dma_wait3A_95 = arith.constant 0 : i32
      %dma_wait3A_96 = tpu.memref_slice %arg5[%arg0, %add3A_65, %dma_wait3A_95] : memref<2x10240x128xf32, #tpu.memory_space<hbm>> -> memref<1x40x128xf32, #tpu.memory_space<hbm>>
      %dma_wait3A_97 = tpu.memref_squeeze %dma_wait3A_96 : memref<1x40x128xf32, #tpu.memory_space<hbm>> -> memref<40x128xf32, #tpu.memory_space<hbm>>
      %dma_wait3A_98 = arith.constant 0 : i32
      %dma_wait3A_99 = tpu.memref_slice %arg5[%arg0, %add3A_65, %dma_wait3A_98] : memref<2x10240x128xf32, #tpu.memory_space<hbm>> -> memref<1x40x128xf32, #tpu.memory_space<hbm>>
      %dma_wait3A_100 = tpu.memref_squeeze %dma_wait3A_99 : memref<1x40x128xf32, #tpu.memory_space<hbm>> -> memref<40x128xf32, #tpu.memory_space<hbm>>
      %dma_wait3A_101 = arith.constant 0 : i32
      %dma_wait3A_102 = arith.constant 0 : i32
      %dma_wait3A_103 = tpu.memref_slice %arg8[%dma_wait3A_101, %dma_wait3A_102] : memref<64x128xf32, #tpu.memory_space<vmem>> -> memref<40x128xf32, #tpu.memory_space<vmem>>
      tpu.wait_dma2 semaphore(%run_scoped3A : memref<!tpu.dma_semaphore, #tpu.memory_space<semaphore_mem>>) src(%dma_wait3A_103 : memref<40x128xf32, #tpu.memory_space<vmem>>) dst(%dma_wait3A_100 : memref<40x128xf32, #tpu.memory_space<hbm>>)
      tpu.yield
    }) : () -> ()
    %add3A_66 = arith.constant 480 : i32
    %add3A_67 = arith.addi %mul3A_2, %add3A_66 : i32
    "tpu.region"() ({
      %run_scoped3A = tpu.sem_alloc : memref<!tpu.dma_semaphore, #tpu.memory_space<semaphore_mem>>
      %dma_start3A = arith.constant 0 : i32
      %dma_start3A_82 = arith.constant 0 : i32
      %dma_start3A_83 = tpu.memref_slice %arg8[%dma_start3A, %dma_start3A_82] : memref<64x128xf32, #tpu.memory_space<vmem>> -> memref<40x128xf32, #tpu.memory_space<vmem>>
      %dma_start3A_84 = arith.constant 0 : i32
      %dma_start3A_85 = tpu.memref_slice %arg20[%add3A_67, %dma_start3A_84] : memref<10240x128xf32, #tpu.memory_space<vmem_shared>> -> memref<40x128xf32, #tpu.memory_space<vmem_shared>>
      %dma_start3A_86 = arith.constant 0 : i32
      %dma_start3A_87 = arith.constant 0 : i32
      %dma_start3A_88 = tpu.memref_slice %arg8[%dma_start3A_86, %dma_start3A_87] : memref<64x128xf32, #tpu.memory_space<vmem>> -> memref<40x128xf32, #tpu.memory_space<vmem>>
      %dma_start3A_89 = arith.constant 0 : i32
      %dma_start3A_90 = tpu.memref_slice %arg20[%add3A_67, %dma_start3A_89] : memref<10240x128xf32, #tpu.memory_space<vmem_shared>> -> memref<40x128xf32, #tpu.memory_space<vmem_shared>>
      tpu.enqueue_dma source(%dma_start3A_90 : memref<40x128xf32, #tpu.memory_space<vmem_shared>>) target(%dma_start3A_88 : memref<40x128xf32, #tpu.memory_space<vmem>>) target_semaphore(%run_scoped3A : memref<!tpu.dma_semaphore, #tpu.memory_space<semaphore_mem>>)
      %dma_wait3A = arith.constant 0 : i32
      %dma_wait3A_91 = arith.constant 0 : i32
      %dma_wait3A_92 = tpu.memref_slice %arg8[%dma_wait3A, %dma_wait3A_91] : memref<64x128xf32, #tpu.memory_space<vmem>> -> memref<40x128xf32, #tpu.memory_space<vmem>>
      %dma_wait3A_93 = arith.constant 0 : i32
      %dma_wait3A_94 = tpu.memref_slice %arg20[%add3A_67, %dma_wait3A_93] : memref<10240x128xf32, #tpu.memory_space<vmem_shared>> -> memref<40x128xf32, #tpu.memory_space<vmem_shared>>
      %dma_wait3A_95 = arith.constant 0 : i32
      %dma_wait3A_96 = arith.constant 0 : i32
      %dma_wait3A_97 = tpu.memref_slice %arg8[%dma_wait3A_95, %dma_wait3A_96] : memref<64x128xf32, #tpu.memory_space<vmem>> -> memref<40x128xf32, #tpu.memory_space<vmem>>
      %dma_wait3A_98 = arith.constant 0 : i32
      %dma_wait3A_99 = tpu.memref_slice %arg20[%add3A_67, %dma_wait3A_98] : memref<10240x128xf32, #tpu.memory_space<vmem_shared>> -> memref<40x128xf32, #tpu.memory_space<vmem_shared>>
      tpu.wait_dma2 semaphore(%run_scoped3A : memref<!tpu.dma_semaphore, #tpu.memory_space<semaphore_mem>>) src(%dma_wait3A_99 : memref<40x128xf32, #tpu.memory_space<vmem_shared>>) dst(%dma_wait3A_97 : memref<40x128xf32, #tpu.memory_space<vmem>>)
      tpu.yield
    }) : () -> ()
    %add3A_68 = arith.constant 480 : i32
    %add3A_69 = arith.addi %mul3A_2, %add3A_68 : i32
    "tpu.region"() ({
      %run_scoped3A = tpu.sem_alloc : memref<!tpu.dma_semaphore, #tpu.memory_space<semaphore_mem>>
      %dma_start3A = arith.constant 0 : i32
      %dma_start3A_82 = arith.constant 0 : i32
      %dma_start3A_83 = tpu.memref_slice %arg8[%dma_start3A, %dma_start3A_82] : memref<64x128xf32, #tpu.memory_space<vmem>> -> memref<40x128xf32, #tpu.memory_space<vmem>>
      %dma_start3A_84 = arith.constant 0 : i32
      %dma_start3A_85 = tpu.memref_slice %arg5[%arg0, %add3A_69, %dma_start3A_84] : memref<2x10240x128xf32, #tpu.memory_space<hbm>> -> memref<1x40x128xf32, #tpu.memory_space<hbm>>
      %dma_start3A_86 = tpu.memref_squeeze %dma_start3A_85 : memref<1x40x128xf32, #tpu.memory_space<hbm>> -> memref<40x128xf32, #tpu.memory_space<hbm>>
      %dma_start3A_87 = arith.constant 0 : i32
      %dma_start3A_88 = tpu.memref_slice %arg5[%arg0, %add3A_69, %dma_start3A_87] : memref<2x10240x128xf32, #tpu.memory_space<hbm>> -> memref<1x40x128xf32, #tpu.memory_space<hbm>>
      %dma_start3A_89 = tpu.memref_squeeze %dma_start3A_88 : memref<1x40x128xf32, #tpu.memory_space<hbm>> -> memref<40x128xf32, #tpu.memory_space<hbm>>
      %dma_start3A_90 = arith.constant 0 : i32
      %dma_start3A_91 = arith.constant 0 : i32
      %dma_start3A_92 = tpu.memref_slice %arg8[%dma_start3A_90, %dma_start3A_91] : memref<64x128xf32, #tpu.memory_space<vmem>> -> memref<40x128xf32, #tpu.memory_space<vmem>>
      tpu.enqueue_dma source(%dma_start3A_92 : memref<40x128xf32, #tpu.memory_space<vmem>>) target(%dma_start3A_89 : memref<40x128xf32, #tpu.memory_space<hbm>>) target_semaphore(%run_scoped3A : memref<!tpu.dma_semaphore, #tpu.memory_space<semaphore_mem>>)
      %dma_wait3A = arith.constant 0 : i32
      %dma_wait3A_93 = arith.constant 0 : i32
      %dma_wait3A_94 = tpu.memref_slice %arg8[%dma_wait3A, %dma_wait3A_93] : memref<64x128xf32, #tpu.memory_space<vmem>> -> memref<40x128xf32, #tpu.memory_space<vmem>>
      %dma_wait3A_95 = arith.constant 0 : i32
      %dma_wait3A_96 = tpu.memref_slice %arg5[%arg0, %add3A_69, %dma_wait3A_95] : memref<2x10240x128xf32, #tpu.memory_space<hbm>> -> memref<1x40x128xf32, #tpu.memory_space<hbm>>
      %dma_wait3A_97 = tpu.memref_squeeze %dma_wait3A_96 : memref<1x40x128xf32, #tpu.memory_space<hbm>> -> memref<40x128xf32, #tpu.memory_space<hbm>>
      %dma_wait3A_98 = arith.constant 0 : i32
      %dma_wait3A_99 = tpu.memref_slice %arg5[%arg0, %add3A_69, %dma_wait3A_98] : memref<2x10240x128xf32, #tpu.memory_space<hbm>> -> memref<1x40x128xf32, #tpu.memory_space<hbm>>
      %dma_wait3A_100 = tpu.memref_squeeze %dma_wait3A_99 : memref<1x40x128xf32, #tpu.memory_space<hbm>> -> memref<40x128xf32, #tpu.memory_space<hbm>>
      %dma_wait3A_101 = arith.constant 0 : i32
      %dma_wait3A_102 = arith.constant 0 : i32
      %dma_wait3A_103 = tpu.memref_slice %arg8[%dma_wait3A_101, %dma_wait3A_102] : memref<64x128xf32, #tpu.memory_space<vmem>> -> memref<40x128xf32, #tpu.memory_space<vmem>>
      tpu.wait_dma2 semaphore(%run_scoped3A : memref<!tpu.dma_semaphore, #tpu.memory_space<semaphore_mem>>) src(%dma_wait3A_103 : memref<40x128xf32, #tpu.memory_space<vmem>>) dst(%dma_wait3A_100 : memref<40x128xf32, #tpu.memory_space<hbm>>)
      tpu.yield
    }) : () -> ()
    %add3A_70 = arith.constant 520 : i32
    %add3A_71 = arith.addi %mul3A_2, %add3A_70 : i32
    "tpu.region"() ({
      %run_scoped3A = tpu.sem_alloc : memref<!tpu.dma_semaphore, #tpu.memory_space<semaphore_mem>>
      %dma_start3A = arith.constant 0 : i32
      %dma_start3A_82 = arith.constant 0 : i32
      %dma_start3A_83 = tpu.memref_slice %arg8[%dma_start3A, %dma_start3A_82] : memref<64x128xf32, #tpu.memory_space<vmem>> -> memref<40x128xf32, #tpu.memory_space<vmem>>
      %dma_start3A_84 = arith.constant 0 : i32
      %dma_start3A_85 = tpu.memref_slice %arg20[%add3A_71, %dma_start3A_84] : memref<10240x128xf32, #tpu.memory_space<vmem_shared>> -> memref<40x128xf32, #tpu.memory_space<vmem_shared>>
      %dma_start3A_86 = arith.constant 0 : i32
      %dma_start3A_87 = arith.constant 0 : i32
      %dma_start3A_88 = tpu.memref_slice %arg8[%dma_start3A_86, %dma_start3A_87] : memref<64x128xf32, #tpu.memory_space<vmem>> -> memref<40x128xf32, #tpu.memory_space<vmem>>
      %dma_start3A_89 = arith.constant 0 : i32
      %dma_start3A_90 = tpu.memref_slice %arg20[%add3A_71, %dma_start3A_89] : memref<10240x128xf32, #tpu.memory_space<vmem_shared>> -> memref<40x128xf32, #tpu.memory_space<vmem_shared>>
      tpu.enqueue_dma source(%dma_start3A_90 : memref<40x128xf32, #tpu.memory_space<vmem_shared>>) target(%dma_start3A_88 : memref<40x128xf32, #tpu.memory_space<vmem>>) target_semaphore(%run_scoped3A : memref<!tpu.dma_semaphore, #tpu.memory_space<semaphore_mem>>)
      %dma_wait3A = arith.constant 0 : i32
      %dma_wait3A_91 = arith.constant 0 : i32
      %dma_wait3A_92 = tpu.memref_slice %arg8[%dma_wait3A, %dma_wait3A_91] : memref<64x128xf32, #tpu.memory_space<vmem>> -> memref<40x128xf32, #tpu.memory_space<vmem>>
      %dma_wait3A_93 = arith.constant 0 : i32
      %dma_wait3A_94 = tpu.memref_slice %arg20[%add3A_71, %dma_wait3A_93] : memref<10240x128xf32, #tpu.memory_space<vmem_shared>> -> memref<40x128xf32, #tpu.memory_space<vmem_shared>>
      %dma_wait3A_95 = arith.constant 0 : i32
      %dma_wait3A_96 = arith.constant 0 : i32
      %dma_wait3A_97 = tpu.memref_slice %arg8[%dma_wait3A_95, %dma_wait3A_96] : memref<64x128xf32, #tpu.memory_space<vmem>> -> memref<40x128xf32, #tpu.memory_space<vmem>>
      %dma_wait3A_98 = arith.constant 0 : i32
      %dma_wait3A_99 = tpu.memref_slice %arg20[%add3A_71, %dma_wait3A_98] : memref<10240x128xf32, #tpu.memory_space<vmem_shared>> -> memref<40x128xf32, #tpu.memory_space<vmem_shared>>
      tpu.wait_dma2 semaphore(%run_scoped3A : memref<!tpu.dma_semaphore, #tpu.memory_space<semaphore_mem>>) src(%dma_wait3A_99 : memref<40x128xf32, #tpu.memory_space<vmem_shared>>) dst(%dma_wait3A_97 : memref<40x128xf32, #tpu.memory_space<vmem>>)
      tpu.yield
    }) : () -> ()
    %add3A_72 = arith.constant 520 : i32
    %add3A_73 = arith.addi %mul3A_2, %add3A_72 : i32
    "tpu.region"() ({
      %run_scoped3A = tpu.sem_alloc : memref<!tpu.dma_semaphore, #tpu.memory_space<semaphore_mem>>
      %dma_start3A = arith.constant 0 : i32
      %dma_start3A_82 = arith.constant 0 : i32
      %dma_start3A_83 = tpu.memref_slice %arg8[%dma_start3A, %dma_start3A_82] : memref<64x128xf32, #tpu.memory_space<vmem>> -> memref<40x128xf32, #tpu.memory_space<vmem>>
      %dma_start3A_84 = arith.constant 0 : i32
      %dma_start3A_85 = tpu.memref_slice %arg5[%arg0, %add3A_73, %dma_start3A_84] : memref<2x10240x128xf32, #tpu.memory_space<hbm>> -> memref<1x40x128xf32, #tpu.memory_space<hbm>>
      %dma_start3A_86 = tpu.memref_squeeze %dma_start3A_85 : memref<1x40x128xf32, #tpu.memory_space<hbm>> -> memref<40x128xf32, #tpu.memory_space<hbm>>
      %dma_start3A_87 = arith.constant 0 : i32
      %dma_start3A_88 = tpu.memref_slice %arg5[%arg0, %add3A_73, %dma_start3A_87] : memref<2x10240x128xf32, #tpu.memory_space<hbm>> -> memref<1x40x128xf32, #tpu.memory_space<hbm>>
      %dma_start3A_89 = tpu.memref_squeeze %dma_start3A_88 : memref<1x40x128xf32, #tpu.memory_space<hbm>> -> memref<40x128xf32, #tpu.memory_space<hbm>>
      %dma_start3A_90 = arith.constant 0 : i32
      %dma_start3A_91 = arith.constant 0 : i32
      %dma_start3A_92 = tpu.memref_slice %arg8[%dma_start3A_90, %dma_start3A_91] : memref<64x128xf32, #tpu.memory_space<vmem>> -> memref<40x128xf32, #tpu.memory_space<vmem>>
      tpu.enqueue_dma source(%dma_start3A_92 : memref<40x128xf32, #tpu.memory_space<vmem>>) target(%dma_start3A_89 : memref<40x128xf32, #tpu.memory_space<hbm>>) target_semaphore(%run_scoped3A : memref<!tpu.dma_semaphore, #tpu.memory_space<semaphore_mem>>)
      %dma_wait3A = arith.constant 0 : i32
      %dma_wait3A_93 = arith.constant 0 : i32
      %dma_wait3A_94 = tpu.memref_slice %arg8[%dma_wait3A, %dma_wait3A_93] : memref<64x128xf32, #tpu.memory_space<vmem>> -> memref<40x128xf32, #tpu.memory_space<vmem>>
      %dma_wait3A_95 = arith.constant 0 : i32
      %dma_wait3A_96 = tpu.memref_slice %arg5[%arg0, %add3A_73, %dma_wait3A_95] : memref<2x10240x128xf32, #tpu.memory_space<hbm>> -> memref<1x40x128xf32, #tpu.memory_space<hbm>>
      %dma_wait3A_97 = tpu.memref_squeeze %dma_wait3A_96 : memref<1x40x128xf32, #tpu.memory_space<hbm>> -> memref<40x128xf32, #tpu.memory_space<hbm>>
      %dma_wait3A_98 = arith.constant 0 : i32
      %dma_wait3A_99 = tpu.memref_slice %arg5[%arg0, %add3A_73, %dma_wait3A_98] : memref<2x10240x128xf32, #tpu.memory_space<hbm>> -> memref<1x40x128xf32, #tpu.memory_space<hbm>>
      %dma_wait3A_100 = tpu.memref_squeeze %dma_wait3A_99 : memref<1x40x128xf32, #tpu.memory_space<hbm>> -> memref<40x128xf32, #tpu.memory_space<hbm>>
      %dma_wait3A_101 = arith.constant 0 : i32
      %dma_wait3A_102 = arith.constant 0 : i32
      %dma_wait3A_103 = tpu.memref_slice %arg8[%dma_wait3A_101, %dma_wait3A_102] : memref<64x128xf32, #tpu.memory_space<vmem>> -> memref<40x128xf32, #tpu.memory_space<vmem>>
      tpu.wait_dma2 semaphore(%run_scoped3A : memref<!tpu.dma_semaphore, #tpu.memory_space<semaphore_mem>>) src(%dma_wait3A_103 : memref<40x128xf32, #tpu.memory_space<vmem>>) dst(%dma_wait3A_100 : memref<40x128xf32, #tpu.memory_space<hbm>>)
      tpu.yield
    }) : () -> ()
    %add3A_74 = arith.constant 560 : i32
    %add3A_75 = arith.addi %mul3A_2, %add3A_74 : i32
    "tpu.region"() ({
      %run_scoped3A = tpu.sem_alloc : memref<!tpu.dma_semaphore, #tpu.memory_space<semaphore_mem>>
      %dma_start3A = arith.constant 0 : i32
      %dma_start3A_82 = arith.constant 0 : i32
      %dma_start3A_83 = tpu.memref_slice %arg8[%dma_start3A, %dma_start3A_82] : memref<64x128xf32, #tpu.memory_space<vmem>> -> memref<40x128xf32, #tpu.memory_space<vmem>>
      %dma_start3A_84 = arith.constant 0 : i32
      %dma_start3A_85 = tpu.memref_slice %arg20[%add3A_75, %dma_start3A_84] : memref<10240x128xf32, #tpu.memory_space<vmem_shared>> -> memref<40x128xf32, #tpu.memory_space<vmem_shared>>
      %dma_start3A_86 = arith.constant 0 : i32
      %dma_start3A_87 = arith.constant 0 : i32
      %dma_start3A_88 = tpu.memref_slice %arg8[%dma_start3A_86, %dma_start3A_87] : memref<64x128xf32, #tpu.memory_space<vmem>> -> memref<40x128xf32, #tpu.memory_space<vmem>>
      %dma_start3A_89 = arith.constant 0 : i32
      %dma_start3A_90 = tpu.memref_slice %arg20[%add3A_75, %dma_start3A_89] : memref<10240x128xf32, #tpu.memory_space<vmem_shared>> -> memref<40x128xf32, #tpu.memory_space<vmem_shared>>
      tpu.enqueue_dma source(%dma_start3A_90 : memref<40x128xf32, #tpu.memory_space<vmem_shared>>) target(%dma_start3A_88 : memref<40x128xf32, #tpu.memory_space<vmem>>) target_semaphore(%run_scoped3A : memref<!tpu.dma_semaphore, #tpu.memory_space<semaphore_mem>>)
      %dma_wait3A = arith.constant 0 : i32
      %dma_wait3A_91 = arith.constant 0 : i32
      %dma_wait3A_92 = tpu.memref_slice %arg8[%dma_wait3A, %dma_wait3A_91] : memref<64x128xf32, #tpu.memory_space<vmem>> -> memref<40x128xf32, #tpu.memory_space<vmem>>
      %dma_wait3A_93 = arith.constant 0 : i32
      %dma_wait3A_94 = tpu.memref_slice %arg20[%add3A_75, %dma_wait3A_93] : memref<10240x128xf32, #tpu.memory_space<vmem_shared>> -> memref<40x128xf32, #tpu.memory_space<vmem_shared>>
      %dma_wait3A_95 = arith.constant 0 : i32
      %dma_wait3A_96 = arith.constant 0 : i32
      %dma_wait3A_97 = tpu.memref_slice %arg8[%dma_wait3A_95, %dma_wait3A_96] : memref<64x128xf32, #tpu.memory_space<vmem>> -> memref<40x128xf32, #tpu.memory_space<vmem>>
      %dma_wait3A_98 = arith.constant 0 : i32
      %dma_wait3A_99 = tpu.memref_slice %arg20[%add3A_75, %dma_wait3A_98] : memref<10240x128xf32, #tpu.memory_space<vmem_shared>> -> memref<40x128xf32, #tpu.memory_space<vmem_shared>>
      tpu.wait_dma2 semaphore(%run_scoped3A : memref<!tpu.dma_semaphore, #tpu.memory_space<semaphore_mem>>) src(%dma_wait3A_99 : memref<40x128xf32, #tpu.memory_space<vmem_shared>>) dst(%dma_wait3A_97 : memref<40x128xf32, #tpu.memory_space<vmem>>)
      tpu.yield
    }) : () -> ()
    %add3A_76 = arith.constant 560 : i32
    %add3A_77 = arith.addi %mul3A_2, %add3A_76 : i32
    "tpu.region"() ({
      %run_scoped3A = tpu.sem_alloc : memref<!tpu.dma_semaphore, #tpu.memory_space<semaphore_mem>>
      %dma_start3A = arith.constant 0 : i32
      %dma_start3A_82 = arith.constant 0 : i32
      %dma_start3A_83 = tpu.memref_slice %arg8[%dma_start3A, %dma_start3A_82] : memref<64x128xf32, #tpu.memory_space<vmem>> -> memref<40x128xf32, #tpu.memory_space<vmem>>
      %dma_start3A_84 = arith.constant 0 : i32
      %dma_start3A_85 = tpu.memref_slice %arg5[%arg0, %add3A_77, %dma_start3A_84] : memref<2x10240x128xf32, #tpu.memory_space<hbm>> -> memref<1x40x128xf32, #tpu.memory_space<hbm>>
      %dma_start3A_86 = tpu.memref_squeeze %dma_start3A_85 : memref<1x40x128xf32, #tpu.memory_space<hbm>> -> memref<40x128xf32, #tpu.memory_space<hbm>>
      %dma_start3A_87 = arith.constant 0 : i32
      %dma_start3A_88 = tpu.memref_slice %arg5[%arg0, %add3A_77, %dma_start3A_87] : memref<2x10240x128xf32, #tpu.memory_space<hbm>> -> memref<1x40x128xf32, #tpu.memory_space<hbm>>
      %dma_start3A_89 = tpu.memref_squeeze %dma_start3A_88 : memref<1x40x128xf32, #tpu.memory_space<hbm>> -> memref<40x128xf32, #tpu.memory_space<hbm>>
      %dma_start3A_90 = arith.constant 0 : i32
      %dma_start3A_91 = arith.constant 0 : i32
      %dma_start3A_92 = tpu.memref_slice %arg8[%dma_start3A_90, %dma_start3A_91] : memref<64x128xf32, #tpu.memory_space<vmem>> -> memref<40x128xf32, #tpu.memory_space<vmem>>
      tpu.enqueue_dma source(%dma_start3A_92 : memref<40x128xf32, #tpu.memory_space<vmem>>) target(%dma_start3A_89 : memref<40x128xf32, #tpu.memory_space<hbm>>) target_semaphore(%run_scoped3A : memref<!tpu.dma_semaphore, #tpu.memory_space<semaphore_mem>>)
      %dma_wait3A = arith.constant 0 : i32
      %dma_wait3A_93 = arith.constant 0 : i32
      %dma_wait3A_94 = tpu.memref_slice %arg8[%dma_wait3A, %dma_wait3A_93] : memref<64x128xf32, #tpu.memory_space<vmem>> -> memref<40x128xf32, #tpu.memory_space<vmem>>
      %dma_wait3A_95 = arith.constant 0 : i32
      %dma_wait3A_96 = tpu.memref_slice %arg5[%arg0, %add3A_77, %dma_wait3A_95] : memref<2x10240x128xf32, #tpu.memory_space<hbm>> -> memref<1x40x128xf32, #tpu.memory_space<hbm>>
      %dma_wait3A_97 = tpu.memref_squeeze %dma_wait3A_96 : memref<1x40x128xf32, #tpu.memory_space<hbm>> -> memref<40x128xf32, #tpu.memory_space<hbm>>
      %dma_wait3A_98 = arith.constant 0 : i32
      %dma_wait3A_99 = tpu.memref_slice %arg5[%arg0, %add3A_77, %dma_wait3A_98] : memref<2x10240x128xf32, #tpu.memory_space<hbm>> -> memref<1x40x128xf32, #tpu.memory_space<hbm>>
      %dma_wait3A_100 = tpu.memref_squeeze %dma_wait3A_99 : memref<1x40x128xf32, #tpu.memory_space<hbm>> -> memref<40x128xf32, #tpu.memory_space<hbm>>
      %dma_wait3A_101 = arith.constant 0 : i32
      %dma_wait3A_102 = arith.constant 0 : i32
      %dma_wait3A_103 = tpu.memref_slice %arg8[%dma_wait3A_101, %dma_wait3A_102] : memref<64x128xf32, #tpu.memory_space<vmem>> -> memref<40x128xf32, #tpu.memory_space<vmem>>
      tpu.wait_dma2 semaphore(%run_scoped3A : memref<!tpu.dma_semaphore, #tpu.memory_space<semaphore_mem>>) src(%dma_wait3A_103 : memref<40x128xf32, #tpu.memory_space<vmem>>) dst(%dma_wait3A_100 : memref<40x128xf32, #tpu.memory_space<hbm>>)
      tpu.yield
    }) : () -> ()
    %add3A_78 = arith.constant 600 : i32
    %add3A_79 = arith.addi %mul3A_2, %add3A_78 : i32
    "tpu.region"() ({
      %run_scoped3A = tpu.sem_alloc : memref<!tpu.dma_semaphore, #tpu.memory_space<semaphore_mem>>
      %dma_start3A = arith.constant 0 : i32
      %dma_start3A_82 = arith.constant 0 : i32
      %dma_start3A_83 = tpu.memref_slice %arg8[%dma_start3A, %dma_start3A_82] : memref<64x128xf32, #tpu.memory_space<vmem>> -> memref<40x128xf32, #tpu.memory_space<vmem>>
      %dma_start3A_84 = arith.constant 0 : i32
      %dma_start3A_85 = tpu.memref_slice %arg20[%add3A_79, %dma_start3A_84] : memref<10240x128xf32, #tpu.memory_space<vmem_shared>> -> memref<40x128xf32, #tpu.memory_space<vmem_shared>>
      %dma_start3A_86 = arith.constant 0 : i32
      %dma_start3A_87 = arith.constant 0 : i32
      %dma_start3A_88 = tpu.memref_slice %arg8[%dma_start3A_86, %dma_start3A_87] : memref<64x128xf32, #tpu.memory_space<vmem>> -> memref<40x128xf32, #tpu.memory_space<vmem>>
      %dma_start3A_89 = arith.constant 0 : i32
      %dma_start3A_90 = tpu.memref_slice %arg20[%add3A_79, %dma_start3A_89] : memref<10240x128xf32, #tpu.memory_space<vmem_shared>> -> memref<40x128xf32, #tpu.memory_space<vmem_shared>>
      tpu.enqueue_dma source(%dma_start3A_90 : memref<40x128xf32, #tpu.memory_space<vmem_shared>>) target(%dma_start3A_88 : memref<40x128xf32, #tpu.memory_space<vmem>>) target_semaphore(%run_scoped3A : memref<!tpu.dma_semaphore, #tpu.memory_space<semaphore_mem>>)
      %dma_wait3A = arith.constant 0 : i32
      %dma_wait3A_91 = arith.constant 0 : i32
      %dma_wait3A_92 = tpu.memref_slice %arg8[%dma_wait3A, %dma_wait3A_91] : memref<64x128xf32, #tpu.memory_space<vmem>> -> memref<40x128xf32, #tpu.memory_space<vmem>>
      %dma_wait3A_93 = arith.constant 0 : i32
      %dma_wait3A_94 = tpu.memref_slice %arg20[%add3A_79, %dma_wait3A_93] : memref<10240x128xf32, #tpu.memory_space<vmem_shared>> -> memref<40x128xf32, #tpu.memory_space<vmem_shared>>
      %dma_wait3A_95 = arith.constant 0 : i32
      %dma_wait3A_96 = arith.constant 0 : i32
      %dma_wait3A_97 = tpu.memref_slice %arg8[%dma_wait3A_95, %dma_wait3A_96] : memref<64x128xf32, #tpu.memory_space<vmem>> -> memref<40x128xf32, #tpu.memory_space<vmem>>
      %dma_wait3A_98 = arith.constant 0 : i32
      %dma_wait3A_99 = tpu.memref_slice %arg20[%add3A_79, %dma_wait3A_98] : memref<10240x128xf32, #tpu.memory_space<vmem_shared>> -> memref<40x128xf32, #tpu.memory_space<vmem_shared>>
      tpu.wait_dma2 semaphore(%run_scoped3A : memref<!tpu.dma_semaphore, #tpu.memory_space<semaphore_mem>>) src(%dma_wait3A_99 : memref<40x128xf32, #tpu.memory_space<vmem_shared>>) dst(%dma_wait3A_97 : memref<40x128xf32, #tpu.memory_space<vmem>>)
      tpu.yield
    }) : () -> ()
    %add3A_80 = arith.constant 600 : i32
    %add3A_81 = arith.addi %mul3A_2, %add3A_80 : i32
    "tpu.region"() ({
      %run_scoped3A = tpu.sem_alloc : memref<!tpu.dma_semaphore, #tpu.memory_space<semaphore_mem>>
      %dma_start3A = arith.constant 0 : i32
      %dma_start3A_82 = arith.constant 0 : i32
      %dma_start3A_83 = tpu.memref_slice %arg8[%dma_start3A, %dma_start3A_82] : memref<64x128xf32, #tpu.memory_space<vmem>> -> memref<40x128xf32, #tpu.memory_space<vmem>>
      %dma_start3A_84 = arith.constant 0 : i32
      %dma_start3A_85 = tpu.memref_slice %arg5[%arg0, %add3A_81, %dma_start3A_84] : memref<2x10240x128xf32, #tpu.memory_space<hbm>> -> memref<1x40x128xf32, #tpu.memory_space<hbm>>
      %dma_start3A_86 = tpu.memref_squeeze %dma_start3A_85 : memref<1x40x128xf32, #tpu.memory_space<hbm>> -> memref<40x128xf32, #tpu.memory_space<hbm>>
      %dma_start3A_87 = arith.constant 0 : i32
      %dma_start3A_88 = tpu.memref_slice %arg5[%arg0, %add3A_81, %dma_start3A_87] : memref<2x10240x128xf32, #tpu.memory_space<hbm>> -> memref<1x40x128xf32, #tpu.memory_space<hbm>>
      %dma_start3A_89 = tpu.memref_squeeze %dma_start3A_88 : memref<1x40x128xf32, #tpu.memory_space<hbm>> -> memref<40x128xf32, #tpu.memory_space<hbm>>
      %dma_start3A_90 = arith.constant 0 : i32
      %dma_start3A_91 = arith.constant 0 : i32
      %dma_start3A_92 = tpu.memref_slice %arg8[%dma_start3A_90, %dma_start3A_91] : memref<64x128xf32, #tpu.memory_space<vmem>> -> memref<40x128xf32, #tpu.memory_space<vmem>>
      tpu.enqueue_dma source(%dma_start3A_92 : memref<40x128xf32, #tpu.memory_space<vmem>>) target(%dma_start3A_89 : memref<40x128xf32, #tpu.memory_space<hbm>>) target_semaphore(%run_scoped3A : memref<!tpu.dma_semaphore, #tpu.memory_space<semaphore_mem>>)
      %dma_wait3A = arith.constant 0 : i32
      %dma_wait3A_93 = arith.constant 0 : i32
      %dma_wait3A_94 = tpu.memref_slice %arg8[%dma_wait3A, %dma_wait3A_93] : memref<64x128xf32, #tpu.memory_space<vmem>> -> memref<40x128xf32, #tpu.memory_space<vmem>>
      %dma_wait3A_95 = arith.constant 0 : i32
      %dma_wait3A_96 = tpu.memref_slice %arg5[%arg0, %add3A_81, %dma_wait3A_95] : memref<2x10240x128xf32, #tpu.memory_space<hbm>> -> memref<1x40x128xf32, #tpu.memory_space<hbm>>
      %dma_wait3A_97 = tpu.memref_squeeze %dma_wait3A_96 : memref<1x40x128xf32, #tpu.memory_space<hbm>> -> memref<40x128xf32, #tpu.memory_space<hbm>>
      %dma_wait3A_98 = arith.constant 0 : i32
      %dma_wait3A_99 = tpu.memref_slice %arg5[%arg0, %add3A_81, %dma_wait3A_98] : memref<2x10240x128xf32, #tpu.memory_space<hbm>> -> memref<1x40x128xf32, #tpu.memory_space<hbm>>
      %dma_wait3A_100 = tpu.memref_squeeze %dma_wait3A_99 : memref<1x40x128xf32, #tpu.memory_space<hbm>> -> memref<40x128xf32, #tpu.memory_space<hbm>>
      %dma_wait3A_101 = arith.constant 0 : i32
      %dma_wait3A_102 = arith.constant 0 : i32
      %dma_wait3A_103 = tpu.memref_slice %arg8[%dma_wait3A_101, %dma_wait3A_102] : memref<64x128xf32, #tpu.memory_space<vmem>> -> memref<40x128xf32, #tpu.memory_space<vmem>>
      tpu.wait_dma2 semaphore(%run_scoped3A : memref<!tpu.dma_semaphore, #tpu.memory_space<semaphore_mem>>) src(%dma_wait3A_103 : memref<40x128xf32, #tpu.memory_space<vmem>>) dst(%dma_wait3A_100 : memref<40x128xf32, #tpu.memory_space<hbm>>)
      tpu.yield
    }) : () -> ()
    return
  }
}

#map = affine_map<(d0, d1) -> (0, 0, 0)>
#map1 = affine_map<(d0, d1) -> (0, 0)>
module attributes {stable_mosaic.version = 14 : i64} {
  func.func @_degree_kernel(%arg0: i32, %arg1: i32, %arg2: memref<32x160x125xi32, #tpu.memory_space<hbm>>, %arg3: memref<2x10240xf32, #tpu.memory_space<hbm>>, %arg4: memref<160x125xi32, #tpu.memory_space<vmem>>, %arg5: memref<128xf32, #tpu.memory_space<vmem>>, %arg6: memref<640xf32, #tpu.memory_space<vmem>>, %arg7: memref<10240xf32, #tpu.memory_space<vmem_shared>>) attributes {dimension_semantics = [#tpu.dimension_semantics<core_parallel>, #tpu.dimension_semantics<subcore_parallel>], iteration_bounds = array<i64: 2, 16>, scalar_prefetch = 0 : i64, scratch_operands = 4 : i64, tpu.core_type = #tpu.core_type<sc_vector_subcore>, window_params = [{transform_indices = #map}, {transform_indices = #map1}]} {
    %mul3A = arith.constant 16 : i32
    %mul3A_0 = arith.muli %arg0, %mul3A : i32
    %add3A = arith.addi %mul3A_0, %arg1 : i32
    %broadcast_in_dim3A = arith.constant 1.000000e+00 : f32
    %broadcast_in_dim3A_1 = vector.broadcast %broadcast_in_dim3A : f32 to vector<16xf32>
    %swap3A = arith.constant 0 : index
    %swap3A_2 = tpu.vector_load %arg5[%swap3A] {strides = array<i32>} : memref<128xf32, #tpu.memory_space<vmem>>, vector<16xf32>,
    %swap3A_3 = vector.shape_cast %swap3A_2 : vector<16xf32> to vector<16xf32>
    %swap3A_4 = vector.shape_cast %broadcast_in_dim3A_1 : vector<16xf32> to vector<16xf32>
    tpu.vector_store %arg5[%swap3A], %swap3A_4 {strides = array<i32>} : memref<128xf32, #tpu.memory_space<vmem>>, vector<16xf32>,
    %broadcast_in_dim3A_5 = arith.constant 1.000000e+00 : f32
    %broadcast_in_dim3A_6 = vector.broadcast %broadcast_in_dim3A_5 : f32 to vector<16xf32>
    %swap3A_7 = arith.constant 16 : index
    %swap3A_8 = tpu.vector_load %arg5[%swap3A_7] {strides = array<i32>} : memref<128xf32, #tpu.memory_space<vmem>>, vector<16xf32>,
    %swap3A_9 = vector.shape_cast %swap3A_8 : vector<16xf32> to vector<16xf32>
    %swap3A_10 = vector.shape_cast %broadcast_in_dim3A_6 : vector<16xf32> to vector<16xf32>
    tpu.vector_store %arg5[%swap3A_7], %swap3A_10 {strides = array<i32>} : memref<128xf32, #tpu.memory_space<vmem>>, vector<16xf32>,
    %broadcast_in_dim3A_11 = arith.constant 1.000000e+00 : f32
    %broadcast_in_dim3A_12 = vector.broadcast %broadcast_in_dim3A_11 : f32 to vector<16xf32>
    %swap3A_13 = arith.constant 32 : index
    %swap3A_14 = tpu.vector_load %arg5[%swap3A_13] {strides = array<i32>} : memref<128xf32, #tpu.memory_space<vmem>>, vector<16xf32>,
    %swap3A_15 = vector.shape_cast %swap3A_14 : vector<16xf32> to vector<16xf32>
    %swap3A_16 = vector.shape_cast %broadcast_in_dim3A_12 : vector<16xf32> to vector<16xf32>
    tpu.vector_store %arg5[%swap3A_13], %swap3A_16 {strides = array<i32>} : memref<128xf32, #tpu.memory_space<vmem>>, vector<16xf32>,
    %broadcast_in_dim3A_17 = arith.constant 1.000000e+00 : f32
    %broadcast_in_dim3A_18 = vector.broadcast %broadcast_in_dim3A_17 : f32 to vector<16xf32>
    %swap3A_19 = arith.constant 48 : index
    %swap3A_20 = tpu.vector_load %arg5[%swap3A_19] {strides = array<i32>} : memref<128xf32, #tpu.memory_space<vmem>>, vector<16xf32>,
    %swap3A_21 = vector.shape_cast %swap3A_20 : vector<16xf32> to vector<16xf32>
    %swap3A_22 = vector.shape_cast %broadcast_in_dim3A_18 : vector<16xf32> to vector<16xf32>
    tpu.vector_store %arg5[%swap3A_19], %swap3A_22 {strides = array<i32>} : memref<128xf32, #tpu.memory_space<vmem>>, vector<16xf32>,
    %broadcast_in_dim3A_23 = arith.constant 1.000000e+00 : f32
    %broadcast_in_dim3A_24 = vector.broadcast %broadcast_in_dim3A_23 : f32 to vector<16xf32>
    %swap3A_25 = arith.constant 64 : index
    %swap3A_26 = tpu.vector_load %arg5[%swap3A_25] {strides = array<i32>} : memref<128xf32, #tpu.memory_space<vmem>>, vector<16xf32>,
    %swap3A_27 = vector.shape_cast %swap3A_26 : vector<16xf32> to vector<16xf32>
    %swap3A_28 = vector.shape_cast %broadcast_in_dim3A_24 : vector<16xf32> to vector<16xf32>
    tpu.vector_store %arg5[%swap3A_25], %swap3A_28 {strides = array<i32>} : memref<128xf32, #tpu.memory_space<vmem>>, vector<16xf32>,
    %broadcast_in_dim3A_29 = arith.constant 1.000000e+00 : f32
    %broadcast_in_dim3A_30 = vector.broadcast %broadcast_in_dim3A_29 : f32 to vector<16xf32>
    %swap3A_31 = arith.constant 80 : index
    %swap3A_32 = tpu.vector_load %arg5[%swap3A_31] {strides = array<i32>} : memref<128xf32, #tpu.memory_space<vmem>>, vector<16xf32>,
    %swap3A_33 = vector.shape_cast %swap3A_32 : vector<16xf32> to vector<16xf32>
    %swap3A_34 = vector.shape_cast %broadcast_in_dim3A_30 : vector<16xf32> to vector<16xf32>
    tpu.vector_store %arg5[%swap3A_31], %swap3A_34 {strides = array<i32>} : memref<128xf32, #tpu.memory_space<vmem>>, vector<16xf32>,
    %broadcast_in_dim3A_35 = arith.constant 1.000000e+00 : f32
    %broadcast_in_dim3A_36 = vector.broadcast %broadcast_in_dim3A_35 : f32 to vector<16xf32>
    %swap3A_37 = arith.constant 96 : index
    %swap3A_38 = tpu.vector_load %arg5[%swap3A_37] {strides = array<i32>} : memref<128xf32, #tpu.memory_space<vmem>>, vector<16xf32>,
    %swap3A_39 = vector.shape_cast %swap3A_38 : vector<16xf32> to vector<16xf32>
    %swap3A_40 = vector.shape_cast %broadcast_in_dim3A_36 : vector<16xf32> to vector<16xf32>
    tpu.vector_store %arg5[%swap3A_37], %swap3A_40 {strides = array<i32>} : memref<128xf32, #tpu.memory_space<vmem>>, vector<16xf32>,
    %broadcast_in_dim3A_41 = arith.constant 1.000000e+00 : f32
    %broadcast_in_dim3A_42 = vector.broadcast %broadcast_in_dim3A_41 : f32 to vector<16xf32>
    %swap3A_43 = arith.constant 112 : index
    %swap3A_44 = tpu.vector_load %arg5[%swap3A_43] {strides = array<i32>} : memref<128xf32, #tpu.memory_space<vmem>>, vector<16xf32>,
    %swap3A_45 = vector.shape_cast %swap3A_44 : vector<16xf32> to vector<16xf32>
    %swap3A_46 = vector.shape_cast %broadcast_in_dim3A_42 : vector<16xf32> to vector<16xf32>
    tpu.vector_store %arg5[%swap3A_43], %swap3A_46 {strides = array<i32>} : memref<128xf32, #tpu.memory_space<vmem>>, vector<16xf32>,
    %broadcast_in_dim3A_47 = arith.constant 0.000000e+00 : f32
    %broadcast_in_dim3A_48 = vector.broadcast %broadcast_in_dim3A_47 : f32 to vector<16xf32>
    %swap3A_49 = arith.constant 0 : index
    %swap3A_50 = tpu.vector_load %arg6[%swap3A_49] {strides = array<i32>} : memref<640xf32, #tpu.memory_space<vmem>>, vector<16xf32>,
    %swap3A_51 = vector.shape_cast %swap3A_50 : vector<16xf32> to vector<16xf32>
    %swap3A_52 = vector.shape_cast %broadcast_in_dim3A_48 : vector<16xf32> to vector<16xf32>
    tpu.vector_store %arg6[%swap3A_49], %swap3A_52 {strides = array<i32>} : memref<640xf32, #tpu.memory_space<vmem>>, vector<16xf32>,
    %broadcast_in_dim3A_53 = arith.constant 0.000000e+00 : f32
    %broadcast_in_dim3A_54 = vector.broadcast %broadcast_in_dim3A_53 : f32 to vector<16xf32>
    %swap3A_55 = arith.constant 16 : index
    %swap3A_56 = tpu.vector_load %arg6[%swap3A_55] {strides = array<i32>} : memref<640xf32, #tpu.memory_space<vmem>>, vector<16xf32>,
    %swap3A_57 = vector.shape_cast %swap3A_56 : vector<16xf32> to vector<16xf32>
    %swap3A_58 = vector.shape_cast %broadcast_in_dim3A_54 : vector<16xf32> to vector<16xf32>
    tpu.vector_store %arg6[%swap3A_55], %swap3A_58 {strides = array<i32>} : memref<640xf32, #tpu.memory_space<vmem>>, vector<16xf32>,
    %broadcast_in_dim3A_59 = arith.constant 0.000000e+00 : f32
    %broadcast_in_dim3A_60 = vector.broadcast %broadcast_in_dim3A_59 : f32 to vector<16xf32>
    %swap3A_61 = arith.constant 32 : index
    %swap3A_62 = tpu.vector_load %arg6[%swap3A_61] {strides = array<i32>} : memref<640xf32, #tpu.memory_space<vmem>>, vector<16xf32>,
    %swap3A_63 = vector.shape_cast %swap3A_62 : vector<16xf32> to vector<16xf32>
    %swap3A_64 = vector.shape_cast %broadcast_in_dim3A_60 : vector<16xf32> to vector<16xf32>
    tpu.vector_store %arg6[%swap3A_61], %swap3A_64 {strides = array<i32>} : memref<640xf32, #tpu.memory_space<vmem>>, vector<16xf32>,
    %broadcast_in_dim3A_65 = arith.constant 0.000000e+00 : f32
    %broadcast_in_dim3A_66 = vector.broadcast %broadcast_in_dim3A_65 : f32 to vector<16xf32>
    %swap3A_67 = arith.constant 48 : index
    %swap3A_68 = tpu.vector_load %arg6[%swap3A_67] {strides = array<i32>} : memref<640xf32, #tpu.memory_space<vmem>>, vector<16xf32>,
    %swap3A_69 = vector.shape_cast %swap3A_68 : vector<16xf32> to vector<16xf32>
    %swap3A_70 = vector.shape_cast %broadcast_in_dim3A_66 : vector<16xf32> to vector<16xf32>
    tpu.vector_store %arg6[%swap3A_67], %swap3A_70 {strides = array<i32>} : memref<640xf32, #tpu.memory_space<vmem>>, vector<16xf32>,
    %broadcast_in_dim3A_71 = arith.constant 0.000000e+00 : f32
    %broadcast_in_dim3A_72 = vector.broadcast %broadcast_in_dim3A_71 : f32 to vector<16xf32>
    %swap3A_73 = arith.constant 64 : index
    %swap3A_74 = tpu.vector_load %arg6[%swap3A_73] {strides = array<i32>} : memref<640xf32, #tpu.memory_space<vmem>>, vector<16xf32>,
    %swap3A_75 = vector.shape_cast %swap3A_74 : vector<16xf32> to vector<16xf32>
    %swap3A_76 = vector.shape_cast %broadcast_in_dim3A_72 : vector<16xf32> to vector<16xf32>
    tpu.vector_store %arg6[%swap3A_73], %swap3A_76 {strides = array<i32>} : memref<640xf32, #tpu.memory_space<vmem>>, vector<16xf32>,
    %broadcast_in_dim3A_77 = arith.constant 0.000000e+00 : f32
    %broadcast_in_dim3A_78 = vector.broadcast %broadcast_in_dim3A_77 : f32 to vector<16xf32>
    %swap3A_79 = arith.constant 80 : index
    %swap3A_80 = tpu.vector_load %arg6[%swap3A_79] {strides = array<i32>} : memref<640xf32, #tpu.memory_space<vmem>>, vector<16xf32>,
    %swap3A_81 = vector.shape_cast %swap3A_80 : vector<16xf32> to vector<16xf32>
    %swap3A_82 = vector.shape_cast %broadcast_in_dim3A_78 : vector<16xf32> to vector<16xf32>
    tpu.vector_store %arg6[%swap3A_79], %swap3A_82 {strides = array<i32>} : memref<640xf32, #tpu.memory_space<vmem>>, vector<16xf32>,
    %broadcast_in_dim3A_83 = arith.constant 0.000000e+00 : f32
    %broadcast_in_dim3A_84 = vector.broadcast %broadcast_in_dim3A_83 : f32 to vector<16xf32>
    %swap3A_85 = arith.constant 96 : index
    %swap3A_86 = tpu.vector_load %arg6[%swap3A_85] {strides = array<i32>} : memref<640xf32, #tpu.memory_space<vmem>>, vector<16xf32>,
    %swap3A_87 = vector.shape_cast %swap3A_86 : vector<16xf32> to vector<16xf32>
    %swap3A_88 = vector.shape_cast %broadcast_in_dim3A_84 : vector<16xf32> to vector<16xf32>
    tpu.vector_store %arg6[%swap3A_85], %swap3A_88 {strides = array<i32>} : memref<640xf32, #tpu.memory_space<vmem>>, vector<16xf32>,
    %broadcast_in_dim3A_89 = arith.constant 0.000000e+00 : f32
    %broadcast_in_dim3A_90 = vector.broadcast %broadcast_in_dim3A_89 : f32 to vector<16xf32>
    %swap3A_91 = arith.constant 112 : index
    %swap3A_92 = tpu.vector_load %arg6[%swap3A_91] {strides = array<i32>} : memref<640xf32, #tpu.memory_space<vmem>>, vector<16xf32>,
    %swap3A_93 = vector.shape_cast %swap3A_92 : vector<16xf32> to vector<16xf32>
    %swap3A_94 = vector.shape_cast %broadcast_in_dim3A_90 : vector<16xf32> to vector<16xf32>
    tpu.vector_store %arg6[%swap3A_91], %swap3A_94 {strides = array<i32>} : memref<640xf32, #tpu.memory_space<vmem>>, vector<16xf32>,
    %broadcast_in_dim3A_95 = arith.constant 0.000000e+00 : f32
    %broadcast_in_dim3A_96 = vector.broadcast %broadcast_in_dim3A_95 : f32 to vector<16xf32>
    %swap3A_97 = arith.constant 128 : index
    %swap3A_98 = tpu.vector_load %arg6[%swap3A_97] {strides = array<i32>} : memref<640xf32, #tpu.memory_space<vmem>>, vector<16xf32>,
    %swap3A_99 = vector.shape_cast %swap3A_98 : vector<16xf32> to vector<16xf32>
    %swap3A_100 = vector.shape_cast %broadcast_in_dim3A_96 : vector<16xf32> to vector<16xf32>
    tpu.vector_store %arg6[%swap3A_97], %swap3A_100 {strides = array<i32>} : memref<640xf32, #tpu.memory_space<vmem>>, vector<16xf32>,
    %broadcast_in_dim3A_101 = arith.constant 0.000000e+00 : f32
    %broadcast_in_dim3A_102 = vector.broadcast %broadcast_in_dim3A_101 : f32 to vector<16xf32>
    %swap3A_103 = arith.constant 144 : index
    %swap3A_104 = tpu.vector_load %arg6[%swap3A_103] {strides = array<i32>} : memref<640xf32, #tpu.memory_space<vmem>>, vector<16xf32>,
    %swap3A_105 = vector.shape_cast %swap3A_104 : vector<16xf32> to vector<16xf32>
    %swap3A_106 = vector.shape_cast %broadcast_in_dim3A_102 : vector<16xf32> to vector<16xf32>
    tpu.vector_store %arg6[%swap3A_103], %swap3A_106 {strides = array<i32>} : memref<640xf32, #tpu.memory_space<vmem>>, vector<16xf32>,
    %broadcast_in_dim3A_107 = arith.constant 0.000000e+00 : f32
    %broadcast_in_dim3A_108 = vector.broadcast %broadcast_in_dim3A_107 : f32 to vector<16xf32>
    %swap3A_109 = arith.constant 160 : index
    %swap3A_110 = tpu.vector_load %arg6[%swap3A_109] {strides = array<i32>} : memref<640xf32, #tpu.memory_space<vmem>>, vector<16xf32>,
    %swap3A_111 = vector.shape_cast %swap3A_110 : vector<16xf32> to vector<16xf32>
    %swap3A_112 = vector.shape_cast %broadcast_in_dim3A_108 : vector<16xf32> to vector<16xf32>
    tpu.vector_store %arg6[%swap3A_109], %swap3A_112 {strides = array<i32>} : memref<640xf32, #tpu.memory_space<vmem>>, vector<16xf32>,
    %broadcast_in_dim3A_113 = arith.constant 0.000000e+00 : f32
    %broadcast_in_dim3A_114 = vector.broadcast %broadcast_in_dim3A_113 : f32 to vector<16xf32>
    %swap3A_115 = arith.constant 176 : index
    %swap3A_116 = tpu.vector_load %arg6[%swap3A_115] {strides = array<i32>} : memref<640xf32, #tpu.memory_space<vmem>>, vector<16xf32>,
    %swap3A_117 = vector.shape_cast %swap3A_116 : vector<16xf32> to vector<16xf32>
    %swap3A_118 = vector.shape_cast %broadcast_in_dim3A_114 : vector<16xf32> to vector<16xf32>
    tpu.vector_store %arg6[%swap3A_115], %swap3A_118 {strides = array<i32>} : memref<640xf32, #tpu.memory_space<vmem>>, vector<16xf32>,
    %broadcast_in_dim3A_119 = arith.constant 0.000000e+00 : f32
    %broadcast_in_dim3A_120 = vector.broadcast %broadcast_in_dim3A_119 : f32 to vector<16xf32>
    %swap3A_121 = arith.constant 192 : index
    %swap3A_122 = tpu.vector_load %arg6[%swap3A_121] {strides = array<i32>} : memref<640xf32, #tpu.memory_space<vmem>>, vector<16xf32>,
    %swap3A_123 = vector.shape_cast %swap3A_122 : vector<16xf32> to vector<16xf32>
    %swap3A_124 = vector.shape_cast %broadcast_in_dim3A_120 : vector<16xf32> to vector<16xf32>
    tpu.vector_store %arg6[%swap3A_121], %swap3A_124 {strides = array<i32>} : memref<640xf32, #tpu.memory_space<vmem>>, vector<16xf32>,
    %broadcast_in_dim3A_125 = arith.constant 0.000000e+00 : f32
    %broadcast_in_dim3A_126 = vector.broadcast %broadcast_in_dim3A_125 : f32 to vector<16xf32>
    %swap3A_127 = arith.constant 208 : index
    %swap3A_128 = tpu.vector_load %arg6[%swap3A_127] {strides = array<i32>} : memref<640xf32, #tpu.memory_space<vmem>>, vector<16xf32>,
    %swap3A_129 = vector.shape_cast %swap3A_128 : vector<16xf32> to vector<16xf32>
    %swap3A_130 = vector.shape_cast %broadcast_in_dim3A_126 : vector<16xf32> to vector<16xf32>
    tpu.vector_store %arg6[%swap3A_127], %swap3A_130 {strides = array<i32>} : memref<640xf32, #tpu.memory_space<vmem>>, vector<16xf32>,
    %broadcast_in_dim3A_131 = arith.constant 0.000000e+00 : f32
    %broadcast_in_dim3A_132 = vector.broadcast %broadcast_in_dim3A_131 : f32 to vector<16xf32>
    %swap3A_133 = arith.constant 224 : index
    %swap3A_134 = tpu.vector_load %arg6[%swap3A_133] {strides = array<i32>} : memref<640xf32, #tpu.memory_space<vmem>>, vector<16xf32>,
    %swap3A_135 = vector.shape_cast %swap3A_134 : vector<16xf32> to vector<16xf32>
    %swap3A_136 = vector.shape_cast %broadcast_in_dim3A_132 : vector<16xf32> to vector<16xf32>
    tpu.vector_store %arg6[%swap3A_133], %swap3A_136 {strides = array<i32>} : memref<640xf32, #tpu.memory_space<vmem>>, vector<16xf32>,
    %broadcast_in_dim3A_137 = arith.constant 0.000000e+00 : f32
    %broadcast_in_dim3A_138 = vector.broadcast %broadcast_in_dim3A_137 : f32 to vector<16xf32>
    %swap3A_139 = arith.constant 240 : index
    %swap3A_140 = tpu.vector_load %arg6[%swap3A_139] {strides = array<i32>} : memref<640xf32, #tpu.memory_space<vmem>>, vector<16xf32>,
    %swap3A_141 = vector.shape_cast %swap3A_140 : vector<16xf32> to vector<16xf32>
    %swap3A_142 = vector.shape_cast %broadcast_in_dim3A_138 : vector<16xf32> to vector<16xf32>
    tpu.vector_store %arg6[%swap3A_139], %swap3A_142 {strides = array<i32>} : memref<640xf32, #tpu.memory_space<vmem>>, vector<16xf32>,
    %broadcast_in_dim3A_143 = arith.constant 0.000000e+00 : f32
    %broadcast_in_dim3A_144 = vector.broadcast %broadcast_in_dim3A_143 : f32 to vector<16xf32>
    %swap3A_145 = arith.constant 256 : index
    %swap3A_146 = tpu.vector_load %arg6[%swap3A_145] {strides = array<i32>} : memref<640xf32, #tpu.memory_space<vmem>>, vector<16xf32>,
    %swap3A_147 = vector.shape_cast %swap3A_146 : vector<16xf32> to vector<16xf32>
    %swap3A_148 = vector.shape_cast %broadcast_in_dim3A_144 : vector<16xf32> to vector<16xf32>
    tpu.vector_store %arg6[%swap3A_145], %swap3A_148 {strides = array<i32>} : memref<640xf32, #tpu.memory_space<vmem>>, vector<16xf32>,
    %broadcast_in_dim3A_149 = arith.constant 0.000000e+00 : f32
    %broadcast_in_dim3A_150 = vector.broadcast %broadcast_in_dim3A_149 : f32 to vector<16xf32>
    %swap3A_151 = arith.constant 272 : index
    %swap3A_152 = tpu.vector_load %arg6[%swap3A_151] {strides = array<i32>} : memref<640xf32, #tpu.memory_space<vmem>>, vector<16xf32>,
    %swap3A_153 = vector.shape_cast %swap3A_152 : vector<16xf32> to vector<16xf32>
    %swap3A_154 = vector.shape_cast %broadcast_in_dim3A_150 : vector<16xf32> to vector<16xf32>
    tpu.vector_store %arg6[%swap3A_151], %swap3A_154 {strides = array<i32>} : memref<640xf32, #tpu.memory_space<vmem>>, vector<16xf32>,
    %broadcast_in_dim3A_155 = arith.constant 0.000000e+00 : f32
    %broadcast_in_dim3A_156 = vector.broadcast %broadcast_in_dim3A_155 : f32 to vector<16xf32>
    %swap3A_157 = arith.constant 288 : index
    %swap3A_158 = tpu.vector_load %arg6[%swap3A_157] {strides = array<i32>} : memref<640xf32, #tpu.memory_space<vmem>>, vector<16xf32>,
    %swap3A_159 = vector.shape_cast %swap3A_158 : vector<16xf32> to vector<16xf32>
    %swap3A_160 = vector.shape_cast %broadcast_in_dim3A_156 : vector<16xf32> to vector<16xf32>
    tpu.vector_store %arg6[%swap3A_157], %swap3A_160 {strides = array<i32>} : memref<640xf32, #tpu.memory_space<vmem>>, vector<16xf32>,
    %broadcast_in_dim3A_161 = arith.constant 0.000000e+00 : f32
    %broadcast_in_dim3A_162 = vector.broadcast %broadcast_in_dim3A_161 : f32 to vector<16xf32>
    %swap3A_163 = arith.constant 304 : index
    %swap3A_164 = tpu.vector_load %arg6[%swap3A_163] {strides = array<i32>} : memref<640xf32, #tpu.memory_space<vmem>>, vector<16xf32>,
    %swap3A_165 = vector.shape_cast %swap3A_164 : vector<16xf32> to vector<16xf32>
    %swap3A_166 = vector.shape_cast %broadcast_in_dim3A_162 : vector<16xf32> to vector<16xf32>
    tpu.vector_store %arg6[%swap3A_163], %swap3A_166 {strides = array<i32>} : memref<640xf32, #tpu.memory_space<vmem>>, vector<16xf32>,
    %broadcast_in_dim3A_167 = arith.constant 0.000000e+00 : f32
    %broadcast_in_dim3A_168 = vector.broadcast %broadcast_in_dim3A_167 : f32 to vector<16xf32>
    %swap3A_169 = arith.constant 320 : index
    %swap3A_170 = tpu.vector_load %arg6[%swap3A_169] {strides = array<i32>} : memref<640xf32, #tpu.memory_space<vmem>>, vector<16xf32>,
    %swap3A_171 = vector.shape_cast %swap3A_170 : vector<16xf32> to vector<16xf32>
    %swap3A_172 = vector.shape_cast %broadcast_in_dim3A_168 : vector<16xf32> to vector<16xf32>
    tpu.vector_store %arg6[%swap3A_169], %swap3A_172 {strides = array<i32>} : memref<640xf32, #tpu.memory_space<vmem>>, vector<16xf32>,
    %broadcast_in_dim3A_173 = arith.constant 0.000000e+00 : f32
    %broadcast_in_dim3A_174 = vector.broadcast %broadcast_in_dim3A_173 : f32 to vector<16xf32>
    %swap3A_175 = arith.constant 336 : index
    %swap3A_176 = tpu.vector_load %arg6[%swap3A_175] {strides = array<i32>} : memref<640xf32, #tpu.memory_space<vmem>>, vector<16xf32>,
    %swap3A_177 = vector.shape_cast %swap3A_176 : vector<16xf32> to vector<16xf32>
    %swap3A_178 = vector.shape_cast %broadcast_in_dim3A_174 : vector<16xf32> to vector<16xf32>
    tpu.vector_store %arg6[%swap3A_175], %swap3A_178 {strides = array<i32>} : memref<640xf32, #tpu.memory_space<vmem>>, vector<16xf32>,
    %broadcast_in_dim3A_179 = arith.constant 0.000000e+00 : f32
    %broadcast_in_dim3A_180 = vector.broadcast %broadcast_in_dim3A_179 : f32 to vector<16xf32>
    %swap3A_181 = arith.constant 352 : index
    %swap3A_182 = tpu.vector_load %arg6[%swap3A_181] {strides = array<i32>} : memref<640xf32, #tpu.memory_space<vmem>>, vector<16xf32>,
    %swap3A_183 = vector.shape_cast %swap3A_182 : vector<16xf32> to vector<16xf32>
    %swap3A_184 = vector.shape_cast %broadcast_in_dim3A_180 : vector<16xf32> to vector<16xf32>
    tpu.vector_store %arg6[%swap3A_181], %swap3A_184 {strides = array<i32>} : memref<640xf32, #tpu.memory_space<vmem>>, vector<16xf32>,
    %broadcast_in_dim3A_185 = arith.constant 0.000000e+00 : f32
    %broadcast_in_dim3A_186 = vector.broadcast %broadcast_in_dim3A_185 : f32 to vector<16xf32>
    %swap3A_187 = arith.constant 368 : index
    %swap3A_188 = tpu.vector_load %arg6[%swap3A_187] {strides = array<i32>} : memref<640xf32, #tpu.memory_space<vmem>>, vector<16xf32>,
    %swap3A_189 = vector.shape_cast %swap3A_188 : vector<16xf32> to vector<16xf32>
    %swap3A_190 = vector.shape_cast %broadcast_in_dim3A_186 : vector<16xf32> to vector<16xf32>
    tpu.vector_store %arg6[%swap3A_187], %swap3A_190 {strides = array<i32>} : memref<640xf32, #tpu.memory_space<vmem>>, vector<16xf32>,
    %broadcast_in_dim3A_191 = arith.constant 0.000000e+00 : f32
    %broadcast_in_dim3A_192 = vector.broadcast %broadcast_in_dim3A_191 : f32 to vector<16xf32>
    %swap3A_193 = arith.constant 384 : index
    %swap3A_194 = tpu.vector_load %arg6[%swap3A_193] {strides = array<i32>} : memref<640xf32, #tpu.memory_space<vmem>>, vector<16xf32>,
    %swap3A_195 = vector.shape_cast %swap3A_194 : vector<16xf32> to vector<16xf32>
    %swap3A_196 = vector.shape_cast %broadcast_in_dim3A_192 : vector<16xf32> to vector<16xf32>
    tpu.vector_store %arg6[%swap3A_193], %swap3A_196 {strides = array<i32>} : memref<640xf32, #tpu.memory_space<vmem>>, vector<16xf32>,
    %broadcast_in_dim3A_197 = arith.constant 0.000000e+00 : f32
    %broadcast_in_dim3A_198 = vector.broadcast %broadcast_in_dim3A_197 : f32 to vector<16xf32>
    %swap3A_199 = arith.constant 400 : index
    %swap3A_200 = tpu.vector_load %arg6[%swap3A_199] {strides = array<i32>} : memref<640xf32, #tpu.memory_space<vmem>>, vector<16xf32>,
    %swap3A_201 = vector.shape_cast %swap3A_200 : vector<16xf32> to vector<16xf32>
    %swap3A_202 = vector.shape_cast %broadcast_in_dim3A_198 : vector<16xf32> to vector<16xf32>
    tpu.vector_store %arg6[%swap3A_199], %swap3A_202 {strides = array<i32>} : memref<640xf32, #tpu.memory_space<vmem>>, vector<16xf32>,
    %broadcast_in_dim3A_203 = arith.constant 0.000000e+00 : f32
    %broadcast_in_dim3A_204 = vector.broadcast %broadcast_in_dim3A_203 : f32 to vector<16xf32>
    %swap3A_205 = arith.constant 416 : index
    %swap3A_206 = tpu.vector_load %arg6[%swap3A_205] {strides = array<i32>} : memref<640xf32, #tpu.memory_space<vmem>>, vector<16xf32>,
    %swap3A_207 = vector.shape_cast %swap3A_206 : vector<16xf32> to vector<16xf32>
    %swap3A_208 = vector.shape_cast %broadcast_in_dim3A_204 : vector<16xf32> to vector<16xf32>
    tpu.vector_store %arg6[%swap3A_205], %swap3A_208 {strides = array<i32>} : memref<640xf32, #tpu.memory_space<vmem>>, vector<16xf32>,
    %broadcast_in_dim3A_209 = arith.constant 0.000000e+00 : f32
    %broadcast_in_dim3A_210 = vector.broadcast %broadcast_in_dim3A_209 : f32 to vector<16xf32>
    %swap3A_211 = arith.constant 432 : index
    %swap3A_212 = tpu.vector_load %arg6[%swap3A_211] {strides = array<i32>} : memref<640xf32, #tpu.memory_space<vmem>>, vector<16xf32>,
    %swap3A_213 = vector.shape_cast %swap3A_212 : vector<16xf32> to vector<16xf32>
    %swap3A_214 = vector.shape_cast %broadcast_in_dim3A_210 : vector<16xf32> to vector<16xf32>
    tpu.vector_store %arg6[%swap3A_211], %swap3A_214 {strides = array<i32>} : memref<640xf32, #tpu.memory_space<vmem>>, vector<16xf32>,
    %broadcast_in_dim3A_215 = arith.constant 0.000000e+00 : f32
    %broadcast_in_dim3A_216 = vector.broadcast %broadcast_in_dim3A_215 : f32 to vector<16xf32>
    %swap3A_217 = arith.constant 448 : index
    %swap3A_218 = tpu.vector_load %arg6[%swap3A_217] {strides = array<i32>} : memref<640xf32, #tpu.memory_space<vmem>>, vector<16xf32>,
    %swap3A_219 = vector.shape_cast %swap3A_218 : vector<16xf32> to vector<16xf32>
    %swap3A_220 = vector.shape_cast %broadcast_in_dim3A_216 : vector<16xf32> to vector<16xf32>
    tpu.vector_store %arg6[%swap3A_217], %swap3A_220 {strides = array<i32>} : memref<640xf32, #tpu.memory_space<vmem>>, vector<16xf32>,
    %broadcast_in_dim3A_221 = arith.constant 0.000000e+00 : f32
    %broadcast_in_dim3A_222 = vector.broadcast %broadcast_in_dim3A_221 : f32 to vector<16xf32>
    %swap3A_223 = arith.constant 464 : index
    %swap3A_224 = tpu.vector_load %arg6[%swap3A_223] {strides = array<i32>} : memref<640xf32, #tpu.memory_space<vmem>>, vector<16xf32>,
    %swap3A_225 = vector.shape_cast %swap3A_224 : vector<16xf32> to vector<16xf32>
    %swap3A_226 = vector.shape_cast %broadcast_in_dim3A_222 : vector<16xf32> to vector<16xf32>
    tpu.vector_store %arg6[%swap3A_223], %swap3A_226 {strides = array<i32>} : memref<640xf32, #tpu.memory_space<vmem>>, vector<16xf32>,
    %broadcast_in_dim3A_227 = arith.constant 0.000000e+00 : f32
    %broadcast_in_dim3A_228 = vector.broadcast %broadcast_in_dim3A_227 : f32 to vector<16xf32>
    %swap3A_229 = arith.constant 480 : index
    %swap3A_230 = tpu.vector_load %arg6[%swap3A_229] {strides = array<i32>} : memref<640xf32, #tpu.memory_space<vmem>>, vector<16xf32>,
    %swap3A_231 = vector.shape_cast %swap3A_230 : vector<16xf32> to vector<16xf32>
    %swap3A_232 = vector.shape_cast %broadcast_in_dim3A_228 : vector<16xf32> to vector<16xf32>
    tpu.vector_store %arg6[%swap3A_229], %swap3A_232 {strides = array<i32>} : memref<640xf32, #tpu.memory_space<vmem>>, vector<16xf32>,
    %broadcast_in_dim3A_233 = arith.constant 0.000000e+00 : f32
    %broadcast_in_dim3A_234 = vector.broadcast %broadcast_in_dim3A_233 : f32 to vector<16xf32>
    %swap3A_235 = arith.constant 496 : index
    %swap3A_236 = tpu.vector_load %arg6[%swap3A_235] {strides = array<i32>} : memref<640xf32, #tpu.memory_space<vmem>>, vector<16xf32>,
    %swap3A_237 = vector.shape_cast %swap3A_236 : vector<16xf32> to vector<16xf32>
    %swap3A_238 = vector.shape_cast %broadcast_in_dim3A_234 : vector<16xf32> to vector<16xf32>
    tpu.vector_store %arg6[%swap3A_235], %swap3A_238 {strides = array<i32>} : memref<640xf32, #tpu.memory_space<vmem>>, vector<16xf32>,
    %broadcast_in_dim3A_239 = arith.constant 0.000000e+00 : f32
    %broadcast_in_dim3A_240 = vector.broadcast %broadcast_in_dim3A_239 : f32 to vector<16xf32>
    %swap3A_241 = arith.constant 512 : index
    %swap3A_242 = tpu.vector_load %arg6[%swap3A_241] {strides = array<i32>} : memref<640xf32, #tpu.memory_space<vmem>>, vector<16xf32>,
    %swap3A_243 = vector.shape_cast %swap3A_242 : vector<16xf32> to vector<16xf32>
    %swap3A_244 = vector.shape_cast %broadcast_in_dim3A_240 : vector<16xf32> to vector<16xf32>
    tpu.vector_store %arg6[%swap3A_241], %swap3A_244 {strides = array<i32>} : memref<640xf32, #tpu.memory_space<vmem>>, vector<16xf32>,
    %broadcast_in_dim3A_245 = arith.constant 0.000000e+00 : f32
    %broadcast_in_dim3A_246 = vector.broadcast %broadcast_in_dim3A_245 : f32 to vector<16xf32>
    %swap3A_247 = arith.constant 528 : index
    %swap3A_248 = tpu.vector_load %arg6[%swap3A_247] {strides = array<i32>} : memref<640xf32, #tpu.memory_space<vmem>>, vector<16xf32>,
    %swap3A_249 = vector.shape_cast %swap3A_248 : vector<16xf32> to vector<16xf32>
    %swap3A_250 = vector.shape_cast %broadcast_in_dim3A_246 : vector<16xf32> to vector<16xf32>
    tpu.vector_store %arg6[%swap3A_247], %swap3A_250 {strides = array<i32>} : memref<640xf32, #tpu.memory_space<vmem>>, vector<16xf32>,
    %broadcast_in_dim3A_251 = arith.constant 0.000000e+00 : f32
    %broadcast_in_dim3A_252 = vector.broadcast %broadcast_in_dim3A_251 : f32 to vector<16xf32>
    %swap3A_253 = arith.constant 544 : index
    %swap3A_254 = tpu.vector_load %arg6[%swap3A_253] {strides = array<i32>} : memref<640xf32, #tpu.memory_space<vmem>>, vector<16xf32>,
    %swap3A_255 = vector.shape_cast %swap3A_254 : vector<16xf32> to vector<16xf32>
    %swap3A_256 = vector.shape_cast %broadcast_in_dim3A_252 : vector<16xf32> to vector<16xf32>
    tpu.vector_store %arg6[%swap3A_253], %swap3A_256 {strides = array<i32>} : memref<640xf32, #tpu.memory_space<vmem>>, vector<16xf32>,
    %broadcast_in_dim3A_257 = arith.constant 0.000000e+00 : f32
    %broadcast_in_dim3A_258 = vector.broadcast %broadcast_in_dim3A_257 : f32 to vector<16xf32>
    %swap3A_259 = arith.constant 560 : index
    %swap3A_260 = tpu.vector_load %arg6[%swap3A_259] {strides = array<i32>} : memref<640xf32, #tpu.memory_space<vmem>>, vector<16xf32>,
    %swap3A_261 = vector.shape_cast %swap3A_260 : vector<16xf32> to vector<16xf32>
    %swap3A_262 = vector.shape_cast %broadcast_in_dim3A_258 : vector<16xf32> to vector<16xf32>
    tpu.vector_store %arg6[%swap3A_259], %swap3A_262 {strides = array<i32>} : memref<640xf32, #tpu.memory_space<vmem>>, vector<16xf32>,
    %broadcast_in_dim3A_263 = arith.constant 0.000000e+00 : f32
    %broadcast_in_dim3A_264 = vector.broadcast %broadcast_in_dim3A_263 : f32 to vector<16xf32>
    %swap3A_265 = arith.constant 576 : index
    %swap3A_266 = tpu.vector_load %arg6[%swap3A_265] {strides = array<i32>} : memref<640xf32, #tpu.memory_space<vmem>>, vector<16xf32>,
    %swap3A_267 = vector.shape_cast %swap3A_266 : vector<16xf32> to vector<16xf32>
    %swap3A_268 = vector.shape_cast %broadcast_in_dim3A_264 : vector<16xf32> to vector<16xf32>
    tpu.vector_store %arg6[%swap3A_265], %swap3A_268 {strides = array<i32>} : memref<640xf32, #tpu.memory_space<vmem>>, vector<16xf32>,
    %broadcast_in_dim3A_269 = arith.constant 0.000000e+00 : f32
    %broadcast_in_dim3A_270 = vector.broadcast %broadcast_in_dim3A_269 : f32 to vector<16xf32>
    %swap3A_271 = arith.constant 592 : index
    %swap3A_272 = tpu.vector_load %arg6[%swap3A_271] {strides = array<i32>} : memref<640xf32, #tpu.memory_space<vmem>>, vector<16xf32>,
    %swap3A_273 = vector.shape_cast %swap3A_272 : vector<16xf32> to vector<16xf32>
    %swap3A_274 = vector.shape_cast %broadcast_in_dim3A_270 : vector<16xf32> to vector<16xf32>
    tpu.vector_store %arg6[%swap3A_271], %swap3A_274 {strides = array<i32>} : memref<640xf32, #tpu.memory_space<vmem>>, vector<16xf32>,
    %broadcast_in_dim3A_275 = arith.constant 0.000000e+00 : f32
    %broadcast_in_dim3A_276 = vector.broadcast %broadcast_in_dim3A_275 : f32 to vector<16xf32>
    %swap3A_277 = arith.constant 608 : index
    %swap3A_278 = tpu.vector_load %arg6[%swap3A_277] {strides = array<i32>} : memref<640xf32, #tpu.memory_space<vmem>>, vector<16xf32>,
    %swap3A_279 = vector.shape_cast %swap3A_278 : vector<16xf32> to vector<16xf32>
    %swap3A_280 = vector.shape_cast %broadcast_in_dim3A_276 : vector<16xf32> to vector<16xf32>
    tpu.vector_store %arg6[%swap3A_277], %swap3A_280 {strides = array<i32>} : memref<640xf32, #tpu.memory_space<vmem>>, vector<16xf32>,
    %broadcast_in_dim3A_281 = arith.constant 0.000000e+00 : f32
    %broadcast_in_dim3A_282 = vector.broadcast %broadcast_in_dim3A_281 : f32 to vector<16xf32>
    %swap3A_283 = arith.constant 624 : index
    %swap3A_284 = tpu.vector_load %arg6[%swap3A_283] {strides = array<i32>} : memref<640xf32, #tpu.memory_space<vmem>>, vector<16xf32>,
    %swap3A_285 = vector.shape_cast %swap3A_284 : vector<16xf32> to vector<16xf32>
    %swap3A_286 = vector.shape_cast %broadcast_in_dim3A_282 : vector<16xf32> to vector<16xf32>
    tpu.vector_store %arg6[%swap3A_283], %swap3A_286 {strides = array<i32>} : memref<640xf32, #tpu.memory_space<vmem>>, vector<16xf32>,
    %mul3A_287 = arith.constant 640 : i32
    %mul3A_288 = arith.muli %arg1, %mul3A_287 : i32
    "tpu.region"() ({
      %run_scoped3A = tpu.sem_alloc : memref<!tpu.dma_semaphore, #tpu.memory_space<semaphore_mem>>
      %dma_start3A = tpu.memref_slice %arg7[%mul3A_288] : memref<10240xf32, #tpu.memory_space<vmem_shared>> -> memref<640xf32, #tpu.memory_space<vmem_shared>>
      %dma_start3A_298 = tpu.memref_slice %arg7[%mul3A_288] : memref<10240xf32, #tpu.memory_space<vmem_shared>> -> memref<640xf32, #tpu.memory_space<vmem_shared>>
      tpu.enqueue_dma source(%arg6 : memref<640xf32, #tpu.memory_space<vmem>>) target(%dma_start3A_298 : memref<640xf32, #tpu.memory_space<vmem_shared>>) target_semaphore(%run_scoped3A : memref<!tpu.dma_semaphore, #tpu.memory_space<semaphore_mem>>)
      %dma_wait3A = tpu.memref_slice %arg7[%mul3A_288] : memref<10240xf32, #tpu.memory_space<vmem_shared>> -> memref<640xf32, #tpu.memory_space<vmem_shared>>
      %dma_wait3A_299 = tpu.memref_slice %arg7[%mul3A_288] : memref<10240xf32, #tpu.memory_space<vmem_shared>> -> memref<640xf32, #tpu.memory_space<vmem_shared>>
      tpu.wait_dma2 semaphore(%run_scoped3A : memref<!tpu.dma_semaphore, #tpu.memory_space<semaphore_mem>>) src(%arg6 : memref<640xf32, #tpu.memory_space<vmem>>) dst(%dma_wait3A_299 : memref<640xf32, #tpu.memory_space<vmem_shared>>)
      tpu.yield
    }) : () -> ()
    %barrier3A = arith.constant 0 : index
    tpu.barrier barrier_id(%barrier3A)
    "tpu.region"() ({
      %run_scoped3A = tpu.sem_alloc : memref<!tpu.dma_semaphore, #tpu.memory_space<semaphore_mem>>
      %dma_start3A = arith.constant 0 : i32
      %dma_start3A_298 = arith.constant 0 : i32
      %dma_start3A_299 = tpu.memref_slice %arg2[%add3A, %dma_start3A, %dma_start3A_298] : memref<32x160x125xi32, #tpu.memory_space<hbm>> -> memref<1x160x125xi32, #tpu.memory_space<hbm>>
      %dma_start3A_300 = tpu.memref_squeeze %dma_start3A_299 : memref<1x160x125xi32, #tpu.memory_space<hbm>> -> memref<160x125xi32, #tpu.memory_space<hbm>>
      %dma_start3A_301 = arith.constant 0 : i32
      %dma_start3A_302 = arith.constant 0 : i32
      %dma_start3A_303 = tpu.memref_slice %arg2[%add3A, %dma_start3A_301, %dma_start3A_302] : memref<32x160x125xi32, #tpu.memory_space<hbm>> -> memref<1x160x125xi32, #tpu.memory_space<hbm>>
      %dma_start3A_304 = tpu.memref_squeeze %dma_start3A_303 : memref<1x160x125xi32, #tpu.memory_space<hbm>> -> memref<160x125xi32, #tpu.memory_space<hbm>>
      tpu.enqueue_dma source(%dma_start3A_304 : memref<160x125xi32, #tpu.memory_space<hbm>>) target(%arg4 : memref<160x125xi32, #tpu.memory_space<vmem>>) target_semaphore(%run_scoped3A : memref<!tpu.dma_semaphore, #tpu.memory_space<semaphore_mem>>)
      %dma_wait3A = arith.constant 0 : i32
      %dma_wait3A_305 = arith.constant 0 : i32
      %dma_wait3A_306 = tpu.memref_slice %arg2[%add3A, %dma_wait3A, %dma_wait3A_305] : memref<32x160x125xi32, #tpu.memory_space<hbm>> -> memref<1x160x125xi32, #tpu.memory_space<hbm>>
      %dma_wait3A_307 = tpu.memref_squeeze %dma_wait3A_306 : memref<1x160x125xi32, #tpu.memory_space<hbm>> -> memref<160x125xi32, #tpu.memory_space<hbm>>
      %dma_wait3A_308 = arith.constant 0 : i32
      %dma_wait3A_309 = arith.constant 0 : i32
      %dma_wait3A_310 = tpu.memref_slice %arg2[%add3A, %dma_wait3A_308, %dma_wait3A_309] : memref<32x160x125xi32, #tpu.memory_space<hbm>> -> memref<1x160x125xi32, #tpu.memory_space<hbm>>
      %dma_wait3A_311 = tpu.memref_squeeze %dma_wait3A_310 : memref<1x160x125xi32, #tpu.memory_space<hbm>> -> memref<160x125xi32, #tpu.memory_space<hbm>>
      tpu.wait_dma2 semaphore(%run_scoped3A : memref<!tpu.dma_semaphore, #tpu.memory_space<semaphore_mem>>) src(%dma_wait3A_311 : memref<160x125xi32, #tpu.memory_space<hbm>>) dst(%arg4 : memref<160x125xi32, #tpu.memory_space<vmem>>)
      tpu.yield
    }) : () -> ()
    %scan3A = arith.constant 0 : i32
    %scan3A_289 = arith.constant 160 : i32
    %scan3A_290 = arith.addi %scan3A, %scan3A_289 : i32
    %scan3A_291 = arith.constant 1 : i32
    scf.for %scan3A_298 = %scan3A to %scan3A_290 step %scan3A_291  : i32 {
      %mul3A_299 = arith.constant 1 : i32
      %mul3A_300 = arith.muli %scan3A_298, %mul3A_299 : i32
      %add3A_301 = arith.constant 0 : i32
      %add3A_302 = arith.addi %add3A_301, %mul3A_300 : i32
      "tpu.region"() ({
        %run_scoped3A = tpu.sem_alloc : memref<!tpu.dma_semaphore, #tpu.memory_space<semaphore_mem>>
        %dma_start3A = arith.constant 0 : i32
        %dma_start3A_303 = tpu.memref_slice %arg5[%dma_start3A] : memref<128xf32, #tpu.memory_space<vmem>> -> memref<125xf32, #tpu.memory_space<vmem>>
        %dma_start3A_304 = arith.constant 0 : i32
        %dma_start3A_305 = tpu.memref_slice %arg4[%add3A_302, %dma_start3A_304] : memref<160x125xi32, #tpu.memory_space<vmem>> -> memref<1x125xi32, #tpu.memory_space<vmem>>
        %dma_start3A_306 = tpu.memref_squeeze %dma_start3A_305 : memref<1x125xi32, #tpu.memory_space<vmem>> -> memref<125xi32, #tpu.memory_space<vmem>>
        %dma_start3A_307 = arith.constant 0 : i32
        %dma_start3A_308 = tpu.memref_slice %arg7[%dma_start3A_307] : memref<10240xf32, #tpu.memory_space<vmem_shared>> -> memref<10240xf32, #tpu.memory_space<vmem_shared>>
        tpu.enqueue_indirect_dma source(%dma_start3A_303 : memref<125xf32, #tpu.memory_space<vmem>>) target(%dma_start3A_308 : memref<10240xf32, #tpu.memory_space<vmem_shared>>) offsets(%dma_start3A_306 : memref<125xi32, #tpu.memory_space<vmem>>) semaphore(%run_scoped3A : memref<!tpu.dma_semaphore, #tpu.memory_space<semaphore_mem>>) {add = true}
        %dma_wait3A = arith.constant 0 : i32
        %dma_wait3A_309 = tpu.memref_slice %arg5[%dma_wait3A] : memref<128xf32, #tpu.memory_space<vmem>> -> memref<125xf32, #tpu.memory_space<vmem>>
        %dma_wait3A_310 = arith.constant 0 : i32
        %dma_wait3A_311 = tpu.memref_slice %arg4[%add3A_302, %dma_wait3A_310] : memref<160x125xi32, #tpu.memory_space<vmem>> -> memref<1x125xi32, #tpu.memory_space<vmem>>
        %dma_wait3A_312 = tpu.memref_squeeze %dma_wait3A_311 : memref<1x125xi32, #tpu.memory_space<vmem>> -> memref<125xi32, #tpu.memory_space<vmem>>
        %dma_wait3A_313 = arith.constant 0 : i32
        %dma_wait3A_314 = tpu.memref_slice %arg7[%dma_wait3A_313] : memref<10240xf32, #tpu.memory_space<vmem_shared>> -> memref<10240xf32, #tpu.memory_space<vmem_shared>>
        tpu.wait_indirect_dma semaphore(%run_scoped3A : memref<!tpu.dma_semaphore, #tpu.memory_space<semaphore_mem>>) src(%dma_wait3A_309 : memref<125xf32, #tpu.memory_space<vmem>>) dst(%dma_wait3A_314 : memref<10240xf32, #tpu.memory_space<vmem_shared>>)
        tpu.yield
      }) : () -> ()
    }
    %scan3A_292 = arith.constant 160 : i32
    %barrier3A_293 = arith.constant 0 : index
    tpu.barrier barrier_id(%barrier3A_293)
    %mul3A_294 = arith.constant 640 : i32
    %mul3A_295 = arith.muli %arg1, %mul3A_294 : i32
    "tpu.region"() ({
      %run_scoped3A = tpu.sem_alloc : memref<!tpu.dma_semaphore, #tpu.memory_space<semaphore_mem>>
      %dma_start3A = tpu.memref_slice %arg7[%mul3A_295] : memref<10240xf32, #tpu.memory_space<vmem_shared>> -> memref<640xf32, #tpu.memory_space<vmem_shared>>
      %dma_start3A_298 = tpu.memref_slice %arg7[%mul3A_295] : memref<10240xf32, #tpu.memory_space<vmem_shared>> -> memref<640xf32, #tpu.memory_space<vmem_shared>>
      tpu.enqueue_dma source(%dma_start3A_298 : memref<640xf32, #tpu.memory_space<vmem_shared>>) target(%arg6 : memref<640xf32, #tpu.memory_space<vmem>>) target_semaphore(%run_scoped3A : memref<!tpu.dma_semaphore, #tpu.memory_space<semaphore_mem>>)
      %dma_wait3A = tpu.memref_slice %arg7[%mul3A_295] : memref<10240xf32, #tpu.memory_space<vmem_shared>> -> memref<640xf32, #tpu.memory_space<vmem_shared>>
      %dma_wait3A_299 = tpu.memref_slice %arg7[%mul3A_295] : memref<10240xf32, #tpu.memory_space<vmem_shared>> -> memref<640xf32, #tpu.memory_space<vmem_shared>>
      tpu.wait_dma2 semaphore(%run_scoped3A : memref<!tpu.dma_semaphore, #tpu.memory_space<semaphore_mem>>) src(%dma_wait3A_299 : memref<640xf32, #tpu.memory_space<vmem_shared>>) dst(%arg6 : memref<640xf32, #tpu.memory_space<vmem>>)
      tpu.yield
    }) : () -> ()
    %mul3A_296 = arith.constant 640 : i32
    %mul3A_297 = arith.muli %arg1, %mul3A_296 : i32
    "tpu.region"() ({
      %run_scoped3A = tpu.sem_alloc : memref<!tpu.dma_semaphore, #tpu.memory_space<semaphore_mem>>
      %dma_start3A = tpu.memref_slice %arg3[%arg0, %mul3A_297] : memref<2x10240xf32, #tpu.memory_space<hbm>> -> memref<1x640xf32, #tpu.memory_space<hbm>>
      %dma_start3A_298 = tpu.memref_squeeze %dma_start3A : memref<1x640xf32, #tpu.memory_space<hbm>> -> memref<640xf32, #tpu.memory_space<hbm>>
      %dma_start3A_299 = tpu.memref_slice %arg3[%arg0, %mul3A_297] : memref<2x10240xf32, #tpu.memory_space<hbm>> -> memref<1x640xf32, #tpu.memory_space<hbm>>
      %dma_start3A_300 = tpu.memref_squeeze %dma_start3A_299 : memref<1x640xf32, #tpu.memory_space<hbm>> -> memref<640xf32, #tpu.memory_space<hbm>>
      tpu.enqueue_dma source(%arg6 : memref<640xf32, #tpu.memory_space<vmem>>) target(%dma_start3A_300 : memref<640xf32, #tpu.memory_space<hbm>>) target_semaphore(%run_scoped3A : memref<!tpu.dma_semaphore, #tpu.memory_space<semaphore_mem>>)
      %dma_wait3A = tpu.memref_slice %arg3[%arg0, %mul3A_297] : memref<2x10240xf32, #tpu.memory_space<hbm>> -> memref<1x640xf32, #tpu.memory_space<hbm>>
      %dma_wait3A_301 = tpu.memref_squeeze %dma_wait3A : memref<1x640xf32, #tpu.memory_space<hbm>> -> memref<640xf32, #tpu.memory_space<hbm>>
      %dma_wait3A_302 = tpu.memref_slice %arg3[%arg0, %mul3A_297] : memref<2x10240xf32, #tpu.memory_space<hbm>> -> memref<1x640xf32, #tpu.memory_space<hbm>>
      %dma_wait3A_303 = tpu.memref_squeeze %dma_wait3A_302 : memref<1x640xf32, #tpu.memory_space<hbm>> -> memref<640xf32, #tpu.memory_space<hbm>>
      tpu.wait_dma2 semaphore(%run_scoped3A : memref<!tpu.dma_semaphore, #tpu.memory_space<semaphore_mem>>) src(%arg6 : memref<640xf32, #tpu.memory_space<vmem>>) dst(%dma_wait3A_303 : memref<640xf32, #tpu.memory_space<hbm>>)
      tpu.yield
    }) : () -> ()
    return
  }
}

module attributes {stable_mosaic.version = 14 : i64} {
  func.func @_combine_body(%arg0: memref<2x10240x128xf32, #tpu.memory_space<vmem>>, %arg1: memref<10000x1xf32, #tpu.memory_space<vmem>>, %arg2: memref<10000x128xf32, #tpu.memory_space<vmem>>) attributes {dimension_semantics = [], scalar_prefetch = 0 : i64, scratch_operands = 0 : i64, tpu.core_type = #tpu.core_type<tc>} {
    %get3A = arith.constant 0 : index
    %get3A_0 = arith.constant 0 : index
    %get3A_1 = arith.constant 0 : index
    %get3A_2 = vector.load %arg0[%get3A, %get3A_0, %get3A_1] : memref<2x10240x128xf32, #tpu.memory_space<vmem>>, vector<1x10000x128xf32>
    %get3A_3 = vector.shape_cast %get3A_2 : vector<1x10000x128xf32> to vector<10000x128xf32>
    %get3A_4 = arith.constant 1 : index
    %get3A_5 = arith.constant 0 : index
    %get3A_6 = arith.constant 0 : index
    %get3A_7 = vector.load %arg0[%get3A_4, %get3A_5, %get3A_6] : memref<2x10240x128xf32, #tpu.memory_space<vmem>>, vector<1x10000x128xf32>
    %get3A_8 = vector.shape_cast %get3A_7 : vector<1x10000x128xf32> to vector<10000x128xf32>
    %add3A = arith.addf %get3A_3, %get3A_8 : vector<10000x128xf32>
    %get3A_9 = arith.constant 0 : index
    %get3A_10 = arith.constant 0 : index
    %get3A_11 = vector.load %arg1[%get3A_9, %get3A_10] : memref<10000x1xf32, #tpu.memory_space<vmem>>, vector<10000x1xf32>
    %mul3A = vector.broadcast %get3A_11 : vector<10000x1xf32> to vector<10000x128xf32>
    %mul3A_12 = arith.mulf %add3A, %mul3A : vector<10000x128xf32>
    %swap3A = arith.constant 0 : index
    %swap3A_13 = arith.constant 0 : index
    %swap3A_14 = vector.load %arg2[%swap3A, %swap3A_13] : memref<10000x128xf32, #tpu.memory_space<vmem>>, vector<10000x128xf32>
    tpu.vector_store %arg2[%swap3A, %swap3A_13], %mul3A_12 {strides = array<i32>} : memref<10000x128xf32, #tpu.memory_space<vmem>>, vector<10000x128xf32>,
    return
  }
}

module attributes {stable_mosaic.version = 14 : i64} {
  func.func @_prescale_body(%arg0: memref<2x10240x1xf32, #tpu.memory_space<vmem>>, %arg1: memref<10000x128xf32, #tpu.memory_space<vmem>>, %arg2: memref<10000x1xf32, #tpu.memory_space<vmem>>, %arg3: memref<10240x128xf32, #tpu.memory_space<vmem>>) attributes {dimension_semantics = [], scalar_prefetch = 0 : i64, scratch_operands = 0 : i64, tpu.core_type = #tpu.core_type<tc>} {
    %get3A = arith.constant 0 : index
    %get3A_0 = arith.constant 0 : index
    %get3A_1 = arith.constant 0 : index
    %get3A_2 = vector.load %arg0[%get3A, %get3A_0, %get3A_1] : memref<2x10240x1xf32, #tpu.memory_space<vmem>>, vector<1x10240x1xf32>
    %get3A_3 = vector.shape_cast %get3A_2 : vector<1x10240x1xf32> to vector<10240x1xf32>
    %get3A_4 = arith.constant 1 : index
    %get3A_5 = arith.constant 0 : index
    %get3A_6 = arith.constant 0 : index
    %get3A_7 = vector.load %arg0[%get3A_4, %get3A_5, %get3A_6] : memref<2x10240x1xf32, #tpu.memory_space<vmem>>, vector<1x10240x1xf32>
    %get3A_8 = vector.shape_cast %get3A_7 : vector<1x10240x1xf32> to vector<10240x1xf32>
    %add3A = arith.addf %get3A_3, %get3A_8 : vector<10240x1xf32>
    %max3A = arith.constant 1.000000e+00 : f32
    %max3A_9 = vector.broadcast %max3A : f32 to vector<10240x1xf32>
    %max3A_10 = arith.maximumf %add3A, %max3A_9 : vector<10240x1xf32>
    %rsqrt3A = math.rsqrt %max3A_10 : vector<10240x1xf32>
    %slice3A = vector.extract_strided_slice %rsqrt3A {offsets = [0, 0], sizes = [10000, 1], strides = [1, 1]} : vector<10240x1xf32> to vector<10000x1xf32>
    %swap3A = arith.constant 0 : index
    %swap3A_11 = arith.constant 0 : index
    %swap3A_12 = vector.load %arg2[%swap3A, %swap3A_11] : memref<10000x1xf32, #tpu.memory_space<vmem>>, vector<10000x1xf32>
    tpu.vector_store %arg2[%swap3A, %swap3A_11], %slice3A {strides = array<i32>} : memref<10000x1xf32, #tpu.memory_space<vmem>>, vector<10000x1xf32>,
    %get3A_13 = arith.constant 0 : index
    %get3A_14 = arith.constant 0 : index
    %get3A_15 = vector.load %arg1[%get3A_13, %get3A_14] : memref<10000x128xf32, #tpu.memory_space<vmem>>, vector<10000x128xf32>
    %mul3A = vector.broadcast %slice3A : vector<10000x1xf32> to vector<10000x128xf32>
    %mul3A_16 = arith.mulf %get3A_15, %mul3A : vector<10000x128xf32>
    %swap3A_17 = arith.constant 0 : index
    %swap3A_18 = arith.constant 0 : index
    %swap3A_19 = vector.load %arg3[%swap3A_17, %swap3A_18] : memref<10240x128xf32, #tpu.memory_space<vmem>>, vector<10000x128xf32>
    tpu.vector_store %arg3[%swap3A_17, %swap3A_18], %mul3A_16 {strides = array<i32>} : memref<10240x128xf32, #tpu.memory_space<vmem>>, vector<10000x128xf32>,
    %broadcast_in_dim3A = arith.constant 0.000000e+00 : f32
    %broadcast_in_dim3A_20 = vector.broadcast %broadcast_in_dim3A : f32 to vector<240x128xf32>
    %swap3A_21 = arith.constant 10000 : index
    %swap3A_22 = arith.constant 0 : index
    %swap3A_23 = vector.load %arg3[%swap3A_21, %swap3A_22] : memref<10240x128xf32, #tpu.memory_space<vmem>>, vector<240x128xf32>
    tpu.vector_store %arg3[%swap3A_21, %swap3A_22], %broadcast_in_dim3A_20 {strides = array<i32>} : memref<10240x128xf32, #tpu.memory_space<vmem>>, vector<240x128xf32>,
    return
  }
}

</mosaic_0001>

<sc_bundles>
// kernel: kernel.6.cloned.1.call-start
scs
__scs_entry_jumppad:
0x0: {  	(pc) =	sbr.rel $0x88, $3  }
0x1: {  	(tag) =	ssettag $0x0;
	lr =	simm.s32 $0x1  }
0x2: {  	[smem:$0x3F9F] =	sst lr;
	_ =	strace $0xD0000000  }
0x3: {  	_ = 	snop  }
0x4: {  	_ = 	snop  }
0x5: {  	_ = 	snop  }
0x6: {  	_ = 	snop  }
0x7: {  	_ = 	snop  }
__scs_overlays_trampoline_lowered:
0x8: {  	[smem:$0x3FAE] =	sst s0  }
0x9: {  	[smem:$0x3FAF] =	sst s1  }
0xa: {  	[smem:$0x3FB0] =	sst s2  }
0xb: {  	[smem:$0x3FB1] =	sst s3  }
0xc: {  	[smem:$0x3FB2] =	sst s4  }
0xd: {  	[smem:$0x3FB3] =	sst s5  }
0xe: {  	[smem:$0x3FB4] =	sst s6  }
0xf: {  	[smem:$0x3FB5] =	sst s7  }
0x10: {  	[smem:$0x3FB6] =	sst s8  }
0x11: {  	[smem:$0x3FB7] =	sst s9;
	s0 =	simm.s32 @!p0 $0x0  }
0x12: {  	s1 =	sld [smem:$0x3F9D];
	s0 =	simm.s32 @p0 $0x1  }
0x13: {  	[smem:$0x3FB8] =	sst s0;
	s0 =	simm.s32 @!p1 $0x0  }
0x14: {  	s2 =	sld [smem:$0x3F9C];
	s0 =	simm.s32 @p1 $0x1  }
0x15: {  	[smem:$0x3FB9] =	sst s0;
	s0 =	simm.s32 @!p2 $0x0  }
0x16: {  	s3 =	sld [smem:$0x3FDB];
	s0 =	simm.s32 @p2 $0x1  }
0x17: {  	s4 =	simm.s32 $0x1BF5;
	[smem:$0x3FBB] =	sst s0  }
0x18: {  	s0 =	sld [smem:$0x3F9E];
	_ =	swait.ge [sflag:s4], $0x0  }
0x19: {  	s7 =	sld [smem:$0x3F9F]  }
0x1a: {  	s8 =	sadd.s32 $0xFFFFE003, lr  }
0x1b: {  	s9 =	sadd.s32 $0xFFFFFEF7, lr;
	s5 =	simm.s32 $0xFFFFFFFF;
	p2 =	slt.u32 s8, $0xFFFFF086  }
0x1c: {  	p1 =	slt.u32 s9, $0xF7A;
	s5 =	simm.s32 @!p2 $0x0  }
0x1d: {  	s5 =	simm.s32 @p1 $0x1;
	p0 =	seq.s32 s7, s2  }
0x1e: {  	s7 =	smul.u32 @!p0 $0xF7A, s2;
	p2 =	seq.s32 @!p0 s5, $0x0  }
0x1f: {  	s9 =	smul.u32 $0xF7A, s1;
	s8 =	simm.s32 @!p0 $0x1BF5;
	p2 =	por !p2, p0  }
0x20: {  	[sflag:s8] =	ssyncset.s32 @!p0 $0xFFFFF086;
	s6 =	sadd.s32 @!p0 s3, s7;
	s7 =	simm.s32 @!p0 $0x108  }
0x21: {  	s3 =	sadd.s32 s3, s9;
	s6 =	sadd.s32 @!p0 $0x88, s6;
	s7 =	simm.s32 @p2 $0x1082  }
0x22: {  	[simem:s7], [sflag:s8] =	dma.local @!p0 [hbm:s6], $0xF7A  }
0x23: {  	s9 =	sor.u32 $0xD0000000, s2;
	s6 =	simm.s32 $0x108;
	_ =	swait.ge @!p0 [sflag:s8], $0x0  }
0x24: {  	s3 =	sadd.s32 $0x88, s3;
	s6 =	simm.s32 @!p1 $0x1082;
	[sflag:s4] =	ssyncset.s32 $0xFFFFF086  }
0x25: {  	[simem:s6], [sflag:s4] =	dma.local [hbm:s3], $0xF7A  }
0x26: {  	[smem:$0x3F9F] =	sst s1;
	(tag) =	ssettag s2;
	_ =	strace s9  }
0x27: {  	s1 =	sld [smem:$0x3FAF]  }
0x28: {  	s2 =	sld [smem:$0x3FB0]  }
0x29: {  	s4 =	sld [smem:$0x3FB2]  }
0x2a: {  	p0 =	seq.s32 s5, $0x0;
	s5 =	sld [smem:$0x3FB3]  }
0x2b: {  	s6 =	sld [smem:$0x3FB4]  }
0x2c: {  	s7 =	sld [smem:$0x3FB5]  }
0x2d: {  	s3 =	simm.s32 $0x108;
	s8 =	sld [smem:$0x3FB6]  }
0x2e: {  	s3 =	simm.s32 @!p0 $0x1082;
	s9 =	sld [smem:$0x3FB7]  }
0x2f: {  	lr =	sadd.s32 s0, s3;
	s0 =	sld [smem:$0x3FAE]  }
0x30: {  	s3 =	sld [smem:$0x3FB1]  }
0x31: {  	[smem:$0x3FBA] =	sst s10  }
0x32: {  	s10 =	sld [smem:$0x3FB8];
	_ =	sdelay $0x3  }
0x33: {  	p0 =	seq.s32 s10, $0x1;
	s10 =	sld [smem:$0x3FBA];
	_ =	sdelay $0x3  }
0x34: {  	[smem:$0x3FBA] =	sst s10  }
0x35: {  	s10 =	sld [smem:$0x3FB9];
	_ =	sdelay $0x3  }
0x36: {  	p1 =	seq.s32 s10, $0x1;
	s10 =	sld [smem:$0x3FBA];
	_ =	sdelay $0x3  }
0x37: {  	[smem:$0x3FBA] =	sst s10  }
0x38: {  	s10 =	sld [smem:$0x3FBB]  }
0x39: {  	_ = 	snop;
	(pc) =	sbr.ind lr, $3  }
0x3a: {  	_ = 	snop  }
0x3b: {  	_ = 	snop  }
0x3c: {  	p2 =	seq.s32 s10, $0x1;
	s10 =	sld [smem:$0x3FBA]  }
0x3d: {  	_ =	shalt  }
0x3e: {  	_ =	shalt  }
0x3f: {  	_ =	shalt  }
0x40: {  	_ =	shalt  }
0x41: {  	_ =	shalt  }
0x42: {  	_ =	shalt  }
0x43: {  	_ =	shalt  }
0x44: {  	_ =	shalt  }
0x45: {  	_ =	shalt  }
0x46: {  	_ =	shalt  }
0x47: {  	_ =	shalt  }
0x48: {  	_ =	shalt  }
0x49: {  	_ =	shalt  }
0x4a: {  	_ =	shalt  }
0x4b: {  	_ =	shalt  }
0x4c: {  	_ =	shalt  }
0x4d: {  	_ =	shalt  }
0x4e: {  	_ =	shalt  }
0x4f: {  	_ =	shalt  }
0x50: {  	_ =	shalt  }
0x51: {  	_ =	shalt  }
0x52: {  	_ =	shalt  }
0x53: {  	_ =	shalt  }
0x54: {  	_ =	shalt  }
0x55: {  	_ =	shalt  }
0x56: {  	_ =	shalt  }
0x57: {  	_ =	shalt  }
0x58: {  	_ =	shalt  }
0x59: {  	_ =	shalt  }
0x5a: {  	_ =	shalt  }
0x5b: {  	_ =	shalt  }
0x5c: {  	_ =	shalt  }
0x5d: {  	_ =	shalt  }
0x5e: {  	_ =	shalt  }
0x5f: {  	_ =	shalt  }
0x60: {  	_ =	shalt  }
0x61: {  	_ =	shalt  }
0x62: {  	_ =	shalt  }
0x63: {  	_ =	shalt  }
0x64: {  	_ =	shalt  }
0x65: {  	_ =	shalt  }
0x66: {  	_ =	shalt  }
0x67: {  	_ =	shalt  }
0x68: {  	_ =	shalt  }
0x69: {  	_ =	shalt  }
0x6a: {  	_ =	shalt  }
0x6b: {  	_ =	shalt  }
0x6c: {  	_ =	shalt  }
0x6d: {  	_ =	shalt  }
0x6e: {  	_ =	shalt  }
0x6f: {  	_ =	shalt  }
0x70: {  	_ =	shalt  }
0x71: {  	_ =	shalt  }
0x72: {  	_ =	shalt  }
0x73: {  	_ =	shalt  }
0x74: {  	_ =	shalt  }
0x75: {  	_ =	shalt  }
0x76: {  	_ =	shalt  }
0x77: {  	_ =	shalt  }
0x78: {  	_ =	shalt  }
0x79: {  	_ =	shalt  }
0x7a: {  	_ =	shalt  }
0x7b: {  	_ =	shalt  }
0x7c: {  	_ =	shalt  }
0x7d: {  	_ =	shalt  }
0x7e: {  	_ =	shalt  }
0x7f: {  	_ =	shalt  }
0x80: {  	_ =	shalt  }
0x81: {  	_ =	shalt  }
0x82: {  	_ =	shalt  }
0x83: {  	_ =	shalt  }
0x84: {  	_ =	shalt  }
0x85: {  	_ =	shalt  }
0x86: {  	_ =	shalt  }
0x87: {  	_ =	shalt  }
.Lfunc_end0:
.L_simem_size_0:
called_computation_lowered:
.L_overlay_start_0:
0x88: {  	s2 =	sld [smem:$0x3FD9]  }
0x89: {  	s3 =	sld [smem:$0x3FFE];
	_ =	sdelay $0x1  }
0x8a: {  	s1 =	srdreg.scid  }
0x8b: {  	s0 =	sand.u32 $0x1, s1  }
0x8c: {  	s17 =	sshll.u32 s0, $0xA;
	s2 =	sadd.s32 s3, s2  }
0x8d: {  	s2 =	sadd.s32 s2, s17  }
0x8e: {  	[smem:$0x3FC6] =	sst s2  }
0x8f: {  	_ = 	snop  }
0x90: {  	s2 =	sld [smem:$0x3FD0];
	(tm) =	ssettm $0x1  }
0x91: {  	s18 =	sld [smem:$0x3FFB];
	_ =	sdelay $0x3  }
0x92: {  	_ =	strace s18  }
0x93: {  	s3 =	sld [smem:$0x3FFC];
	_ =	sdelay $0x3  }
0x94: {  	_ =	strace s3  }
0x95: {  	s3 =	sld [smem:$0x3FFD];
	_ =	sdelay $0x3  }
0x96: {  	_ =	strace s3  }
0x97: {  	_ =	strace $0x8FFFFFFF  }
0x98: {  	s19 =	sld [smem:$0x3FDB];
	_ =	sdelay $0x1  }
0x99: {  	s4 =	simm.s32 $_scs_section_size  }
0x9a: {  	s5 =	simm.s32 $_size__tile_overlayer_lowered;
	s6 =	simm.s32 $_tile_overlayer_lowered  }
0x9b: {  	s22 =	simm.s32 $0x1BFF;
	s21 =	sshll.u32 s6, $0x1;
	s3 =	sadd.s32 s4, s19  }
0x9c: {  	s7 =	simm.s32 $0x0;
	s20 =	sshll.u32 s5, $0x1;
	s5 =	sadd.s32 s21, s3  }
0x9d: {  	[timem:s7], [sflag:s22] =	dma.local [hbm:s5], s20  }
0x9e: {  	_ =	swait.ge [sflag:s22], s20  }
0x9f: {  	s4 =	ssub.s32 $0x0, s20;
	[sflag:s22] =	ssyncset.done $0x0  }
0xa0: {  	[sflag:s22] =	ssyncadd.s32 s4;
	_ =	sdelay $0x1  }
0xa1: {  	s23 =	simm.s32 $0x1B8B  }
0xa2: {  	_ =	swait.ge [sflag:s23], $0x1  }
0xa3: {  	[sflag:s23] =	ssyncset.done $0x0  }
0xa4: {  	s25 =	simm.s32 $0x1B8E;
	s24 =	sld [smem:$0x3FFE];
	[sflag:s23] =	ssyncadd.s32 $0xFFFFFFFF  }
0xa5: {  	s26 =	simm.s32 $execute0_lowered;
	[smem:$0x3FD2] =	sst s25  }
0xa6: {  	s5 =	sshll.u32 s26, $0x1;
	_ =	strace $0x80000046;
	[dreg:$0x1] =	wrdreg $0xFFFFFFFF  }
0xa7: {  	s28 =	simm.s32 $_size_execute0_lowered;
	s3 =	sadd.s32 s3, s5;
	[dreg:$0x0] =	wrdreg $0x0  }
0xa8: {  	s5 =	sshll.u32 s28, $0x1;
	[dreg:$0x2] =	wrdreg s3  }
0xa9: {  	[dreg:$0x3] =	wrdreg s5  }
0xaa: {  	[dreg:$0x4] =	wrdreg $0xC0  }
0xab: {  	_ =	task [dreg:s7], $0x5FFFF  }
0xac: {  	[dreg:$0x1] =	wrdreg $0xFFFFFFFF  }
0xad: {  	[dreg:$0x0] =	wrdreg $0x60  }
0xae: {  	[dreg:$0x2] =	wrdreg s2  }
0xaf: {  	[dreg:$0x3] =	wrdreg s24  }
0xb0: {  	[dreg:$0x4] =	wrdreg $0x53000  }
0xb1: {  	[dreg:$0x5] =	wrdreg $0x9  }
0xb2: {  	_ =	task.clear_ibuf [dreg:s7], $0x6FFFF;
	_ =	strace $0x90000046  }
0xb3: {  	s29 =	simm.s32 $0x9;
	_ =	strace $0x80000048  }
0xb4: {  	_ =	swait.ge [sflag:s29], $0x1  }
0xb5: {  	[sflag:s29] =	ssyncadd.s32 $0xFFFFFFFF  }
0xb6: {  	_ =	strace $0x90000048  }
0xb7: {  	_ =	sfence  }
0xb8: {  	s30 =	sld [smem:$0x0];
	_ =	sdelay $0x2  }
0xb9: {  	s31 =	sshll.u32 s1, $0xD;
	s1 =	sshrl.u32 s1, $0x2  }
0xba: {  	s3 =	sand.u32 $0x4000, s31;
	s1 =	sadd.s32 s1, s30  }
0xbb: {  	s0 =	sor.u32 s3, s0;
	s1 =	sshll.u32 s1, $0x11  }
0xbc: {  	s0 =	sor.u32 s1, s0  }
0xbd: {  	s0 =	sadd.s32 $0x8F2B, s0  }
0xbe: {  	[sflag:s0] =	ssyncadd.remote.s32 $0x1  }
0xbf: {  	_ =	sfence.sel $0xFFFF  }
0xc0: {  	[dreg:$0x0] =	wrdreg $0xFFFFFFFF;
	(pc) =	sbr.abs _section_cstart, $3  }
0xc1: {  	[dreg:$0x1] =	wrdreg $0xFFFFFFFF  }
0xc2: {  	_ =	task.clear_ibuf [dreg:s7], $0x2FFFF;
	_ =	strace $0x9FFFFFFF  }
0xc3: {  	(tm) =	ssettm $0x7FFFFFFF  }
tec
execute0_lowered:
.L_overlay_start_1:
0x0: {  	(tag) =	ssettag $0x1  }
0x1: {  	s5 =	rddreg [dreg:$0x0]  }
0x2: {  	s4 =	rddreg [dreg:$0x1]  }
0x3: {  	s2 =	rddreg [dreg:$0x2]  }
0x4: {  	s0 =	rddreg [dreg:$0x3]  }
0x5: {  	s3 =	simm.s32 $0x0;
	s6 =	srdreg.scid;
	s1 =	stileid.u32  }
0x6: {  	s11 =	simm.s32 $0x5000;
	s12 =	simm.s32 $0x80;
	s13 =	simm.s32 $0x100  }
0x7: {  	s14 =	simm.s32 $0x0;
	[smem:$0x7FF] =	sst s3;
	s7 =	smul.u32 $0x500, s1  }
0x8: {  	s6 =	sand.u32 $0x1, s6;
	s30 =	smul.u32 $0xA00, s1;
	_ =	strace $0x80000047  }
0x9: {  	s8 =	sshll.u32 s6, $0x7;
	s9 =	sshll.u32 s6, $0x4;
	s6 =	ssub.s32 $0x2, s6  }
0xa: {  	s7 =	sor.u32 s8, s7;
	s9 =	sor.u32 s1, s9;
	s31 =	sshrl.u32 s6, $0x1  }
0xb: {  	s8 =	sshrl.u32 s30, $0x2;
	s7 =	sshrl.u32 s7, $0x3;
	s9 =	smul.u32 $0xA00, s9  }
0xc: {  	s10 =	ssub.s32 s6, s31;
	s7 =	sadd.s32 s7, s4;
	s4 =	sadd.s32 s8, s2  }
0xd: {  	s8 =	simm.s32 $0x5080;
	s5 =	sadd.s32 s5, s9;
	s6 =	sadd.s32 $0x1800, s7  }
0xe: {  	v0 =	vimm.f32 $1.000000000e+00;
	v1 =	vimm.f32 $0.0e+00;
	s7 =	smax.u32 s10, $0x1;
	s9 =	simm.s32 $0x1;
	s10 =	simm.s32 $0x7D  }
.LBB2_1:
0xf: {  	[tilespmem:$0x5000] =	vst v0  }
0x10: {  	[tilespmem:$0x5010] =	vst v0  }
0x11: {  	[tilespmem:$0x5020] =	vst v0  }
0x12: {  	[tilespmem:$0x5030] =	vst v0  }
0x13: {  	[tilespmem:$0x5040] =	vst v0  }
0x14: {  	[tilespmem:$0x5050] =	vst v0  }
0x15: {  	[tilespmem:$0x5060] =	vst v0  }
0x16: {  	[tilespmem:$0x5070] =	vst v0  }
0x17: {  	[tilespmem:$0x5080] =	vst v1  }
0x18: {  	[tilespmem:$0x5090] =	vst v1  }
0x19: {  	[tilespmem:$0x50A0] =	vst v1  }
0x1a: {  	[tilespmem:$0x50B0] =	vst v1  }
0x1b: {  	[tilespmem:$0x50C0] =	vst v1  }
0x1c: {  	[tilespmem:$0x50D0] =	vst v1  }
0x1d: {  	[tilespmem:$0x50E0] =	vst v1  }
0x1e: {  	[tilespmem:$0x50F0] =	vst v1  }
0x1f: {  	[tilespmem:$0x5100] =	vst v1  }
0x20: {  	[tilespmem:$0x5110] =	vst v1  }
0x21: {  	[tilespmem:$0x5120] =	vst v1  }
0x22: {  	[tilespmem:$0x5130] =	vst v1  }
0x23: {  	[tilespmem:$0x5140] =	vst v1  }
0x24: {  	[tilespmem:$0x5150] =	vst v1  }
0x25: {  	[tilespmem:$0x5160] =	vst v1  }
0x26: {  	[tilespmem:$0x5170] =	vst v1  }
0x27: {  	[tilespmem:$0x5180] =	vst v1  }
0x28: {  	[tilespmem:$0x5190] =	vst v1  }
0x29: {  	[tilespmem:$0x51A0] =	vst v1  }
0x2a: {  	[tilespmem:$0x51B0] =	vst v1  }
0x2b: {  	[tilespmem:$0x51C0] =	vst v1  }
0x2c: {  	[tilespmem:$0x51D0] =	vst v1  }
0x2d: {  	[tilespmem:$0x51E0] =	vst v1  }
0x2e: {  	[tilespmem:$0x51F0] =	vst v1  }
0x2f: {  	[tilespmem:$0x5200] =	vst v1  }
0x30: {  	[tilespmem:$0x5210] =	vst v1  }
0x31: {  	[tilespmem:$0x5220] =	vst v1  }
0x32: {  	[tilespmem:$0x5230] =	vst v1  }
0x33: {  	[tilespmem:$0x5240] =	vst v1  }
0x34: {  	[tilespmem:$0x5250] =	vst v1  }
0x35: {  	[tilespmem:$0x5260] =	vst v1  }
0x36: {  	[tilespmem:$0x5270] =	vst v1  }
0x37: {  	[tilespmem:$0x5280] =	vst v1  }
0x38: {  	[tilespmem:$0x5290] =	vst v1  }
0x39: {  	[tilespmem:$0x52A0] =	vst v1  }
0x3a: {  	[tilespmem:$0x52B0] =	vst v1  }
0x3b: {  	[tilespmem:$0x52C0] =	vst v1  }
0x3c: {  	[tilespmem:$0x52D0] =	vst v1  }
0x3d: {  	[tilespmem:$0x52E0] =	vst v1  }
0x3e: {  	[tilespmem:$0x52F0] =	vst v1  }
0x3f: {  	[spmem:s4] =	stream.linear.scatter [tilespmem:s8], [sflag:$0x1], $0x280, $0x38;
	[tilespmem:$0x5580] =	vst v63  }
0x40: {  	_ =	swait.ge [sflag:s9], $0x280  }
0x41: {  	[sflag:s9] =	ssyncset.done $0x0  }
0x42: {  	[sflag:s9] =	ssyncadd.s32 $0xFFFFFD80  }
0x43: {  	[bflag:$0x0] =	sbarrier.arrive $0xFFFF  }
0x44: {  	[tilespmem:s3], [sflag:$0x1] =	stream.linear.gather [hbm4b:s5+s3], $0x5000, $0x38;
	[tilespmem:$0x5580] =	vst v63  }
0x45: {  	_ =	swait.ge [sflag:s9], $0x5000  }
0x46: {  	[sflag:s9] =	ssyncset.done $0x0  }
0x47: {  	s15 =	simm.s32 $0x0;
	[sflag:s9] =	ssyncadd.s32 $0xFFFFB000  }
0x48: {  	[spmem:s2] =	stream.indirect.scatter.add.f32 [tilespmem:s11], [sflag:$0x1], $0x1, s15, s10, $0xb8;
	[tilespmem:$0x5580] =	vst v63  }
0x49: {  	_ =	swait.ge [sflag:s9], $0x7D  }
0x4a: {  	s15 =	simm.s32 $0x200;
	[sflag:s9] =	ssyncset.done $0x0  }
.LBB2_2:
0x4b: {  	s16 =	sshra.s32 s15, $0x2;
	[sflag:s9] =	ssyncadd.s32 $0xFFFFFF83;
	p0 =	sne.s32 s15, $0x13E00  }
0x4c: {  	[spmem:s2] =	stream.indirect.scatter.add.f32 [tilespmem:s11], [sflag:$0x1], $0x1, s16, s10, $0xb8;
	[tilespmem:$0x5580] =	vst v63  }
.Ltmp0:
0x4d: {  	_ = 	snop;
	(pc) =	sbr.rel @p0 .LBB2_2-.Ltmp0, $4  }
0x4e: {  	_ = 	snop  }
0x4f: {  	s15 =	sadd.s32 $0x200, s15  }
0x50: {  	_ =	swait.ge [sflag:s9], $0x7D  }
0x51: {  	[sflag:s9] =	ssyncset.done $0x0  }
0x52: {  	[sflag:s9] =	ssyncadd.s32 $0xFFFFFF83  }
0x53: {  	[bflag:$0x0] =	sbarrier.arrive $0xFFFF  }
0x54: {  	[tilespmem:s8], [sflag:$0x1] =	stream.linear.gather [spmem:s4], $0x280, $0x38;
	[tilespmem:$0x5580] =	vst v63  }
0x55: {  	s14 =	sadd.s32 $0x1, s14;
	_ =	swait.ge [sflag:s9], $0x280  }
0x56: {  	p0 =	sne.s32 s14, s7;
	[sflag:s9] =	ssyncset.done $0x0  }
.Ltmp1:
0x57: {  	[sflag:s9] =	ssyncadd.s32 $0xFFFFFD80;
	(pc) =	sbr.rel @p0 .LBB2_1-.Ltmp1, $4  }
0x58: {  	[hbm4b:s6+s12] =	stream.strided.scatter [tilespmem:s8], [sflag:$0x1], $0x280, s13, s12, $0x38;
	[tilespmem:$0x5580] =	vst v63  }
0x59: {  	_ =	swait.ge [sflag:s9], $0x280  }
0x5a: {  	[sflag:s9] =	ssyncset.done $0x0  }
0x5b: {  	[sflag:s9] =	ssyncadd.s32 $0xFFFFFD80  }
0x5c: {  	_ =	sfence.sel $0x180000  }
0x5d: {  	[bflag:$0x0] =	sbarrier.arrive $0xFFFF  }
0x5e: {  	p0 =	sne.s32 s1, $0x0;
	_ =	strace $0x90000047  }
0x5f: {  	s0 =	sadd.s32 @!p0 $0x100000, s0;
	[bflag:$0x2] =	sbarrier.arrive $0xFFFF  }
0x60: {  	[sflag:s0] =	ssyncadd.tile.s32 @!p0 $0x1;
	_ =	shalt  }
.Lfunc_end2:
_tile_overlayer_lowered:
.L_overlay_start_2:
0x61: {  	(tag) =	ssettag $0x2  }
0x62: {  	s0 =	rddreg [dreg:$0x0];
	s2 =	stileid.u32  }
0x63: {  	s1 =	rddreg [dreg:$0x1];
	p0 =	sne.s32 s2, $0x0  }
0x64: {  	s3 =	rddreg [dreg:$0x2];
	[bflag:$0x3] =	sbarrier.arrive $0xFFFF;
	s2 =	simm.s32 @!p0 $0x1C01  }
0x65: {  	[timem:s3], [sflag:s2] =	dma.local @!p0 [hbm:s0], s1  }
0x66: {  	s0 =	simm.s32 @!p0 $0x1  }
0x67: {  	_ =	swait.ge @!p0 [sflag:s0], s1  }
0x68: {  	s1 =	ssub.s32 @!p0 $0x0, s1;
	[sflag:s0] =	ssyncset.done @!p0 $0x0  }
0x69: {  	[sflag:s0] =	ssyncadd.s32 @!p0 s1  }
0x6a: {  	[bflag:$0x3] =	sbarrier.arrive $0xFFFF  }
0x6b: {  	_ =	shalt  }

// kernel: kernel.9.cloned.1.call-start
scs
__scs_entry_jumppad:
0x0: {  	(pc) =	sbr.rel $0x88, $3  }
0x1: {  	(tag) =	ssettag $0x0;
	lr =	simm.s32 $0x1  }
0x2: {  	[smem:$0x3F9F] =	sst lr;
	_ =	strace $0xD0000000  }
0x3: {  	_ = 	snop  }
0x4: {  	_ = 	snop  }
0x5: {  	_ = 	snop  }
0x6: {  	_ = 	snop  }
0x7: {  	_ = 	snop  }
__scs_overlays_trampoline_lowered:
0x8: {  	[smem:$0x3FAE] =	sst s0  }
0x9: {  	[smem:$0x3FAF] =	sst s1  }
0xa: {  	[smem:$0x3FB0] =	sst s2  }
0xb: {  	[smem:$0x3FB1] =	sst s3  }
0xc: {  	[smem:$0x3FB2] =	sst s4  }
0xd: {  	[smem:$0x3FB3] =	sst s5  }
0xe: {  	[smem:$0x3FB4] =	sst s6  }
0xf: {  	[smem:$0x3FB5] =	sst s7  }
0x10: {  	[smem:$0x3FB6] =	sst s8  }
0x11: {  	[smem:$0x3FB7] =	sst s9;
	s0 =	simm.s32 @!p0 $0x0  }
0x12: {  	s1 =	sld [smem:$0x3F9D];
	s0 =	simm.s32 @p0 $0x1  }
0x13: {  	[smem:$0x3FB8] =	sst s0;
	s0 =	simm.s32 @!p1 $0x0  }
0x14: {  	s2 =	sld [smem:$0x3F9C];
	s0 =	simm.s32 @p1 $0x1  }
0x15: {  	[smem:$0x3FB9] =	sst s0;
	s0 =	simm.s32 @!p2 $0x0  }
0x16: {  	s3 =	sld [smem:$0x3FDB];
	s0 =	simm.s32 @p2 $0x1  }
0x17: {  	s4 =	simm.s32 $0x1BF5;
	[smem:$0x3FBB] =	sst s0  }
0x18: {  	s0 =	sld [smem:$0x3F9E];
	_ =	swait.ge [sflag:s4], $0x0  }
0x19: {  	s7 =	sld [smem:$0x3F9F]  }
0x1a: {  	s8 =	sadd.s32 $0xFFFFE003, lr  }
0x1b: {  	s9 =	sadd.s32 $0xFFFFFEF7, lr;
	s5 =	simm.s32 $0xFFFFFFFF;
	p2 =	slt.u32 s8, $0xFFFFF086  }
0x1c: {  	p1 =	slt.u32 s9, $0xF7A;
	s5 =	simm.s32 @!p2 $0x0  }
0x1d: {  	s5 =	simm.s32 @p1 $0x1;
	p0 =	seq.s32 s7, s2  }
0x1e: {  	s7 =	smul.u32 @!p0 $0xF7A, s2;
	p2 =	seq.s32 @!p0 s5, $0x0  }
0x1f: {  	s9 =	smul.u32 $0xF7A, s1;
	s8 =	simm.s32 @!p0 $0x1BF5;
	p2 =	por !p2, p0  }
0x20: {  	[sflag:s8] =	ssyncset.s32 @!p0 $0xFFFFF086;
	s6 =	sadd.s32 @!p0 s3, s7;
	s7 =	simm.s32 @!p0 $0x108  }
0x21: {  	s3 =	sadd.s32 s3, s9;
	s6 =	sadd.s32 @!p0 $0x88, s6;
	s7 =	simm.s32 @p2 $0x1082  }
0x22: {  	[simem:s7], [sflag:s8] =	dma.local @!p0 [hbm:s6], $0xF7A  }
0x23: {  	s9 =	sor.u32 $0xD0000000, s2;
	s6 =	simm.s32 $0x108;
	_ =	swait.ge @!p0 [sflag:s8], $0x0  }
0x24: {  	s3 =	sadd.s32 $0x88, s3;
	s6 =	simm.s32 @!p1 $0x1082;
	[sflag:s4] =	ssyncset.s32 $0xFFFFF086  }
0x25: {  	[simem:s6], [sflag:s4] =	dma.local [hbm:s3], $0xF7A  }
0x26: {  	[smem:$0x3F9F] =	sst s1;
	(tag) =	ssettag s2;
	_ =	strace s9  }
0x27: {  	s1 =	sld [smem:$0x3FAF]  }
0x28: {  	s2 =	sld [smem:$0x3FB0]  }
0x29: {  	s4 =	sld [smem:$0x3FB2]  }
0x2a: {  	p0 =	seq.s32 s5, $0x0;
	s5 =	sld [smem:$0x3FB3]  }
0x2b: {  	s6 =	sld [smem:$0x3FB4]  }
0x2c: {  	s7 =	sld [smem:$0x3FB5]  }
0x2d: {  	s3 =	simm.s32 $0x108;
	s8 =	sld [smem:$0x3FB6]  }
0x2e: {  	s3 =	simm.s32 @!p0 $0x1082;
	s9 =	sld [smem:$0x3FB7]  }
0x2f: {  	lr =	sadd.s32 s0, s3;
	s0 =	sld [smem:$0x3FAE]  }
0x30: {  	s3 =	sld [smem:$0x3FB1]  }
0x31: {  	[smem:$0x3FBA] =	sst s10  }
0x32: {  	s10 =	sld [smem:$0x3FB8];
	_ =	sdelay $0x3  }
0x33: {  	p0 =	seq.s32 s10, $0x1;
	s10 =	sld [smem:$0x3FBA];
	_ =	sdelay $0x3  }
0x34: {  	[smem:$0x3FBA] =	sst s10  }
0x35: {  	s10 =	sld [smem:$0x3FB9];
	_ =	sdelay $0x3  }
0x36: {  	p1 =	seq.s32 s10, $0x1;
	s10 =	sld [smem:$0x3FBA];
	_ =	sdelay $0x3  }
0x37: {  	[smem:$0x3FBA] =	sst s10  }
0x38: {  	s10 =	sld [smem:$0x3FBB]  }
0x39: {  	_ = 	snop;
	(pc) =	sbr.ind lr, $3  }
0x3a: {  	_ = 	snop  }
0x3b: {  	_ = 	snop  }
0x3c: {  	p2 =	seq.s32 s10, $0x1;
	s10 =	sld [smem:$0x3FBA]  }
0x3d: {  	_ =	shalt  }
0x3e: {  	_ =	shalt  }
0x3f: {  	_ =	shalt  }
0x40: {  	_ =	shalt  }
0x41: {  	_ =	shalt  }
0x42: {  	_ =	shalt  }
0x43: {  	_ =	shalt  }
0x44: {  	_ =	shalt  }
0x45: {  	_ =	shalt  }
0x46: {  	_ =	shalt  }
0x47: {  	_ =	shalt  }
0x48: {  	_ =	shalt  }
0x49: {  	_ =	shalt  }
0x4a: {  	_ =	shalt  }
0x4b: {  	_ =	shalt  }
0x4c: {  	_ =	shalt  }
0x4d: {  	_ =	shalt  }
0x4e: {  	_ =	shalt  }
0x4f: {  	_ =	shalt  }
0x50: {  	_ =	shalt  }
0x51: {  	_ =	shalt  }
0x52: {  	_ =	shalt  }
0x53: {  	_ =	shalt  }
0x54: {  	_ =	shalt  }
0x55: {  	_ =	shalt  }
0x56: {  	_ =	shalt  }
0x57: {  	_ =	shalt  }
0x58: {  	_ =	shalt  }
0x59: {  	_ =	shalt  }
0x5a: {  	_ =	shalt  }
0x5b: {  	_ =	shalt  }
0x5c: {  	_ =	shalt  }
0x5d: {  	_ =	shalt  }
0x5e: {  	_ =	shalt  }
0x5f: {  	_ =	shalt  }
0x60: {  	_ =	shalt  }
0x61: {  	_ =	shalt  }
0x62: {  	_ =	shalt  }
0x63: {  	_ =	shalt  }
0x64: {  	_ =	shalt  }
0x65: {  	_ =	shalt  }
0x66: {  	_ =	shalt  }
0x67: {  	_ =	shalt  }
0x68: {  	_ =	shalt  }
0x69: {  	_ =	shalt  }
0x6a: {  	_ =	shalt  }
0x6b: {  	_ =	shalt  }
0x6c: {  	_ =	shalt  }
0x6d: {  	_ =	shalt  }
0x6e: {  	_ =	shalt  }
0x6f: {  	_ =	shalt  }
0x70: {  	_ =	shalt  }
0x71: {  	_ =	shalt  }
0x72: {  	_ =	shalt  }
0x73: {  	_ =	shalt  }
0x74: {  	_ =	shalt  }
0x75: {  	_ =	shalt  }
0x76: {  	_ =	shalt  }
0x77: {  	_ =	shalt  }
0x78: {  	_ =	shalt  }
0x79: {  	_ =	shalt  }
0x7a: {  	_ =	shalt  }
0x7b: {  	_ =	shalt  }
0x7c: {  	_ =	shalt  }
0x7d: {  	_ =	shalt  }
0x7e: {  	_ =	shalt  }
0x7f: {  	_ =	shalt  }
0x80: {  	_ =	shalt  }
0x81: {  	_ =	shalt  }
0x82: {  	_ =	shalt  }
0x83: {  	_ =	shalt  }
0x84: {  	_ =	shalt  }
0x85: {  	_ =	shalt  }
0x86: {  	_ =	shalt  }
0x87: {  	_ =	shalt  }
.Lfunc_end0:
.L_simem_size_0:
called_computation.1_lowered:
.L_overlay_start_0:
0x88: {  	s2 =	sld [smem:$0x3FD9]  }
0x89: {  	s3 =	sld [smem:$0x3FFE];
	_ =	sdelay $0x1  }
0x8a: {  	s1 =	srdreg.scid  }
0x8b: {  	s0 =	sand.u32 $0x1, s1  }
0x8c: {  	s17 =	sshll.u32 s0, $0xA;
	s2 =	sadd.s32 s3, s2  }
0x8d: {  	s2 =	sadd.s32 s2, s17  }
0x8e: {  	[smem:$0x3FC6] =	sst s2  }
0x8f: {  	_ = 	snop  }
0x90: {  	s2 =	sld [smem:$0x3FD0];
	(tm) =	ssettm $0x1  }
0x91: {  	s18 =	sld [smem:$0x3FFB];
	_ =	sdelay $0x3  }
0x92: {  	_ =	strace s18  }
0x93: {  	s3 =	sld [smem:$0x3FFC];
	_ =	sdelay $0x3  }
0x94: {  	_ =	strace s3  }
0x95: {  	s3 =	sld [smem:$0x3FFD];
	_ =	sdelay $0x3  }
0x96: {  	_ =	strace s3  }
0x97: {  	_ =	strace $0x8FFFFFFF  }
0x98: {  	s19 =	sld [smem:$0x3FDB];
	_ =	sdelay $0x1  }
0x99: {  	s4 =	simm.s32 $_scs_section_size  }
0x9a: {  	s5 =	simm.s32 $_size__tile_overlayer_lowered;
	s6 =	simm.s32 $_tile_overlayer_lowered  }
0x9b: {  	s22 =	simm.s32 $0x1BFF;
	s21 =	sshll.u32 s6, $0x1;
	s3 =	sadd.s32 s4, s19  }
0x9c: {  	s7 =	simm.s32 $0x0;
	s20 =	sshll.u32 s5, $0x1;
	s5 =	sadd.s32 s21, s3  }
0x9d: {  	[timem:s7], [sflag:s22] =	dma.local [hbm:s5], s20  }
0x9e: {  	_ =	swait.ge [sflag:s22], s20  }
0x9f: {  	s4 =	ssub.s32 $0x0, s20;
	[sflag:s22] =	ssyncset.done $0x0  }
0xa0: {  	[sflag:s22] =	ssyncadd.s32 s4;
	_ =	sdelay $0x1  }
0xa1: {  	s23 =	simm.s32 $0x1B8B  }
0xa2: {  	_ =	swait.ge [sflag:s23], $0x1  }
0xa3: {  	[sflag:s23] =	ssyncset.done $0x0  }
0xa4: {  	s25 =	simm.s32 $0x1B8E;
	s24 =	sld [smem:$0x3FFE];
	[sflag:s23] =	ssyncadd.s32 $0xFFFFFFFF  }
0xa5: {  	s26 =	simm.s32 $execute0_lowered;
	[smem:$0x3FD2] =	sst s25  }
0xa6: {  	s5 =	sshll.u32 s26, $0x1;
	_ =	strace $0x80000049;
	[dreg:$0x1] =	wrdreg $0xFFFFFFFF  }
0xa7: {  	s28 =	simm.s32 $_size_execute0_lowered;
	s3 =	sadd.s32 s3, s5;
	[dreg:$0x0] =	wrdreg $0x0  }
0xa8: {  	s5 =	sshll.u32 s28, $0x1;
	[dreg:$0x2] =	wrdreg s3  }
0xa9: {  	[dreg:$0x3] =	wrdreg s5  }
0xaa: {  	[dreg:$0x4] =	wrdreg $0xC0  }
0xab: {  	_ =	task [dreg:s7], $0x5FFFF  }
0xac: {  	[dreg:$0x1] =	wrdreg $0xFFFFFFFF  }
0xad: {  	[dreg:$0x0] =	wrdreg $0x60  }
0xae: {  	[dreg:$0x2] =	wrdreg s24  }
0xaf: {  	[dreg:$0x3] =	wrdreg s2  }
0xb0: {  	[dreg:$0x4] =	wrdreg $0x90000  }
0xb1: {  	[dreg:$0x5] =	wrdreg $0x9  }
0xb2: {  	_ =	task.clear_ibuf [dreg:s7], $0x6FFFF;
	_ =	strace $0x90000049  }
0xb3: {  	s29 =	simm.s32 $0x9;
	_ =	strace $0x8000004B  }
0xb4: {  	_ =	swait.ge [sflag:s29], $0x1  }
0xb5: {  	[sflag:s29] =	ssyncadd.s32 $0xFFFFFFFF  }
0xb6: {  	_ =	strace $0x9000004B  }
0xb7: {  	_ =	sfence  }
0xb8: {  	s30 =	sld [smem:$0x0];
	_ =	sdelay $0x2  }
0xb9: {  	s31 =	sshll.u32 s1, $0xD;
	s1 =	sshrl.u32 s1, $0x2  }
0xba: {  	s3 =	sand.u32 $0x4000, s31;
	s1 =	sadd.s32 s1, s30  }
0xbb: {  	s0 =	sor.u32 s3, s0;
	s1 =	sshll.u32 s1, $0x11  }
0xbc: {  	s0 =	sor.u32 s1, s0  }
0xbd: {  	s0 =	sadd.s32 $0x8F2B, s0  }
0xbe: {  	[sflag:s0] =	ssyncadd.remote.s32 $0x1  }
0xbf: {  	_ =	sfence.sel $0xFFFF  }
0xc0: {  	[dreg:$0x0] =	wrdreg $0xFFFFFFFF;
	(pc) =	sbr.abs _section_cstart, $3  }
0xc1: {  	[dreg:$0x1] =	wrdreg $0xFFFFFFFF  }
0xc2: {  	_ =	task.clear_ibuf [dreg:s7], $0x2FFFF;
	_ =	strace $0x9FFFFFFF  }
0xc3: {  	(tm) =	ssettm $0x7FFFFFFF  }
tec
execute0_lowered:
.L_overlay_start_1:
0x0: {  	(tag) =	ssettag $0x1  }
0x1: {  	s2 =	rddreg [dreg:$0x0]  }
0x2: {  	s0 =	srdreg.scid;
	s24 =	stileid.u32;
	s1 =	simm.s32 $0x0  }
0x3: {  	s28 =	simm.s32 $0x3000;
	s3 =	sand.u32 $0x1, s0;
	s10 =	smul.u32 $0x14000, s24  }
0x4: {  	[smem:$0x7FF] =	sst s1;
	s0 =	ssub.s32 $0x2, s3;
	s9 =	smul.u32 $0x140000, s3  }
0x5: {  	s6 =	sadd.s32 $0x52200, s2;
	s5 =	sshrl.u32 s0, $0x1;
	s4 =	sor.u32 $0x1400, s10  }
0x6: {  	s14 =	sadd.s32 $0x8C00, s10;
	s0 =	ssub.s32 s0, s5;
	s15 =	sadd.s32 s10, s9  }
0x7: {  	s7 =	sadd.s32 s9, s4;
	s5 =	sor.u32 $0x2800, s10;
	s8 =	sshrl.u32 s15, $0x3  }
0x8: {  	s7 =	sshrl.u32 s7, $0x3;
	s16 =	sadd.s32 s9, s5;
	s15 =	sadd.s32 s9, s14  }
0x9: {  	s8 =	sadd.s32 s6, s8;
	s7 =	sadd.s32 s6, s7;
	s11 =	sshrl.u32 s16, $0x3  }
0xa: {  	s15 =	sshrl.u32 s15, $0x3;
	s16 =	sadd.s32 $0xA000, s10;
	[dreg:$0x4] =	wrdreg s8  }
0xb: {  	[dreg:$0x5] =	wrdreg s7;
	s7 =	sor.u32 $0x3C00, s10;
	s8 =	sadd.s32 $0x5000, s10  }
0xc: {  	s11 =	sadd.s32 s6, s11;
	s20 =	sadd.s32 s6, s15;
	s21 =	sadd.s32 s9, s16  }
0xd: {  	s15 =	sadd.s32 $0xB400, s10;
	[dreg:$0x6] =	wrdreg s11;
	s17 =	sadd.s32 s9, s7  }
0xe: {  	s12 =	sadd.s32 s9, s8;
	s11 =	sadd.s32 $0x6400, s10;
	s13 =	sshrl.u32 s17, $0x3  }
0xf: {  	[dreg:$0xb] =	wrdreg s20;
	s12 =	sshrl.u32 s12, $0x3;
	s13 =	sadd.s32 s6, s13  }
0x10: {  	s22 =	sadd.s32 s9, s15;
	s12 =	sadd.s32 s6, s12;
	[dreg:$0x7] =	wrdreg s13  }
0x11: {  	s18 =	sadd.s32 s9, s11;
	s17 =	sadd.s32 $0xC800, s10;
	[dreg:$0x8] =	wrdreg s12  }
0x12: {  	s12 =	sshrl.u32 s18, $0x3;
	s13 =	sadd.s32 $0x7800, s10;
	s18 =	sadd.s32 s9, s17  }
0x13: {  	s12 =	sadd.s32 s6, s12;
	s19 =	sadd.s32 s9, s13;
	s18 =	sshrl.u32 s18, $0x3  }
0x14: {  	[dreg:$0x9] =	wrdreg s12;
	s12 =	sshrl.u32 s19, $0x3;
	s23 =	sadd.s32 s6, s18  }
0x15: {  	s20 =	sadd.s32 $0xDC00, s10;
	s12 =	sadd.s32 s6, s12;
	[dreg:$0xe] =	wrdreg s23  }
0x16: {  	s23 =	sadd.s32 $0x10400, s10;
	[dreg:$0xa] =	wrdreg s12;
	s12 =	sshrl.u32 s21, $0x3  }
0x17: {  	s25 =	sadd.s32 s9, s20;
	s19 =	sadd.s32 s9, s23;
	s12 =	sadd.s32 s6, s12  }
0x18: {  	s18 =	sadd.s32 $0xF000, s10;
	s19 =	sshrl.u32 s19, $0x3;
	[dreg:$0xc] =	wrdreg s12  }
0x19: {  	s12 =	sshrl.u32 s22, $0x3;
	s21 =	sadd.s32 s6, s19;
	s19 =	rddreg [dreg:$0x2]  }
0x1a: {  	s26 =	sadd.s32 s9, s18;
	s12 =	sadd.s32 s6, s12;
	[dreg:$0x11] =	wrdreg s21  }
0x1b: {  	s21 =	sadd.s32 $0x2A200, s2;
	[dreg:$0xd] =	wrdreg s12;
	s12 =	sshrl.u32 s25, $0x3  }
0x1c: {  	s4 =	sadd.s32 s4, s19;
	s25 =	smul.u32 $0x50000, s24;
	s12 =	sadd.s32 s6, s12  }
0x1d: {  	[dreg:$0xf] =	wrdreg s12;
	s12 =	sshrl.u32 s26, $0x3;
	s26 =	sadd.s32 $0x11800, s10  }
0x1e: {  	s10 =	sadd.s32 $0x12C00, s10;
	s12 =	sadd.s32 s6, s12;
	s22 =	sadd.s32 s9, s26  }
0x1f: {  	s9 =	sadd.s32 s9, s10;
	[dreg:$0x10] =	wrdreg s12;
	s12 =	sshrl.u32 s22, $0x3  }
0x20: {  	s9 =	sshrl.u32 s9, $0x3;
	s22 =	sadd.s32 $0x2200, s2;
	s12 =	sadd.s32 s6, s12  }
0x21: {  	s6 =	sadd.s32 s6, s9;
	s9 =	sshll.u32 s3, $0x4;
	[dreg:$0x12] =	wrdreg s12  }
0x22: {  	[dreg:$0x13] =	wrdreg s6;
	s12 =	sshrl.u32 s25, $0x2;
	s2 =	sor.u32 s24, s9  }
0x23: {  	s9 =	sadd.s32 s5, s19;
	_ =	strace $0x8000004A;
	[dreg:$0x16] =	wrdreg s4  }
0x24: {  	s25 =	sshll.u32 s24, $0x6;
	s24 =	sadd.s32 s8, s19;
	[dreg:$0x17] =	wrdreg s9  }
0x25: {  	s29 =	simm.s32 $0x880;
	s5 =	sadd.s32 s14, s19;
	[dreg:$0x19] =	wrdreg s24  }
0x26: {  	s30 =	simm.s32 $0x5000;
	s8 =	sadd.s32 s15, s19;
	[dreg:$0x1c] =	wrdreg s5  }
0x27: {  	s31 =	simm.s32 $0x80;
	s14 =	sadd.s32 s26, s19;
	[dreg:$0x1e] =	wrdreg s8  }
0x28: {  	s0 =	smax.u32 s0, $0x1;
	s15 =	sadd.s32 s10, s19;
	[smem:$0x7F7] =	sst s14  }
0x29: {  	s10 =	simm.s32 $0xF00;
	s6 =	sadd.s32 s12, s19;
	[smem:$0x7F8] =	sst s15  }
0x2a: {  	s3 =	sor.u32 $0x1C09, s25;
	s25 =	smul.u32 $0x5000, s2;
	[smem:$0x7F9] =	sst s0  }
0x2b: {  	s12 =	sadd.s32 s7, s19;
	s4 =	sadd.s32 s13, s19;
	[dreg:$0x15] =	wrdreg s3  }
0x2c: {  	s7 =	sadd.s32 s16, s19;
	s9 =	sadd.s32 s17, s19;
	[dreg:$0x18] =	wrdreg s12  }
0x2d: {  	s13 =	sadd.s32 s23, s19;
	s15 =	simm.s32 $0x9;
	[dreg:$0x1b] =	wrdreg s4  }
0x2e: {  	s2 =	simm.s32 $0x2;
	s5 =	simm.s32 $0x5;
	[dreg:$0x1d] =	wrdreg s7  }
0x2f: {  	s8 =	simm.s32 $0x8;
	s3 =	sadd.s32 s11, s19;
	[dreg:$0x1f] =	wrdreg s9  }
0x30: {  	s17 =	smov.u32 s6;
	s11 =	sadd.s32 s20, s19;
	s12 =	sadd.s32 s18, s19  }
0x31: {  	[smem:$0x7F6] =	sst s13;
	s16 =	sadd.s32 $0x4000, s6;
	s20 =	sadd.s32 $0x8000, s6  }
0x32: {  	s23 =	sadd.s32 $0xC000, s6;
	s24 =	sadd.s32 $0x10000, s6;
	s4 =	simm.s32 $0x4  }
0x33: {  	s6 =	simm.s32 $0x6;
	s7 =	simm.s32 $0x7;
	[dreg:$0x1a] =	wrdreg s3  }
0x34: {  	s9 =	simm.s32 $0x700;
	s13 =	simm.s32 $0x0;
	[smem:$0x7F4] =	sst s11  }
0x35: {  	[smem:$0x7F5] =	sst s12;
	s18 =	sshrl.u32 s16, $0x3;
	s0 =	sshrl.u32 s20, $0x3  }
0x36: {  	s26 =	sshrl.u32 s24, $0x3;
	s20 =	simm.s32 $0x40;
	[dreg:$0x14] =	wrdreg s17  }
0x37: {  	s16 =	simm.s32 $0x7000;
	s3 =	simm.s32 $0x3;
	[smem:$0x7FA] =	sst s18  }
0x38: {  	s11 =	simm.s32 $0x780;
	s12 =	simm.s32 $0xF80;
	[smem:$0x7FB] =	sst s0  }
0x39: {  	s0 =	sshrl.u32 s23, $0x3;
	[smem:$0x7FD] =	sst s26;
	s18 =	simm.s32 $0x800  }
0x3a: {  	s26 =	simm.s32 $0x1000;
	[smem:$0x7FC] =	sst s0;
	s0 =	simm.s32 $0x1  }
.LBB2_1:
0x3b: {  	s14 =	sshrl.u32 s17, $0x3;
	s17 =	rddreg [dreg:$0x1]  }
0x3c: {  	s23 =	rddreg [dreg:$0x15]  }
0x3d: {  	[spmem:s14], [sflag:s23] =	dma.local [hbm:s17], $0x800  }
0x3e: {  	_ =	swait.ge [sflag:s15], $0x800  }
0x3f: {  	s24 =	sld [smem:$0x7FA]  }
0x40: {  	[sflag:s15] =	ssyncset.done $0x0  }
0x41: {  	[sflag:s15] =	ssyncadd.s32 $0xFFFFF800  }
0x42: {  	[spmem:s24], [sflag:s23] =	dma.local [hbm:s17], $0x800  }
0x43: {  	_ =	swait.ge [sflag:s15], $0x800  }
0x44: {  	s24 =	sld [smem:$0x7FB]  }
0x45: {  	[sflag:s15] =	ssyncset.done $0x0  }
0x46: {  	[sflag:s15] =	ssyncadd.s32 $0xFFFFF800  }
0x47: {  	[spmem:s24], [sflag:s23] =	dma.local [hbm:s17], $0x800  }
0x48: {  	_ =	swait.ge [sflag:s15], $0x800  }
0x49: {  	s24 =	sld [smem:$0x7FC]  }
0x4a: {  	[sflag:s15] =	ssyncset.done $0x0  }
0x4b: {  	[sflag:s15] =	ssyncadd.s32 $0xFFFFF800  }
0x4c: {  	[spmem:s24], [sflag:s23] =	dma.local [hbm:s17], $0x800  }
0x4d: {  	_ =	swait.ge [sflag:s15], $0x800  }
0x4e: {  	s24 =	sld [smem:$0x7FD]  }
0x4f: {  	[sflag:s15] =	ssyncset.done $0x0  }
0x50: {  	[sflag:s15] =	ssyncadd.s32 $0xFFFFF800  }
0x51: {  	[spmem:s24], [sflag:s23] =	dma.local [hbm:s17], $0x800  }
0x52: {  	_ =	swait.ge [sflag:s15], $0x800  }
0x53: {  	[sflag:s15] =	ssyncset.done $0x0  }
0x54: {  	[sflag:s15] =	ssyncadd.s32 $0xFFFFF800  }
0x55: {  	s14 =	simm.s32 $0x0;
	[bflag:$0x0] =	sbarrier.arrive $0xFFFF  }
.LBB2_2:
0x56: {  	s17 =	sshll.u32 s14, $0xB  }
0x57: {  	s17 =	sadd.s32 s25, s17  }
0x58: {  	s17 =	sshrl.u32 s17, $0x3  }
0x59: {  	s23 =	simm.s32 $0x0;
	s17 =	sadd.s32 s22, s17  }
0x5a: {  	[tilespmem:s23], [sflag:$0x9] =	stream.linear.gather [hbm4b:s17+s23], $0x800, $0x38;
	[tilespmem:$0x1D000] =	vst v63  }
0x5b: {  	_ =	swait.ge [sflag:s15], $0x800  }
0x5c: {  	[sflag:s15] =	ssyncset.done $0x0  }
0x5d: {  	s17 =	sadd.s32 $0x14000, s17;
	[sflag:s15] =	ssyncadd.s32 $0xFFFFF800  }
0x5e: {  	[tilespmem:s18], [sflag:$0x9] =	stream.linear.gather [hbm4b:s17+s23], $0x800, $0x38;
	[tilespmem:$0x1D000] =	vst v63  }
0x5f: {  	_ =	swait.ge [sflag:s15], $0x800  }
0x60: {  	[sflag:s15] =	ssyncset.done $0x0  }
0x61: {  	[sflag:s15] =	ssyncadd.s32 $0xFFFFF800  }
0x62: {  	[tilespmem:s26], [sflag:$0x1] =	stream.indirect.gather [hbm4b:s21+s20], $0x80, s18, s20, $0xb8;
	[tilespmem:$0x1D000] =	vst v63  }
0x63: {  	_ = 	snop  }
0x64: {  	[tilespmem:s28], [sflag:$0x2] =	stream.indirect.gather [hbm4b:s21+s20], $0x80, s23, s20, $0xb8;
	[tilespmem:$0x1D000] =	vst v63  }
0x65: {  	_ = 	snop  }
0x66: {  	[tilespmem:s30], [sflag:$0x3] =	stream.indirect.gather [hbm4b:s21+s20], $0x80, s29, s20, $0xb8;
	[tilespmem:$0x1D000] =	vst v63  }
0x67: {  	_ = 	snop  }
0x68: {  	[tilespmem:s16], [sflag:$0x4] =	stream.indirect.gather [hbm4b:s21+s20], $0x80, s31, s20, $0xb8;
	[tilespmem:$0x1D000] =	vst v63  }
0x69: {  	_ =	swait.ge [sflag:s0], $0x2000  }
0x6a: {  	[sflag:s0] =	ssyncset.done $0x0  }
0x6b: {  	s24 =	simm.s32 $0x0;
	[sflag:s0] =	ssyncadd.s32 $0xFFFFE000  }
0x6c: {  	[spmem:s19] =	stream.indirect.scatter.add.f32 [tilespmem:s26], [sflag:$0x5], $0x80, s24, s20, $0xb8;
	[tilespmem:$0x1D000] =	vst v63  }
0x6d: {  	_ =	swait.ge [sflag:s2], $0x2000  }
0x6e: {  	[sflag:s2] =	ssyncset.done $0x0  }
0x6f: {  	s23 =	simm.s32 $0x800;
	[sflag:s2] =	ssyncadd.s32 $0xFFFFE000  }
0x70: {  	[spmem:s19] =	stream.indirect.scatter.add.f32 [tilespmem:s28], [sflag:$0x6], $0x80, s23, s20, $0xb8;
	[tilespmem:$0x1D000] =	vst v63  }
0x71: {  	_ =	swait.ge [sflag:s3], $0x2000  }
0x72: {  	[sflag:s3] =	ssyncset.done $0x0  }
0x73: {  	s24 =	simm.s32 $0x80;
	[sflag:s3] =	ssyncadd.s32 $0xFFFFE000  }
0x74: {  	[spmem:s19] =	stream.indirect.scatter.add.f32 [tilespmem:s30], [sflag:$0x7], $0x80, s24, s20, $0xb8;
	[tilespmem:$0x1D000] =	vst v63  }
0x75: {  	_ =	swait.ge [sflag:s4], $0x2000  }
0x76: {  	[sflag:s4] =	ssyncset.done $0x0  }
0x77: {  	s23 =	simm.s32 $0x880;
	[sflag:s4] =	ssyncadd.s32 $0xFFFFE000  }
0x78: {  	[spmem:s19] =	stream.indirect.scatter.add.f32 [tilespmem:s16], [sflag:$0x8], $0x80, s23, s20, $0xb8;
	[tilespmem:$0x1D000] =	vst v63  }
0x79: {  	_ =	swait.ge [sflag:s5], $0x2000  }
0x7a: {  	[sflag:s5] =	ssyncset.done $0x0  }
0x7b: {  	s24 =	simm.s32 $0x900;
	[sflag:s5] =	ssyncadd.s32 $0xFFFFE000  }
0x7c: {  	[tilespmem:s26], [sflag:$0x1] =	stream.indirect.gather [hbm4b:s21+s20], $0x80, s24, s20, $0xb8;
	[tilespmem:$0x1D000] =	vst v63  }
0x7d: {  	_ =	swait.ge [sflag:s6], $0x2000  }
0x7e: {  	[sflag:s6] =	ssyncset.done $0x0  }
0x7f: {  	s23 =	simm.s32 $0x100;
	[sflag:s6] =	ssyncadd.s32 $0xFFFFE000  }
0x80: {  	[tilespmem:s28], [sflag:$0x2] =	stream.indirect.gather [hbm4b:s21+s20], $0x80, s23, s20, $0xb8;
	[tilespmem:$0x1D000] =	vst v63  }
0x81: {  	_ =	swait.ge [sflag:s7], $0x2000  }
0x82: {  	[sflag:s7] =	ssyncset.done $0x0  }
0x83: {  	s24 =	simm.s32 $0x980;
	[sflag:s7] =	ssyncadd.s32 $0xFFFFE000  }
0x84: {  	[tilespmem:s30], [sflag:$0x3] =	stream.indirect.gather [hbm4b:s21+s20], $0x80, s24, s20, $0xb8;
	[tilespmem:$0x1D000] =	vst v63  }
0x85: {  	_ =	swait.ge [sflag:s8], $0x2000  }
0x86: {  	[sflag:s8] =	ssyncset.done $0x0  }
0x87: {  	s17 =	simm.s32 $0x180;
	s23 =	simm.s32 $0x400;
	[sflag:s8] =	ssyncadd.s32 $0xFFFFE000  }
.LBB2_3:
0x88: {  	[tilespmem:s16], [sflag:$0x4] =	stream.indirect.gather [hbm4b:s21+s20], $0x80, s17, s20, $0xb8;
	[tilespmem:$0x1D000] =	vst v63  }
0x89: {  	s17 =	smov.u32 s23  }
0x8a: {  	p0 =	sne.s32 s23, $0x1800;
	s23 =	sadd.s32 $0x400, s23;
	_ =	swait.ge [sflag:s0], $0x2000  }
0x8b: {  	[sflag:s0] =	ssyncset.done $0x0  }
0x8c: {  	s17 =	sshra.s32 s17, $0x2;
	[sflag:s0] =	ssyncadd.s32 $0xFFFFE000  }
0x8d: {  	[spmem:s19] =	stream.indirect.scatter.add.f32 [tilespmem:s26], [sflag:$0x5], $0x80, s17, s20, $0xb8;
	[tilespmem:$0x1D000] =	vst v63  }
0x8e: {  	_ =	swait.ge [sflag:s2], $0x2000  }
0x8f: {  	[sflag:s2] =	ssyncset.done $0x0  }
0x90: {  	s24 =	sadd.s32 $0x800, s17;
	[sflag:s2] =	ssyncadd.s32 $0xFFFFE000  }
0x91: {  	[spmem:s19] =	stream.indirect.scatter.add.f32 [tilespmem:s28], [sflag:$0x6], $0x80, s24, s20, $0xb8;
	[tilespmem:$0x1D000] =	vst v63  }
0x92: {  	_ =	swait.ge [sflag:s3], $0x2000  }
0x93: {  	[sflag:s3] =	ssyncset.done $0x0  }
0x94: {  	s24 =	sadd.s32 $0x80, s17;
	[sflag:s3] =	ssyncadd.s32 $0xFFFFE000  }
0x95: {  	[spmem:s19] =	stream.indirect.scatter.add.f32 [tilespmem:s30], [sflag:$0x7], $0x80, s24, s20, $0xb8;
	[tilespmem:$0x1D000] =	vst v63  }
0x96: {  	_ =	swait.ge [sflag:s4], $0x2000  }
0x97: {  	[sflag:s4] =	ssyncset.done $0x0  }
0x98: {  	s24 =	sadd.s32 $0x880, s17;
	[sflag:s4] =	ssyncadd.s32 $0xFFFFE000  }
0x99: {  	[spmem:s19] =	stream.indirect.scatter.add.f32 [tilespmem:s16], [sflag:$0x8], $0x80, s24, s20, $0xb8;
	[tilespmem:$0x1D000] =	vst v63  }
0x9a: {  	_ =	swait.ge [sflag:s5], $0x2000  }
0x9b: {  	[sflag:s5] =	ssyncset.done $0x0  }
0x9c: {  	s24 =	sadd.s32 $0x900, s17;
	[sflag:s5] =	ssyncadd.s32 $0xFFFFE000  }
0x9d: {  	[tilespmem:s26], [sflag:$0x1] =	stream.indirect.gather [hbm4b:s21+s20], $0x80, s24, s20, $0xb8;
	[tilespmem:$0x1D000] =	vst v63  }
0x9e: {  	_ =	swait.ge [sflag:s6], $0x2000  }
0x9f: {  	[sflag:s6] =	ssyncset.done $0x0  }
0xa0: {  	s24 =	sadd.s32 $0x100, s17;
	[sflag:s6] =	ssyncadd.s32 $0xFFFFE000  }
0xa1: {  	[tilespmem:s28], [sflag:$0x2] =	stream.indirect.gather [hbm4b:s21+s20], $0x80, s24, s20, $0xb8;
	[tilespmem:$0x1D000] =	vst v63  }
0xa2: {  	_ =	swait.ge [sflag:s7], $0x2000  }
0xa3: {  	[sflag:s7] =	ssyncset.done $0x0  }
.Ltmp0:
0xa4: {  	s24 =	sadd.s32 $0x980, s17;
	[sflag:s7] =	ssyncadd.s32 $0xFFFFE000;
	(pc) =	sbr.rel @p0 .LBB2_3-.Ltmp0, $4  }
0xa5: {  	[tilespmem:s30], [sflag:$0x3] =	stream.indirect.gather [hbm4b:s21+s20], $0x80, s24, s20, $0xb8;
	[tilespmem:$0x1D000] =	vst v63  }
0xa6: {  	_ =	swait.ge [sflag:s8], $0x2000  }
0xa7: {  	[sflag:s8] =	ssyncset.done $0x0  }
0xa8: {  	s17 =	sadd.s32 $0x180, s17;
	[sflag:s8] =	ssyncadd.s32 $0xFFFFE000  }
0xa9: {  	[tilespmem:s16], [sflag:$0x4] =	stream.indirect.gather [hbm4b:s21+s20], $0x80, s17, s20, $0xb8;
	[tilespmem:$0x1D000] =	vst v63  }
0xaa: {  	_ =	swait.ge [sflag:s0], $0x2000  }
0xab: {  	[sflag:s0] =	ssyncset.done $0x0  }
0xac: {  	[sflag:s0] =	ssyncadd.s32 $0xFFFFE000  }
0xad: {  	[spmem:s19] =	stream.indirect.scatter.add.f32 [tilespmem:s26], [sflag:$0x5], $0x80, s9, s20, $0xb8;
	[tilespmem:$0x1D000] =	vst v63  }
0xae: {  	_ =	swait.ge [sflag:s2], $0x2000  }
0xaf: {  	[sflag:s2] =	ssyncset.done $0x0  }
0xb0: {  	[sflag:s2] =	ssyncadd.s32 $0xFFFFE000  }
0xb1: {  	[spmem:s19] =	stream.indirect.scatter.add.f32 [tilespmem:s28], [sflag:$0x6], $0x80, s10, s20, $0xb8;
	[tilespmem:$0x1D000] =	vst v63  }
0xb2: {  	_ =	swait.ge [sflag:s3], $0x2000  }
0xb3: {  	[sflag:s3] =	ssyncset.done $0x0  }
0xb4: {  	[sflag:s3] =	ssyncadd.s32 $0xFFFFE000  }
0xb5: {  	[spmem:s19] =	stream.indirect.scatter.add.f32 [tilespmem:s30], [sflag:$0x7], $0x80, s11, s20, $0xb8;
	[tilespmem:$0x1D000] =	vst v63  }
0xb6: {  	_ =	swait.ge [sflag:s4], $0x2000  }
0xb7: {  	[sflag:s4] =	ssyncset.done $0x0  }
0xb8: {  	[sflag:s4] =	ssyncadd.s32 $0xFFFFE000  }
0xb9: {  	[spmem:s19] =	stream.indirect.scatter.add.f32 [tilespmem:s16], [sflag:$0x8], $0x80, s12, s20, $0xb8;
	[tilespmem:$0x1D000] =	vst v63  }
0xba: {  	_ =	swait.ge [sflag:s5], $0x2000  }
0xbb: {  	[sflag:s5] =	ssyncset.done $0x0  }
0xbc: {  	[sflag:s5] =	ssyncadd.s32 $0xFFFFE000  }
0xbd: {  	_ =	swait.ge [sflag:s6], $0x2000  }
0xbe: {  	[sflag:s6] =	ssyncset.done $0x0  }
0xbf: {  	s14 =	sadd.s32 $0x1, s14;
	[sflag:s6] =	ssyncadd.s32 $0xFFFFE000  }
0xc0: {  	p0 =	sne.s32 s14, $0xA;
	_ =	swait.ge [sflag:s7], $0x2000  }
.Ltmp1:
0xc1: {  	[sflag:s7] =	ssyncset.done $0x0;
	(pc) =	sbr.rel @p0 .LBB2_2-.Ltmp1, $4  }
0xc2: {  	[sflag:s7] =	ssyncadd.s32 $0xFFFFE000  }
0xc3: {  	_ =	swait.ge [sflag:s8], $0x2000  }
0xc4: {  	[sflag:s8] =	ssyncset.done $0x0  }
0xc5: {  	[sflag:s8] =	ssyncadd.s32 $0xFFFFE000  }
0xc6: {  	[bflag:$0x0] =	sbarrier.arrive $0xFFFF  }
0xc7: {  	s17 =	rddreg [dreg:$0x14]  }
0xc8: {  	[tilespmem:s26], [sflag:$0x9] =	stream.linear.gather [spmem:s17], $0x1400, $0x38;
	[tilespmem:$0x1D000] =	vst v63  }
0xc9: {  	_ =	swait.ge [sflag:s15], $0x1400  }
0xca: {  	[sflag:s15] =	ssyncset.done $0x0  }
0xcb: {  	s14 =	rddreg [dreg:$0x4];
	[sflag:s15] =	ssyncadd.s32 $0xFFFFEC00  }
0xcc: {  	[hbm4b:s14+s1] =	stream.linear.scatter [tilespmem:s26], [sflag:$0x9], $0x1400, $0x38;
	[tilespmem:$0x1D000] =	vst v63  }
0xcd: {  	_ =	swait.ge [sflag:s15], $0x1400  }
0xce: {  	[sflag:s15] =	ssyncset.done $0x0  }
0xcf: {  	s24 =	rddreg [dreg:$0x16];
	[sflag:s15] =	ssyncadd.s32 $0xFFFFEC00  }
0xd0: {  	[tilespmem:s26], [sflag:$0x9] =	stream.linear.gather [spmem:s24], $0x1400, $0x38;
	[tilespmem:$0x1D000] =	vst v63  }
0xd1: {  	_ =	swait.ge [sflag:s15], $0x1400  }
0xd2: {  	[sflag:s15] =	ssyncset.done $0x0  }
0xd3: {  	s23 =	rddreg [dreg:$0x5];
	[sflag:s15] =	ssyncadd.s32 $0xFFFFEC00  }
0xd4: {  	[hbm4b:s23+s1] =	stream.linear.scatter [tilespmem:s26], [sflag:$0x9], $0x1400, $0x38;
	[tilespmem:$0x1D000] =	vst v63  }
0xd5: {  	_ =	swait.ge [sflag:s15], $0x1400  }
0xd6: {  	[sflag:s15] =	ssyncset.done $0x0  }
0xd7: {  	s24 =	rddreg [dreg:$0x17];
	[sflag:s15] =	ssyncadd.s32 $0xFFFFEC00  }
0xd8: {  	[tilespmem:s26], [sflag:$0x9] =	stream.linear.gather [spmem:s24], $0x1400, $0x38;
	[tilespmem:$0x1D000] =	vst v63  }
0xd9: {  	_ =	swait.ge [sflag:s15], $0x1400  }
0xda: {  	[sflag:s15] =	ssyncset.done $0x0  }
0xdb: {  	s23 =	rddreg [dreg:$0x6];
	[sflag:s15] =	ssyncadd.s32 $0xFFFFEC00  }
0xdc: {  	[hbm4b:s23+s1] =	stream.linear.scatter [tilespmem:s26], [sflag:$0x9], $0x1400, $0x38;
	[tilespmem:$0x1D000] =	vst v63  }
0xdd: {  	_ =	swait.ge [sflag:s15], $0x1400  }
0xde: {  	[sflag:s15] =	ssyncset.done $0x0  }
0xdf: {  	s24 =	rddreg [dreg:$0x18];
	[sflag:s15] =	ssyncadd.s32 $0xFFFFEC00  }
0xe0: {  	[tilespmem:s26], [sflag:$0x9] =	stream.linear.gather [spmem:s24], $0x1400, $0x38;
	[tilespmem:$0x1D000] =	vst v63  }
0xe1: {  	_ =	swait.ge [sflag:s15], $0x1400  }
0xe2: {  	[sflag:s15] =	ssyncset.done $0x0  }
0xe3: {  	s23 =	rddreg [dreg:$0x7];
	[sflag:s15] =	ssyncadd.s32 $0xFFFFEC00  }
0xe4: {  	[hbm4b:s23+s1] =	stream.linear.scatter [tilespmem:s26], [sflag:$0x9], $0x1400, $0x38;
	[tilespmem:$0x1D000] =	vst v63  }
0xe5: {  	_ =	swait.ge [sflag:s15], $0x1400  }
0xe6: {  	[sflag:s15] =	ssyncset.done $0x0  }
0xe7: {  	s24 =	rddreg [dreg:$0x19];
	[sflag:s15] =	ssyncadd.s32 $0xFFFFEC00  }
0xe8: {  	[tilespmem:s26], [sflag:$0x9] =	stream.linear.gather [spmem:s24], $0x1400, $0x38;
	[tilespmem:$0x1D000] =	vst v63  }
0xe9: {  	_ =	swait.ge [sflag:s15], $0x1400  }
0xea: {  	[sflag:s15] =	ssyncset.done $0x0  }
0xeb: {  	s23 =	rddreg [dreg:$0x8];
	[sflag:s15] =	ssyncadd.s32 $0xFFFFEC00  }
0xec: {  	[hbm4b:s23+s1] =	stream.linear.scatter [tilespmem:s26], [sflag:$0x9], $0x1400, $0x38;
	[tilespmem:$0x1D000] =	vst v63  }
0xed: {  	_ =	swait.ge [sflag:s15], $0x1400  }
0xee: {  	[sflag:s15] =	ssyncset.done $0x0  }
0xef: {  	s24 =	rddreg [dreg:$0x1a];
	[sflag:s15] =	ssyncadd.s32 $0xFFFFEC00  }
0xf0: {  	[tilespmem:s26], [sflag:$0x9] =	stream.linear.gather [spmem:s24], $0x1400, $0x38;
	[tilespmem:$0x1D000] =	vst v63  }
0xf1: {  	_ =	swait.ge [sflag:s15], $0x1400  }
0xf2: {  	[sflag:s15] =	ssyncset.done $0x0  }
0xf3: {  	s23 =	rddreg [dreg:$0x9];
	[sflag:s15] =	ssyncadd.s32 $0xFFFFEC00  }
0xf4: {  	[hbm4b:s23+s1] =	stream.linear.scatter [tilespmem:s26], [sflag:$0x9], $0x1400, $0x38;
	[tilespmem:$0x1D000] =	vst v63  }
0xf5: {  	_ =	swait.ge [sflag:s15], $0x1400  }
0xf6: {  	[sflag:s15] =	ssyncset.done $0x0  }
0xf7: {  	s24 =	rddreg [dreg:$0x1b];
	[sflag:s15] =	ssyncadd.s32 $0xFFFFEC00  }
0xf8: {  	[tilespmem:s26], [sflag:$0x9] =	stream.linear.gather [spmem:s24], $0x1400, $0x38;
	[tilespmem:$0x1D000] =	vst v63  }
0xf9: {  	_ =	swait.ge [sflag:s15], $0x1400  }
0xfa: {  	[sflag:s15] =	ssyncset.done $0x0  }
0xfb: {  	s23 =	rddreg [dreg:$0xa];
	[sflag:s15] =	ssyncadd.s32 $0xFFFFEC00  }
0xfc: {  	[hbm4b:s23+s1] =	stream.linear.scatter [tilespmem:s26], [sflag:$0x9], $0x1400, $0x38;
	[tilespmem:$0x1D000] =	vst v63  }
0xfd: {  	_ =	swait.ge [sflag:s15], $0x1400  }
0xfe: {  	[sflag:s15] =	ssyncset.done $0x0  }
0xff: {  	s24 =	rddreg [dreg:$0x1c];
	[sflag:s15] =	ssyncadd.s32 $0xFFFFEC00  }
0x100: {  	[tilespmem:s26], [sflag:$0x9] =	stream.linear.gather [spmem:s24], $0x1400, $0x38;
	[tilespmem:$0x1D000] =	vst v63  }
0x101: {  	_ =	swait.ge [sflag:s15], $0x1400  }
0x102: {  	[sflag:s15] =	ssyncset.done $0x0  }
0x103: {  	s23 =	rddreg [dreg:$0xb];
	[sflag:s15] =	ssyncadd.s32 $0xFFFFEC00  }
0x104: {  	[hbm4b:s23+s1] =	stream.linear.scatter [tilespmem:s26], [sflag:$0x9], $0x1400, $0x38;
	[tilespmem:$0x1D000] =	vst v63  }
0x105: {  	_ =	swait.ge [sflag:s15], $0x1400  }
0x106: {  	[sflag:s15] =	ssyncset.done $0x0  }
0x107: {  	s24 =	rddreg [dreg:$0x1d];
	[sflag:s15] =	ssyncadd.s32 $0xFFFFEC00  }
0x108: {  	[tilespmem:s26], [sflag:$0x9] =	stream.linear.gather [spmem:s24], $0x1400, $0x38;
	[tilespmem:$0x1D000] =	vst v63  }
0x109: {  	_ =	swait.ge [sflag:s15], $0x1400  }
0x10a: {  	[sflag:s15] =	ssyncset.done $0x0  }
0x10b: {  	s23 =	rddreg [dreg:$0xc];
	[sflag:s15] =	ssyncadd.s32 $0xFFFFEC00  }
0x10c: {  	[hbm4b:s23+s1] =	stream.linear.scatter [tilespmem:s26], [sflag:$0x9], $0x1400, $0x38;
	[tilespmem:$0x1D000] =	vst v63  }
0x10d: {  	_ =	swait.ge [sflag:s15], $0x1400  }
0x10e: {  	[sflag:s15] =	ssyncset.done $0x0  }
0x10f: {  	s24 =	rddreg [dreg:$0x1e];
	[sflag:s15] =	ssyncadd.s32 $0xFFFFEC00  }
0x110: {  	[tilespmem:s26], [sflag:$0x9] =	stream.linear.gather [spmem:s24], $0x1400, $0x38;
	[tilespmem:$0x1D000] =	vst v63  }
0x111: {  	_ =	swait.ge [sflag:s15], $0x1400  }
0x112: {  	[sflag:s15] =	ssyncset.done $0x0  }
0x113: {  	s23 =	rddreg [dreg:$0xd];
	[sflag:s15] =	ssyncadd.s32 $0xFFFFEC00  }
0x114: {  	[hbm4b:s23+s1] =	stream.linear.scatter [tilespmem:s26], [sflag:$0x9], $0x1400, $0x38;
	[tilespmem:$0x1D000] =	vst v63  }
0x115: {  	_ =	swait.ge [sflag:s15], $0x1400  }
0x116: {  	[sflag:s15] =	ssyncset.done $0x0  }
0x117: {  	s24 =	rddreg [dreg:$0x1f];
	[sflag:s15] =	ssyncadd.s32 $0xFFFFEC00  }
0x118: {  	[tilespmem:s26], [sflag:$0x9] =	stream.linear.gather [spmem:s24], $0x1400, $0x38;
	[tilespmem:$0x1D000] =	vst v63  }
0x119: {  	_ =	swait.ge [sflag:s15], $0x1400  }
0x11a: {  	[sflag:s15] =	ssyncset.done $0x0  }
0x11b: {  	s23 =	rddreg [dreg:$0xe];
	[sflag:s15] =	ssyncadd.s32 $0xFFFFEC00  }
0x11c: {  	[hbm4b:s23+s1] =	stream.linear.scatter [tilespmem:s26], [sflag:$0x9], $0x1400, $0x38;
	[tilespmem:$0x1D000] =	vst v63  }
0x11d: {  	_ =	swait.ge [sflag:s15], $0x1400  }
0x11e: {  	s24 =	sld [smem:$0x7F4]  }
0x11f: {  	[sflag:s15] =	ssyncset.done $0x0  }
0x120: {  	[sflag:s15] =	ssyncadd.s32 $0xFFFFEC00  }
0x121: {  	[tilespmem:s26], [sflag:$0x9] =	stream.linear.gather [spmem:s24], $0x1400, $0x38;
	[tilespmem:$0x1D000] =	vst v63  }
0x122: {  	_ =	swait.ge [sflag:s15], $0x1400  }
0x123: {  	[sflag:s15] =	ssyncset.done $0x0  }
0x124: {  	s23 =	rddreg [dreg:$0xf];
	[sflag:s15] =	ssyncadd.s32 $0xFFFFEC00  }
0x125: {  	[hbm4b:s23+s1] =	stream.linear.scatter [tilespmem:s26], [sflag:$0x9], $0x1400, $0x38;
	[tilespmem:$0x1D000] =	vst v63  }
0x126: {  	_ =	swait.ge [sflag:s15], $0x1400  }
0x127: {  	s24 =	sld [smem:$0x7F5]  }
0x128: {  	[sflag:s15] =	ssyncset.done $0x0  }
0x129: {  	[sflag:s15] =	ssyncadd.s32 $0xFFFFEC00  }
0x12a: {  	[tilespmem:s26], [sflag:$0x9] =	stream.linear.gather [spmem:s24], $0x1400, $0x38;
	[tilespmem:$0x1D000] =	vst v63  }
0x12b: {  	_ =	swait.ge [sflag:s15], $0x1400  }
0x12c: {  	[sflag:s15] =	ssyncset.done $0x0  }
0x12d: {  	s23 =	rddreg [dreg:$0x10];
	[sflag:s15] =	ssyncadd.s32 $0xFFFFEC00  }
0x12e: {  	[hbm4b:s23+s1] =	stream.linear.scatter [tilespmem:s26], [sflag:$0x9], $0x1400, $0x38;
	[tilespmem:$0x1D000] =	vst v63  }
0x12f: {  	_ =	swait.ge [sflag:s15], $0x1400  }
0x130: {  	s24 =	sld [smem:$0x7F6]  }
0x131: {  	[sflag:s15] =	ssyncset.done $0x0  }
0x132: {  	[sflag:s15] =	ssyncadd.s32 $0xFFFFEC00  }
0x133: {  	[tilespmem:s26], [sflag:$0x9] =	stream.linear.gather [spmem:s24], $0x1400, $0x38;
	[tilespmem:$0x1D000] =	vst v63  }
0x134: {  	_ =	swait.ge [sflag:s15], $0x1400  }
0x135: {  	[sflag:s15] =	ssyncset.done $0x0  }
0x136: {  	s23 =	rddreg [dreg:$0x11];
	[sflag:s15] =	ssyncadd.s32 $0xFFFFEC00  }
0x137: {  	[hbm4b:s23+s1] =	stream.linear.scatter [tilespmem:s26], [sflag:$0x9], $0x1400, $0x38;
	[tilespmem:$0x1D000] =	vst v63  }
0x138: {  	_ =	swait.ge [sflag:s15], $0x1400  }
0x139: {  	s24 =	sld [smem:$0x7F7]  }
0x13a: {  	[sflag:s15] =	ssyncset.done $0x0  }
0x13b: {  	[sflag:s15] =	ssyncadd.s32 $0xFFFFEC00  }
0x13c: {  	[tilespmem:s26], [sflag:$0x9] =	stream.linear.gather [spmem:s24], $0x1400, $0x38;
	[tilespmem:$0x1D000] =	vst v63  }
0x13d: {  	_ =	swait.ge [sflag:s15], $0x1400  }
0x13e: {  	[sflag:s15] =	ssyncset.done $0x0  }
0x13f: {  	s23 =	rddreg [dreg:$0x12];
	[sflag:s15] =	ssyncadd.s32 $0xFFFFEC00  }
0x140: {  	[hbm4b:s23+s1] =	stream.linear.scatter [tilespmem:s26], [sflag:$0x9], $0x1400, $0x38;
	[tilespmem:$0x1D000] =	vst v63  }
0x141: {  	_ =	swait.ge [sflag:s15], $0x1400  }
0x142: {  	s24 =	sld [smem:$0x7F8]  }
0x143: {  	[sflag:s15] =	ssyncset.done $0x0  }
0x144: {  	[sflag:s15] =	ssyncadd.s32 $0xFFFFEC00  }
0x145: {  	[tilespmem:s26], [sflag:$0x9] =	stream.linear.gather [spmem:s24], $0x1400, $0x38;
	[tilespmem:$0x1D000] =	vst v63  }
0x146: {  	_ =	swait.ge [sflag:s15], $0x1400  }
0x147: {  	[sflag:s15] =	ssyncset.done $0x0  }
0x148: {  	s23 =	rddreg [dreg:$0x13];
	[sflag:s15] =	ssyncadd.s32 $0xFFFFEC00  }
0x149: {  	[hbm4b:s23+s1] =	stream.linear.scatter [tilespmem:s26], [sflag:$0x9], $0x1400, $0x38;
	[tilespmem:$0x1D000] =	vst v63  }
0x14a: {  	_ =	swait.ge [sflag:s15], $0x1400  }
0x14b: {  	s24 =	sld [smem:$0x7F9];
	_ =	sdelay $0x1  }
0x14c: {  	s13 =	sadd.s32 $0x1, s13  }
0x14d: {  	p0 =	sne.s32 s13, s24  }
.Ltmp2:
0x14e: {  	_ = 	snop;
	(pc) =	sbr.rel @p0 .LBB2_1-.Ltmp2, $3  }
0x14f: {  	_ =	sdelay $0x1  }
0x150: {  	[sflag:s15] =	ssyncset.done $0x0  }
0x151: {  	[sflag:s15] =	ssyncadd.s32 $0xFFFFEC00  }
0x152: {  	_ =	sfence.sel $0x180000  }
0x153: {  	[bflag:$0x0] =	sbarrier.arrive $0xFFFF  }
0x154: {  	_ =	strace $0x9000004A  }
0x155: {  	s0 =	stileid.u32;
	[bflag:$0x2] =	sbarrier.arrive $0xFFFF  }
0x156: {  	p0 =	sne.s32 s0, $0x0;
	s0 =	rddreg [dreg:$0x3]  }
0x157: {  	s0 =	sadd.s32 @!p0 $0x100000, s0  }
0x158: {  	[sflag:s0] =	ssyncadd.tile.s32 @!p0 $0x1;
	_ =	shalt  }
.Lfunc_end2:
_tile_overlayer_lowered:
.L_overlay_start_2:
0x159: {  	(tag) =	ssettag $0x2  }
0x15a: {  	s0 =	rddreg [dreg:$0x0];
	s2 =	stileid.u32  }
0x15b: {  	s1 =	rddreg [dreg:$0x1];
	p0 =	sne.s32 s2, $0x0  }
0x15c: {  	s3 =	rddreg [dreg:$0x2];
	[bflag:$0x3] =	sbarrier.arrive $0xFFFF;
	s2 =	simm.s32 @!p0 $0x1C09  }
0x15d: {  	[timem:s3], [sflag:s2] =	dma.local @!p0 [hbm:s0], s1  }
0x15e: {  	s0 =	simm.s32 @!p0 $0x9  }
0x15f: {  	_ =	swait.ge @!p0 [sflag:s0], s1  }
0x160: {  	s1 =	ssub.s32 @!p0 $0x0, s1;
	[sflag:s0] =	ssyncset.done @!p0 $0x0  }
0x161: {  	[sflag:s0] =	ssyncadd.s32 @!p0 s1  }
0x162: {  	[bflag:$0x3] =	sbarrier.arrive $0xFFFF  }
0x163: {  	_ =	shalt  }

</sc_bundles>
